<compile_context>
chip_gen: v7x
topology: tpu7x:2x2x1
jax: 0.10.2.dev20260603
libtpu: 0.0.44.dev20260713+nightly
codegen_flags: <defaults>
</compile_context>

<pallas_src>
import functools

import jax
import jax.numpy as jnp
from jax import lax
from jax.experimental import pallas as pl
from jax.experimental.pallas import tpu as pltpu
from jax.experimental.pallas import tpu_sc as plsc

_NC = 2
_NS = 16
_LANE = 128
_G = 64
_NBUF = 8
_AHEAD = 4


def _rsqrt_v(x):
  i = lax.bitcast_convert_type(x, jnp.int32)
  i = jnp.int32(0x5F3759DF) - (i >> 1)
  y = lax.bitcast_convert_type(i, jnp.float32)
  xh = 0.5 * x
  y = y * (1.5 - xh * y * y)
  y = y * (1.5 - xh * y * y)
  y = y * (1.5 - xh * y * y)
  return y


def _agg_pipeline(K, g_sh, acc_sh, si_v, di_v, rows_v, semg, sems):
  for r in range(_AHEAD):
    pltpu.async_copy(g_sh.at[si_v.at[r]], rows_v.at[r], semg.at[r])

  def body(jj, carry):
    for b in range(4):
      j = 4 * jj + b
      cur = lax.rem(j, _NBUF)
      nxt = lax.rem(j + _AHEAD, _NBUF)
      pltpu.make_async_copy(g_sh.at[si_v.at[j]], rows_v.at[cur],
                            semg.at[cur]).wait()
      pltpu.async_copy(rows_v.at[cur], acc_sh.at[di_v.at[j]], sems.at[cur],
                       add=True)

      @pl.when(j >= _AHEAD)
      def _():
        pltpu.make_async_copy(rows_v.at[nxt], acc_sh.at[di_v.at[j]],
                              sems.at[nxt]).wait()

      @pl.when(j + _AHEAD < K)
      def _():
        pltpu.async_copy(g_sh.at[si_v.at[j + _AHEAD]], rows_v.at[nxt],
                         semg.at[nxt])
    return carry

  lax.fori_loop(0, K // 4, body, 0)
  for r in range(K - _AHEAD, K):
    pltpu.make_async_copy(rows_v.at[r % _NBUF], acc_sh.at[di_v.at[r]],
                          sems.at[r % _NBUF]).wait()


def _sc_deg_agg(N1p, F, K, rpt):
  mesh = plsc.VectorSubcoreMesh(core_axis_name="c", subcore_axis_name="s", num_cores=_NC, num_subcores=_NS)

  @functools.partial(
      pl.kernel,
      out_type=(jax.ShapeDtypeStruct((_NC, N1p, F), jnp.float32),
                jax.ShapeDtypeStruct((N1p, 16), jnp.float32)),
      mesh=mesh,
      scratch_types=[
          pltpu.VMEM((K, _LANE), jnp.int32),
          pltpu.VMEM((K, _LANE), jnp.int32),
          pltpu.VMEM((K, _LANE), jnp.int32),
          pltpu.VMEM((_NBUF, _LANE, F), jnp.float32),
          pltpu.VMEM((rpt, F), jnp.float32),
          pltpu.VMEM((rpt, 16), jnp.float32),
          pltpu.VMEM((rpt, 16), jnp.float32),
          pltpu.VMEM((_LANE, 8), jnp.float32),
          pltpu.VMEM_SHARED((N1p, F), jnp.float32),
          pltpu.VMEM_SHARED((N1p, F), jnp.float32),
          pltpu.VMEM_SHARED((N1p, 8), jnp.float32),
          pltpu.SemaphoreType.DMA((_NBUF,)),
          pltpu.SemaphoreType.DMA((_NBUF,)),
          pltpu.SemaphoreType.DMA((_NBUF,)),
      ],
      compiler_params=pltpu.CompilerParams(use_tc_tiling_on_sc=False),
  )
  def k(h_hbm, src_hbm, dst_hbm, ones_hbm, zeros8_hbm, zerosf_hbm,
        out_hbm, dinv_hbm,
        si_v, di_v, do_v, rows_v, h_v, dg_v, dv_v, ones_v, acc_sh, g_sh,
        deg_sh, semd, semg, sems):
    c = lax.axis_index("c")
    s = lax.axis_index("s")
    w = c * _NS + s
    w2 = (1 - c) * _NS + s
    sl = pl.ds(s * rpt, rpt)
    pltpu.sync_copy(zeros8_hbm.at[sl], deg_sh.at[sl])
    pltpu.sync_copy(dst_hbm.at[pl.ds(w * K, K)], di_v)
    pltpu.sync_copy(dst_hbm.at[pl.ds(w2 * K, K)], do_v)
    pltpu.sync_copy(src_hbm.at[pl.ds(w * K, K)], si_v)
    pltpu.sync_copy(h_hbm.at[sl], h_v)
    pltpu.sync_copy(ones_hbm, ones_v)
    plsc.subcore_barrier()

    def deg_pass(dref):
      for r in range(_NBUF):
        pltpu.async_copy(ones_v, deg_sh.at[dref.at[r]], semd.at[r], add=True)

      def deg_body(j, carry):
        q = lax.rem(j, _NBUF)
        pltpu.make_async_copy(ones_v, deg_sh.at[dref.at[j]],
                              semd.at[q]).wait()
        pltpu.async_copy(ones_v, deg_sh.at[dref.at[j + _NBUF]], semd.at[q],
                         add=True)
        return carry

      lax.fori_loop(0, K - _NBUF, deg_body, 0)
      for r in range(K - _NBUF, K):
        pltpu.make_async_copy(ones_v, deg_sh.at[dref.at[r]],
                              semd.at[r % _NBUF]).wait()

    deg_pass(di_v)
    deg_pass(do_v)
    plsc.subcore_barrier()

    pltpu.sync_copy(deg_sh.at[sl], dg_v.at[pl.ds(0, rpt), pl.ds(0, 8)])
    pltpu.sync_copy(deg_sh.at[sl], dg_v.at[pl.ds(0, rpt), pl.ds(8, 8)])

    def row_body(r, carry):
      y = _rsqrt_v(1.0 + dg_v[r])
      dv_v[r] = y
      h_v[r] = h_v[r] * y
      return carry

    lax.fori_loop(0, rpt, row_body, 0)

    pltpu.sync_copy(h_v, g_sh.at[sl])

    @pl.when(c == 0)
    def _():
      pltpu.sync_copy(h_v, acc_sh.at[sl])
      pltpu.sync_copy(dv_v, dinv_hbm.at[sl])

    @pl.when(c != 0)
    def _():
      pltpu.sync_copy(zerosf_hbm.at[sl], acc_sh.at[sl])

    plsc.subcore_barrier()
    _agg_pipeline(K, g_sh, acc_sh, si_v, di_v, rows_v, semg, sems)
    plsc.subcore_barrier()
    pltpu.sync_copy(acc_sh.at[sl], out_hbm.at[c, sl])

  return k


def _sc_scatter(N1p, F, K, rpt):
  mesh = plsc.VectorSubcoreMesh(core_axis_name="c", subcore_axis_name="s", num_cores=_NC, num_subcores=_NS)

  @functools.partial(
      pl.kernel,
      out_type=jax.ShapeDtypeStruct((_NC, N1p, F), jnp.float32),
      mesh=mesh,
      scratch_types=[
          pltpu.VMEM((K, _LANE), jnp.int32),
          pltpu.VMEM((K, _LANE), jnp.int32),
          pltpu.VMEM((_NBUF, _LANE, F), jnp.float32),
          pltpu.VMEM_SHARED((N1p, F), jnp.float32),
          pltpu.VMEM_SHARED((N1p, F), jnp.float32),
          pltpu.SemaphoreType.DMA((_NBUF,)),
          pltpu.SemaphoreType.DMA((_NBUF,)),
      ],
      compiler_params=pltpu.CompilerParams(use_tc_tiling_on_sc=False),
  )
  def scat_kernel(g_hbm, src_hbm, dst_hbm, zeros_hbm, out_hbm,
                  si_v, di_v, rows_v, acc_sh, g_sh, semg, sems):
    c = lax.axis_index("c")
    s = lax.axis_index("s")
    w = c * _NS + s
    sl = pl.ds(s * rpt, rpt)
    pltpu.sync_copy(g_hbm.at[sl], g_sh.at[sl])

    @pl.when(c == 0)
    def _():
      pltpu.sync_copy(g_hbm.at[sl], acc_sh.at[sl])

    @pl.when(c != 0)
    def _():
      pltpu.sync_copy(zeros_hbm.at[sl], acc_sh.at[sl])

    pltpu.sync_copy(src_hbm.at[pl.ds(w * K, K)], si_v)
    pltpu.sync_copy(dst_hbm.at[pl.ds(w * K, K)], di_v)
    plsc.subcore_barrier()
    _agg_pipeline(K, g_sh, acc_sh, si_v, di_v, rows_v, semg, sems)
    plsc.subcore_barrier()
    pltpu.sync_copy(acc_sh.at[sl], out_hbm.at[c, sl])

  return scat_kernel


def _tc1_body(x_ref, w1_ref, h_ref):
  n = x_ref.shape[0]
  h_ref[pl.ds(0, n), :] = jnp.dot(x_ref[...], w1_ref[...],
                                  preferred_element_type=jnp.float32)
  h_ref[pl.ds(n, h_ref.shape[0] - n), :] = jnp.zeros(
      (h_ref.shape[0] - n, w1_ref.shape[1]), jnp.float32)


def _tc2_body(sp_ref, dinv_ref, b1_ref, w2_ref, g2_ref):
  dinv = dinv_ref[:, 0:1]
  ssum = sp_ref[0] + sp_ref[1]
  a = jnp.maximum(ssum * dinv + b1_ref[...], 0.0)
  g2_ref[...] = (jnp.dot(a, w2_ref[...], preferred_element_type=jnp.float32)
                 * dinv)


def _tc3_body(sp_ref, dinv_ref, b2_ref, batch_ref, wout_ref, bout_ref,
              out_ref):
  n = batch_ref.shape[1]
  dinv = dinv_ref[:, 0:1]
  ssum = sp_ref[0] + sp_ref[1]
  a = jnp.maximum(ssum * dinv + b2_ref[...], 0.0)[:n, :]
  gids = lax.broadcasted_iota(jnp.int32, (_G, n), 0)
  mask = (batch_ref[...] == gids).astype(jnp.float32)
  sums = jnp.dot(mask, a, preferred_element_type=jnp.float32)
  counts = jnp.sum(mask, axis=1, keepdims=True)
  pooled = sums / jnp.maximum(counts, 1.0)
  logits = (jnp.dot(pooled, wout_ref[...], preferred_element_type=jnp.float32)
            + bout_ref[...])
  m = jnp.max(logits, axis=1, keepdims=True)
  z = logits - m
  out_ref[...] = z - jnp.log(jnp.sum(jnp.exp(z), axis=1, keepdims=True))


def kernel(x, edge_index, batch, W1, b1, W2, b2, Wout, bout):
  N, F_IN = x.shape
  H1 = W1.shape[1]
  H2 = W2.shape[1]
  C = Wout.shape[1]
  E = edge_index.shape[1]
  tiles = _NC * _NS
  K = ((-(-E // (tiles * _LANE)) + 7) // 8) * 8
  Ep = tiles * K * _LANE
  N1p = ((N + 1 + 127) // 128) * 128
  rpt = N1p // _NS

  src = edge_index[0].astype(jnp.int32)
  dst = edge_index[1].astype(jnp.int32)
  pad = jnp.full((Ep - E,), N, jnp.int32)
  src2 = jnp.concatenate([src, pad]).reshape(tiles * K, _LANE)
  dst2 = jnp.concatenate([dst, pad]).reshape(tiles * K, _LANE)
  ones8 = jnp.ones((_LANE, 8), jnp.float32)
  zeros8 = jnp.zeros((N1p, 8), jnp.float32)
  zeros1 = jnp.zeros((N1p, H1), jnp.float32)
  zeros2 = jnp.zeros((N1p, H2), jnp.float32)
  batch2 = batch.astype(jnp.int32).reshape(1, N)

  h = pl.pallas_call(
      _tc1_body,
      out_shape=jax.ShapeDtypeStruct((N1p, H1), jnp.float32),
  )(x, W1)

  sp1, dinv = _sc_deg_agg(N1p, H1, K, rpt)(h, src2, dst2, ones8, zeros8,
                                           zeros1)

  g2 = pl.pallas_call(
      _tc2_body,
      out_shape=jax.ShapeDtypeStruct((N1p, H2), jnp.float32),
  )(sp1, dinv, b1.reshape(1, H1), W2)

  sp2 = _sc_scatter(N1p, H2, K, rpt)(g2, src2, dst2, zeros2)

  out = pl.pallas_call(
      _tc3_body,
      out_shape=jax.ShapeDtypeStruct((_G, C), jnp.float32),
  )(sp2, dinv, b2.reshape(1, H2), batch2, Wout, bout.reshape(1, C))
  return out

# --- scband reference (transcript-rebuilt; emitter-appended) ---
"""Pipeline reference for scband-gnn-87325275062864 (READ-ONLY COPY).

The authoritative reference and input builder live on the scoring server;
editing this copy changes nothing except your own understanding.
"""

import jax, jax.numpy as jnp
import numpy as np

N = 10000
E = 320000
F_IN = 128
H1 = 16
H2 = 32
C = 10
G = 64


def setup_inputs(seed: int = 0) -> dict:
    key = jax.random.key(seed)
    ks = jax.random.split(key, 10)
    x = jax.random.normal(ks[0], (N, F_IN), dtype=jnp.float32)
    edge_index = jax.random.randint(ks[1], (2, E), 0, N).astype(jnp.int64)
    batch = jnp.sort(jax.random.randint(ks[2], (N,), 0, G)).astype(jnp.int64)
    W1 = jax.random.normal(ks[3], (F_IN, H1), dtype=jnp.float32) * (1.0 / np.sqrt(F_IN))
    b1 = jnp.zeros((H1,), dtype=jnp.float32)
    W2 = jax.random.normal(ks[4], (H1, H2), dtype=jnp.float32) * (1.0 / np.sqrt(H1))
    b2 = jnp.zeros((H2,), dtype=jnp.float32)
    Wout = jax.random.normal(ks[5], (H2, C), dtype=jnp.float32) * (1.0 / np.sqrt(H2))
    bout = jnp.zeros((C,), dtype=jnp.float32)
    return {"x": x, "edge_index": edge_index, "batch": batch,
            "W1": W1, "b1": b1, "W2": W2, "b2": b2, "Wout": Wout, "bout": bout}


def _gcn_conv(x, edge_index, W, b):
    # PyG GCNConv: linear transform, add self-loops, symmetric normalization, scatter-add
    n = x.shape[0]
    loop = jnp.arange(n, dtype=edge_index.dtype)
    src = jnp.concatenate([edge_index[0], loop])
    dst = jnp.concatenate([edge_index[1], loop])
    h = x @ W
    deg = jnp.zeros((n,), dtype=h.dtype).at[dst].add(1.0)
    deg_inv_sqrt = jnp.where(deg > 0, deg ** -0.5, 0.0)
    norm = deg_inv_sqrt[src] * deg_inv_sqrt[dst]
    msg = h[src] * norm[:, None]
    out = jnp.zeros((n, h.shape[1]), dtype=h.dtype).at[dst].add(msg)
    return out + b


def reference(x, edge_index, batch, W1, b1, W2, b2, Wout, bout):
    h = jax.nn.relu(_gcn_conv(x, edge_index, W1, b1))
    h = jax.nn.relu(_gcn_conv(h, edge_index, W2, b2))
    # global_mean_pool over graph ids
    sums = jax.ops.segment_sum(h, batch, num_segments=G)
    counts = jax.ops.segment_sum(jnp.ones((h.shape[0],), dtype=h.dtype), batch, num_segments=G)
    pooled = sums / jnp.clip(counts, 1.0)[:, None]
    logits = pooled @ Wout + bout
    return jax.nn.log_softmax(logits, axis=1)

if __name__ == "__main__":
    import jax
    _d = setup_inputs()
    print(jax.jit(kernel)(*tuple(_d.values())))

</pallas_src>

<mosaic_0001>
#map = affine_map<(d0, d1) -> (0, 0)>
#map1 = affine_map<(d0, d1) -> (0, 0, 0)>
module attributes {stable_mosaic.version = 14 : i64} {
  func.func @scat_kernel(%arg0: i32, %arg1: i32, %arg2: memref<10112x32xf32, #tpu.memory_space<hbm>>, %arg3: memref<2560x128xi32, #tpu.memory_space<hbm>>, %arg4: memref<2560x128xi32, #tpu.memory_space<hbm>>, %arg5: memref<10112x32xf32, #tpu.memory_space<hbm>>, %arg6: memref<2x10112x32xf32, #tpu.memory_space<hbm>>, %arg7: memref<80x128xi32, #tpu.memory_space<vmem>>, %arg8: memref<80x128xi32, #tpu.memory_space<vmem>>, %arg9: memref<8x128x32xf32, #tpu.memory_space<vmem>>, %arg10: memref<10112x32xf32, #tpu.memory_space<vmem_shared>>, %arg11: memref<10112x32xf32, #tpu.memory_space<vmem_shared>>, %arg12: memref<8x!tpu.dma_semaphore, #tpu.memory_space<semaphore_mem>>, %arg13: memref<8x!tpu.dma_semaphore, #tpu.memory_space<semaphore_mem>>) attributes {dimension_semantics = [#tpu.dimension_semantics<core_parallel>, #tpu.dimension_semantics<subcore_parallel>], iteration_bounds = array<i64: 2, 16>, scalar_prefetch = 0 : i64, scratch_operands = 7 : i64, tpu.core_type = #tpu.core_type<sc_vector_subcore>, window_params = [{transform_indices = #map}, {transform_indices = #map}, {transform_indices = #map}, {transform_indices = #map}, {transform_indices = #map1}]} {
    %mul3A = arith.constant 16 : i32
    %mul3A_0 = arith.muli %arg0, %mul3A : i32
    %add3A = arith.addi %mul3A_0, %arg1 : i32
    %mul3A_1 = arith.constant 632 : i32
    %mul3A_2 = arith.muli %arg1, %mul3A_1 : i32
    "tpu.region"() ({
      %run_scoped3A = tpu.sem_alloc : memref<!tpu.dma_semaphore, #tpu.memory_space<semaphore_mem>>
      %dma_start3A_137 = arith.constant 0 : i32
      %dma_start3A_138 = tpu.memref_slice %arg11[%mul3A_2, %dma_start3A_137] : memref<10112x32xf32, #tpu.memory_space<vmem_shared>> -> memref<632x32xf32, #tpu.memory_space<vmem_shared>>
      %dma_start3A_139 = arith.constant 0 : i32
      %dma_start3A_140 = tpu.memref_slice %arg2[%mul3A_2, %dma_start3A_139] : memref<10112x32xf32, #tpu.memory_space<hbm>> -> memref<632x32xf32, #tpu.memory_space<hbm>>
      tpu.enqueue_dma source(%dma_start3A_140 : memref<632x32xf32, #tpu.memory_space<hbm>>) target(%dma_start3A_138 : memref<632x32xf32, #tpu.memory_space<vmem_shared>>) target_semaphore(%run_scoped3A : memref<!tpu.dma_semaphore, #tpu.memory_space<semaphore_mem>>)
      %dma_wait3A_141 = arith.constant 0 : i32
      %dma_wait3A_142 = tpu.memref_slice %arg11[%mul3A_2, %dma_wait3A_141] : memref<10112x32xf32, #tpu.memory_space<vmem_shared>> -> memref<632x32xf32, #tpu.memory_space<vmem_shared>>
      %dma_wait3A_143 = arith.constant 0 : i32
      %dma_wait3A_144 = tpu.memref_slice %arg2[%mul3A_2, %dma_wait3A_143] : memref<10112x32xf32, #tpu.memory_space<hbm>> -> memref<632x32xf32, #tpu.memory_space<hbm>>
      tpu.wait_dma2 semaphore(%run_scoped3A : memref<!tpu.dma_semaphore, #tpu.memory_space<semaphore_mem>>) src(%dma_wait3A_144 : memref<632x32xf32, #tpu.memory_space<hbm>>) dst(%dma_wait3A_142 : memref<632x32xf32, #tpu.memory_space<vmem_shared>>)
      tpu.yield
    }) : () -> ()
    %eq3A = arith.constant 0 : i32
    %eq3A_3 = arith.cmpi eq, %arg0, %eq3A : i32
    %convert_element_type3A = arith.extui %eq3A_3 : i1 to i32
    %cond3A = arith.constant 0 : i32
    %cond3A_4 = arith.cmpi ne, %convert_element_type3A, %cond3A : i32
    scf.if %cond3A_4 {
      "tpu.region"() ({
        %run_scoped3A = tpu.sem_alloc : memref<!tpu.dma_semaphore, #tpu.memory_space<semaphore_mem>>
        %dma_start3A_137 = arith.constant 0 : i32
        %dma_start3A_138 = tpu.memref_slice %arg10[%mul3A_2, %dma_start3A_137] : memref<10112x32xf32, #tpu.memory_space<vmem_shared>> -> memref<632x32xf32, #tpu.memory_space<vmem_shared>>
        %dma_start3A_139 = arith.constant 0 : i32
        %dma_start3A_140 = tpu.memref_slice %arg2[%mul3A_2, %dma_start3A_139] : memref<10112x32xf32, #tpu.memory_space<hbm>> -> memref<632x32xf32, #tpu.memory_space<hbm>>
        tpu.enqueue_dma source(%dma_start3A_140 : memref<632x32xf32, #tpu.memory_space<hbm>>) target(%dma_start3A_138 : memref<632x32xf32, #tpu.memory_space<vmem_shared>>) target_semaphore(%run_scoped3A : memref<!tpu.dma_semaphore, #tpu.memory_space<semaphore_mem>>)
        %dma_wait3A_141 = arith.constant 0 : i32
        %dma_wait3A_142 = tpu.memref_slice %arg10[%mul3A_2, %dma_wait3A_141] : memref<10112x32xf32, #tpu.memory_space<vmem_shared>> -> memref<632x32xf32, #tpu.memory_space<vmem_shared>>
        %dma_wait3A_143 = arith.constant 0 : i32
        %dma_wait3A_144 = tpu.memref_slice %arg2[%mul3A_2, %dma_wait3A_143] : memref<10112x32xf32, #tpu.memory_space<hbm>> -> memref<632x32xf32, #tpu.memory_space<hbm>>
        tpu.wait_dma2 semaphore(%run_scoped3A : memref<!tpu.dma_semaphore, #tpu.memory_space<semaphore_mem>>) src(%dma_wait3A_144 : memref<632x32xf32, #tpu.memory_space<hbm>>) dst(%dma_wait3A_142 : memref<632x32xf32, #tpu.memory_space<vmem_shared>>)
        tpu.yield
      }) : () -> ()
    } else {
    }
    %ne3A = arith.constant 0 : i32
    %ne3A_5 = arith.cmpi ne, %arg0, %ne3A : i32
    %convert_element_type3A_6 = arith.extui %ne3A_5 : i1 to i32
    %cond3A_7 = arith.constant 0 : i32
    %cond3A_8 = arith.cmpi ne, %convert_element_type3A_6, %cond3A_7 : i32
    scf.if %cond3A_8 {
      "tpu.region"() ({
        %run_scoped3A = tpu.sem_alloc : memref<!tpu.dma_semaphore, #tpu.memory_space<semaphore_mem>>
        %dma_start3A_137 = arith.constant 0 : i32
        %dma_start3A_138 = tpu.memref_slice %arg10[%mul3A_2, %dma_start3A_137] : memref<10112x32xf32, #tpu.memory_space<vmem_shared>> -> memref<632x32xf32, #tpu.memory_space<vmem_shared>>
        %dma_start3A_139 = arith.constant 0 : i32
        %dma_start3A_140 = tpu.memref_slice %arg5[%mul3A_2, %dma_start3A_139] : memref<10112x32xf32, #tpu.memory_space<hbm>> -> memref<632x32xf32, #tpu.memory_space<hbm>>
        tpu.enqueue_dma source(%dma_start3A_140 : memref<632x32xf32, #tpu.memory_space<hbm>>) target(%dma_start3A_138 : memref<632x32xf32, #tpu.memory_space<vmem_shared>>) target_semaphore(%run_scoped3A : memref<!tpu.dma_semaphore, #tpu.memory_space<semaphore_mem>>)
        %dma_wait3A_141 = arith.constant 0 : i32
        %dma_wait3A_142 = tpu.memref_slice %arg10[%mul3A_2, %dma_wait3A_141] : memref<10112x32xf32, #tpu.memory_space<vmem_shared>> -> memref<632x32xf32, #tpu.memory_space<vmem_shared>>
        %dma_wait3A_143 = arith.constant 0 : i32
        %dma_wait3A_144 = tpu.memref_slice %arg5[%mul3A_2, %dma_wait3A_143] : memref<10112x32xf32, #tpu.memory_space<hbm>> -> memref<632x32xf32, #tpu.memory_space<hbm>>
        tpu.wait_dma2 semaphore(%run_scoped3A : memref<!tpu.dma_semaphore, #tpu.memory_space<semaphore_mem>>) src(%dma_wait3A_144 : memref<632x32xf32, #tpu.memory_space<hbm>>) dst(%dma_wait3A_142 : memref<632x32xf32, #tpu.memory_space<vmem_shared>>)
        tpu.yield
      }) : () -> ()
    } else {
    }
    %mul3A_9 = arith.constant 80 : i32
    %mul3A_10 = arith.muli %add3A, %mul3A_9 : i32
    "tpu.region"() ({
      %run_scoped3A = tpu.sem_alloc : memref<!tpu.dma_semaphore, #tpu.memory_space<semaphore_mem>>
      %dma_start3A_137 = arith.constant 0 : i32
      %dma_start3A_138 = tpu.memref_slice %arg3[%mul3A_10, %dma_start3A_137] : memref<2560x128xi32, #tpu.memory_space<hbm>> -> memref<80x128xi32, #tpu.memory_space<hbm>>
      %dma_start3A_139 = arith.constant 0 : i32
      %dma_start3A_140 = tpu.memref_slice %arg3[%mul3A_10, %dma_start3A_139] : memref<2560x128xi32, #tpu.memory_space<hbm>> -> memref<80x128xi32, #tpu.memory_space<hbm>>
      tpu.enqueue_dma source(%dma_start3A_140 : memref<80x128xi32, #tpu.memory_space<hbm>>) target(%arg7 : memref<80x128xi32, #tpu.memory_space<vmem>>) target_semaphore(%run_scoped3A : memref<!tpu.dma_semaphore, #tpu.memory_space<semaphore_mem>>)
      %dma_wait3A_141 = arith.constant 0 : i32
      %dma_wait3A_142 = tpu.memref_slice %arg3[%mul3A_10, %dma_wait3A_141] : memref<2560x128xi32, #tpu.memory_space<hbm>> -> memref<80x128xi32, #tpu.memory_space<hbm>>
      %dma_wait3A_143 = arith.constant 0 : i32
      %dma_wait3A_144 = tpu.memref_slice %arg3[%mul3A_10, %dma_wait3A_143] : memref<2560x128xi32, #tpu.memory_space<hbm>> -> memref<80x128xi32, #tpu.memory_space<hbm>>
      tpu.wait_dma2 semaphore(%run_scoped3A : memref<!tpu.dma_semaphore, #tpu.memory_space<semaphore_mem>>) src(%dma_wait3A_144 : memref<80x128xi32, #tpu.memory_space<hbm>>) dst(%arg7 : memref<80x128xi32, #tpu.memory_space<vmem>>)
      tpu.yield
    }) : () -> ()
    %mul3A_11 = arith.constant 80 : i32
    %mul3A_12 = arith.muli %add3A, %mul3A_11 : i32
    "tpu.region"() ({
      %run_scoped3A = tpu.sem_alloc : memref<!tpu.dma_semaphore, #tpu.memory_space<semaphore_mem>>
      %dma_start3A_137 = arith.constant 0 : i32
      %dma_start3A_138 = tpu.memref_slice %arg4[%mul3A_12, %dma_start3A_137] : memref<2560x128xi32, #tpu.memory_space<hbm>> -> memref<80x128xi32, #tpu.memory_space<hbm>>
      %dma_start3A_139 = arith.constant 0 : i32
      %dma_start3A_140 = tpu.memref_slice %arg4[%mul3A_12, %dma_start3A_139] : memref<2560x128xi32, #tpu.memory_space<hbm>> -> memref<80x128xi32, #tpu.memory_space<hbm>>
      tpu.enqueue_dma source(%dma_start3A_140 : memref<80x128xi32, #tpu.memory_space<hbm>>) target(%arg8 : memref<80x128xi32, #tpu.memory_space<vmem>>) target_semaphore(%run_scoped3A : memref<!tpu.dma_semaphore, #tpu.memory_space<semaphore_mem>>)
      %dma_wait3A_141 = arith.constant 0 : i32
      %dma_wait3A_142 = tpu.memref_slice %arg4[%mul3A_12, %dma_wait3A_141] : memref<2560x128xi32, #tpu.memory_space<hbm>> -> memref<80x128xi32, #tpu.memory_space<hbm>>
      %dma_wait3A_143 = arith.constant 0 : i32
      %dma_wait3A_144 = tpu.memref_slice %arg4[%mul3A_12, %dma_wait3A_143] : memref<2560x128xi32, #tpu.memory_space<hbm>> -> memref<80x128xi32, #tpu.memory_space<hbm>>
      tpu.wait_dma2 semaphore(%run_scoped3A : memref<!tpu.dma_semaphore, #tpu.memory_space<semaphore_mem>>) src(%dma_wait3A_144 : memref<80x128xi32, #tpu.memory_space<hbm>>) dst(%arg8 : memref<80x128xi32, #tpu.memory_space<vmem>>)
      tpu.yield
    }) : () -> ()
    %barrier3A = arith.constant 0 : index
    tpu.barrier barrier_id(%barrier3A)
    %dma_start3A = arith.constant 0 : i32
    %dma_start3A_13 = arith.constant 0 : i32
    %dma_start3A_14 = arith.constant 0 : i32
    %dma_start3A_15 = arith.constant 0 : i32
    %dma_start3A_16 = arith.constant 0 : i32
    %dma_start3A_17 = tpu.memref_slice %arg9[%dma_start3A_13, %dma_start3A_15, %dma_start3A_16] : memref<8x128x32xf32, #tpu.memory_space<vmem>> -> memref<1x128x32xf32, #tpu.memory_space<vmem>>
    %dma_start3A_18 = tpu.memref_squeeze %dma_start3A_17 : memref<1x128x32xf32, #tpu.memory_space<vmem>> -> memref<128x32xf32, #tpu.memory_space<vmem>>
    %dma_start3A_19 = arith.constant 0 : i32
    %dma_start3A_20 = tpu.memref_slice %arg7[%dma_start3A, %dma_start3A_19] : memref<80x128xi32, #tpu.memory_space<vmem>> -> memref<1x128xi32, #tpu.memory_space<vmem>>
    %dma_start3A_21 = tpu.memref_squeeze %dma_start3A_20 : memref<1x128xi32, #tpu.memory_space<vmem>> -> memref<128xi32, #tpu.memory_space<vmem>>
    %dma_start3A_22 = arith.constant 0 : i32
    %dma_start3A_23 = arith.constant 0 : i32
    %dma_start3A_24 = tpu.memref_slice %arg11[%dma_start3A_22, %dma_start3A_23] : memref<10112x32xf32, #tpu.memory_space<vmem_shared>> -> memref<10112x32xf32, #tpu.memory_space<vmem_shared>>
    %dma_start3A_25 = tpu.memref_slice %arg12[%dma_start3A_14] : memref<8x!tpu.dma_semaphore, #tpu.memory_space<semaphore_mem>> -> memref<1x!tpu.dma_semaphore, #tpu.memory_space<semaphore_mem>>
    %dma_start3A_26 = tpu.memref_squeeze %dma_start3A_25 : memref<1x!tpu.dma_semaphore, #tpu.memory_space<semaphore_mem>> -> memref<!tpu.dma_semaphore, #tpu.memory_space<semaphore_mem>>
    tpu.enqueue_indirect_dma source(%dma_start3A_24 : memref<10112x32xf32, #tpu.memory_space<vmem_shared>>) target(%dma_start3A_18 : memref<128x32xf32, #tpu.memory_space<vmem>>) offsets(%dma_start3A_21 : memref<128xi32, #tpu.memory_space<vmem>>) semaphore(%dma_start3A_26 : memref<!tpu.dma_semaphore, #tpu.memory_space<semaphore_mem>>)
    %dma_start3A_27 = arith.constant 1 : i32
    %dma_start3A_28 = arith.constant 1 : i32
    %dma_start3A_29 = arith.constant 1 : i32
    %dma_start3A_30 = arith.constant 0 : i32
    %dma_start3A_31 = arith.constant 0 : i32
    %dma_start3A_32 = tpu.memref_slice %arg9[%dma_start3A_28, %dma_start3A_30, %dma_start3A_31] : memref<8x128x32xf32, #tpu.memory_space<vmem>> -> memref<1x128x32xf32, #tpu.memory_space<vmem>>
    %dma_start3A_33 = tpu.memref_squeeze %dma_start3A_32 : memref<1x128x32xf32, #tpu.memory_space<vmem>> -> memref<128x32xf32, #tpu.memory_space<vmem>>
    %dma_start3A_34 = arith.constant 0 : i32
    %dma_start3A_35 = tpu.memref_slice %arg7[%dma_start3A_27, %dma_start3A_34] : memref<80x128xi32, #tpu.memory_space<vmem>> -> memref<1x128xi32, #tpu.memory_space<vmem>>
    %dma_start3A_36 = tpu.memref_squeeze %dma_start3A_35 : memref<1x128xi32, #tpu.memory_space<vmem>> -> memref<128xi32, #tpu.memory_space<vmem>>
    %dma_start3A_37 = arith.constant 0 : i32
    %dma_start3A_38 = arith.constant 0 : i32
    %dma_start3A_39 = tpu.memref_slice %arg11[%dma_start3A_37, %dma_start3A_38] : memref<10112x32xf32, #tpu.memory_space<vmem_shared>> -> memref<10112x32xf32, #tpu.memory_space<vmem_shared>>
    %dma_start3A_40 = tpu.memref_slice %arg12[%dma_start3A_29] : memref<8x!tpu.dma_semaphore, #tpu.memory_space<semaphore_mem>> -> memref<1x!tpu.dma_semaphore, #tpu.memory_space<semaphore_mem>>
    %dma_start3A_41 = tpu.memref_squeeze %dma_start3A_40 : memref<1x!tpu.dma_semaphore, #tpu.memory_space<semaphore_mem>> -> memref<!tpu.dma_semaphore, #tpu.memory_space<semaphore_mem>>
    tpu.enqueue_indirect_dma source(%dma_start3A_39 : memref<10112x32xf32, #tpu.memory_space<vmem_shared>>) target(%dma_start3A_33 : memref<128x32xf32, #tpu.memory_space<vmem>>) offsets(%dma_start3A_36 : memref<128xi32, #tpu.memory_space<vmem>>) semaphore(%dma_start3A_41 : memref<!tpu.dma_semaphore, #tpu.memory_space<semaphore_mem>>)
    %dma_start3A_42 = arith.constant 2 : i32
    %dma_start3A_43 = arith.constant 2 : i32
    %dma_start3A_44 = arith.constant 2 : i32
    %dma_start3A_45 = arith.constant 0 : i32
    %dma_start3A_46 = arith.constant 0 : i32
    %dma_start3A_47 = tpu.memref_slice %arg9[%dma_start3A_43, %dma_start3A_45, %dma_start3A_46] : memref<8x128x32xf32, #tpu.memory_space<vmem>> -> memref<1x128x32xf32, #tpu.memory_space<vmem>>
    %dma_start3A_48 = tpu.memref_squeeze %dma_start3A_47 : memref<1x128x32xf32, #tpu.memory_space<vmem>> -> memref<128x32xf32, #tpu.memory_space<vmem>>
    %dma_start3A_49 = arith.constant 0 : i32
    %dma_start3A_50 = tpu.memref_slice %arg7[%dma_start3A_42, %dma_start3A_49] : memref<80x128xi32, #tpu.memory_space<vmem>> -> memref<1x128xi32, #tpu.memory_space<vmem>>
    %dma_start3A_51 = tpu.memref_squeeze %dma_start3A_50 : memref<1x128xi32, #tpu.memory_space<vmem>> -> memref<128xi32, #tpu.memory_space<vmem>>
    %dma_start3A_52 = arith.constant 0 : i32
    %dma_start3A_53 = arith.constant 0 : i32
    %dma_start3A_54 = tpu.memref_slice %arg11[%dma_start3A_52, %dma_start3A_53] : memref<10112x32xf32, #tpu.memory_space<vmem_shared>> -> memref<10112x32xf32, #tpu.memory_space<vmem_shared>>
    %dma_start3A_55 = tpu.memref_slice %arg12[%dma_start3A_44] : memref<8x!tpu.dma_semaphore, #tpu.memory_space<semaphore_mem>> -> memref<1x!tpu.dma_semaphore, #tpu.memory_space<semaphore_mem>>
    %dma_start3A_56 = tpu.memref_squeeze %dma_start3A_55 : memref<1x!tpu.dma_semaphore, #tpu.memory_space<semaphore_mem>> -> memref<!tpu.dma_semaphore, #tpu.memory_space<semaphore_mem>>
    tpu.enqueue_indirect_dma source(%dma_start3A_54 : memref<10112x32xf32, #tpu.memory_space<vmem_shared>>) target(%dma_start3A_48 : memref<128x32xf32, #tpu.memory_space<vmem>>) offsets(%dma_start3A_51 : memref<128xi32, #tpu.memory_space<vmem>>) semaphore(%dma_start3A_56 : memref<!tpu.dma_semaphore, #tpu.memory_space<semaphore_mem>>)
    %dma_start3A_57 = arith.constant 3 : i32
    %dma_start3A_58 = arith.constant 3 : i32
    %dma_start3A_59 = arith.constant 3 : i32
    %dma_start3A_60 = arith.constant 0 : i32
    %dma_start3A_61 = arith.constant 0 : i32
    %dma_start3A_62 = tpu.memref_slice %arg9[%dma_start3A_58, %dma_start3A_60, %dma_start3A_61] : memref<8x128x32xf32, #tpu.memory_space<vmem>> -> memref<1x128x32xf32, #tpu.memory_space<vmem>>
    %dma_start3A_63 = tpu.memref_squeeze %dma_start3A_62 : memref<1x128x32xf32, #tpu.memory_space<vmem>> -> memref<128x32xf32, #tpu.memory_space<vmem>>
    %dma_start3A_64 = arith.constant 0 : i32
    %dma_start3A_65 = tpu.memref_slice %arg7[%dma_start3A_57, %dma_start3A_64] : memref<80x128xi32, #tpu.memory_space<vmem>> -> memref<1x128xi32, #tpu.memory_space<vmem>>
    %dma_start3A_66 = tpu.memref_squeeze %dma_start3A_65 : memref<1x128xi32, #tpu.memory_space<vmem>> -> memref<128xi32, #tpu.memory_space<vmem>>
    %dma_start3A_67 = arith.constant 0 : i32
    %dma_start3A_68 = arith.constant 0 : i32
    %dma_start3A_69 = tpu.memref_slice %arg11[%dma_start3A_67, %dma_start3A_68] : memref<10112x32xf32, #tpu.memory_space<vmem_shared>> -> memref<10112x32xf32, #tpu.memory_space<vmem_shared>>
    %dma_start3A_70 = tpu.memref_slice %arg12[%dma_start3A_59] : memref<8x!tpu.dma_semaphore, #tpu.memory_space<semaphore_mem>> -> memref<1x!tpu.dma_semaphore, #tpu.memory_space<semaphore_mem>>
    %dma_start3A_71 = tpu.memref_squeeze %dma_start3A_70 : memref<1x!tpu.dma_semaphore, #tpu.memory_space<semaphore_mem>> -> memref<!tpu.dma_semaphore, #tpu.memory_space<semaphore_mem>>
    tpu.enqueue_indirect_dma source(%dma_start3A_69 : memref<10112x32xf32, #tpu.memory_space<vmem_shared>>) target(%dma_start3A_63 : memref<128x32xf32, #tpu.memory_space<vmem>>) offsets(%dma_start3A_66 : memref<128xi32, #tpu.memory_space<vmem>>) semaphore(%dma_start3A_71 : memref<!tpu.dma_semaphore, #tpu.memory_space<semaphore_mem>>)
    %scan3A = arith.constant 0 : i32
    %scan3A_72 = arith.constant 0 : i32
    %scan3A_73 = arith.constant 20 : i32
    %scan3A_74 = arith.addi %scan3A_72, %scan3A_73 : i32
    %scan3A_75 = arith.constant 1 : i32
    scf.for %scan3A_137 = %scan3A_72 to %scan3A_74 step %scan3A_75  : i32 {
      %mul3A_138 = arith.constant 4 : i32
      %mul3A_139 = arith.muli %mul3A_138, %scan3A_137 : i32
      %add3A_140 = arith.constant 0 : i32
      %add3A_141 = arith.addi %mul3A_139, %add3A_140 : i32
      %rem3A = arith.constant 8 : i32
      %rem3A_142 = arith.remsi %add3A_141, %rem3A : i32
      %add3A_143 = arith.constant 4 : i32
      %add3A_144 = arith.addi %add3A_141, %add3A_143 : i32
      %rem3A_145 = arith.constant 8 : i32
      %rem3A_146 = arith.remsi %add3A_144, %rem3A_145 : i32
      %dma_wait3A_147 = arith.constant 0 : i32
      %dma_wait3A_148 = arith.constant 0 : i32
      %dma_wait3A_149 = tpu.memref_slice %arg9[%rem3A_142, %dma_wait3A_147, %dma_wait3A_148] : memref<8x128x32xf32, #tpu.memory_space<vmem>> -> memref<1x128x32xf32, #tpu.memory_space<vmem>>
      %dma_wait3A_150 = tpu.memref_squeeze %dma_wait3A_149 : memref<1x128x32xf32, #tpu.memory_space<vmem>> -> memref<128x32xf32, #tpu.memory_space<vmem>>
      %dma_wait3A_151 = arith.constant 0 : i32
      %dma_wait3A_152 = tpu.memref_slice %arg7[%add3A_141, %dma_wait3A_151] : memref<80x128xi32, #tpu.memory_space<vmem>> -> memref<1x128xi32, #tpu.memory_space<vmem>>
      %dma_wait3A_153 = tpu.memref_squeeze %dma_wait3A_152 : memref<1x128xi32, #tpu.memory_space<vmem>> -> memref<128xi32, #tpu.memory_space<vmem>>
      %dma_wait3A_154 = arith.constant 0 : i32
      %dma_wait3A_155 = arith.constant 0 : i32
      %dma_wait3A_156 = tpu.memref_slice %arg11[%dma_wait3A_154, %dma_wait3A_155] : memref<10112x32xf32, #tpu.memory_space<vmem_shared>> -> memref<10112x32xf32, #tpu.memory_space<vmem_shared>>
      %dma_wait3A_157 = tpu.memref_slice %arg12[%rem3A_142] : memref<8x!tpu.dma_semaphore, #tpu.memory_space<semaphore_mem>> -> memref<1x!tpu.dma_semaphore, #tpu.memory_space<semaphore_mem>>
      %dma_wait3A_158 = tpu.memref_squeeze %dma_wait3A_157 : memref<1x!tpu.dma_semaphore, #tpu.memory_space<semaphore_mem>> -> memref<!tpu.dma_semaphore, #tpu.memory_space<semaphore_mem>>
      tpu.wait_indirect_dma semaphore(%dma_wait3A_158 : memref<!tpu.dma_semaphore, #tpu.memory_space<semaphore_mem>>) src(%dma_wait3A_156 : memref<10112x32xf32, #tpu.memory_space<vmem_shared>>) dst(%dma_wait3A_150 : memref<128x32xf32, #tpu.memory_space<vmem>>)
      %dma_start3A_159 = arith.constant 0 : i32
      %dma_start3A_160 = arith.constant 0 : i32
      %dma_start3A_161 = tpu.memref_slice %arg9[%rem3A_142, %dma_start3A_159, %dma_start3A_160] : memref<8x128x32xf32, #tpu.memory_space<vmem>> -> memref<1x128x32xf32, #tpu.memory_space<vmem>>
      %dma_start3A_162 = tpu.memref_squeeze %dma_start3A_161 : memref<1x128x32xf32, #tpu.memory_space<vmem>> -> memref<128x32xf32, #tpu.memory_space<vmem>>
      %dma_start3A_163 = arith.constant 0 : i32
      %dma_start3A_164 = tpu.memref_slice %arg8[%add3A_141, %dma_start3A_163] : memref<80x128xi32, #tpu.memory_space<vmem>> -> memref<1x128xi32, #tpu.memory_space<vmem>>
      %dma_start3A_165 = tpu.memref_squeeze %dma_start3A_164 : memref<1x128xi32, #tpu.memory_space<vmem>> -> memref<128xi32, #tpu.memory_space<vmem>>
      %dma_start3A_166 = arith.constant 0 : i32
      %dma_start3A_167 = arith.constant 0 : i32
      %dma_start3A_168 = tpu.memref_slice %arg10[%dma_start3A_166, %dma_start3A_167] : memref<10112x32xf32, #tpu.memory_space<vmem_shared>> -> memref<10112x32xf32, #tpu.memory_space<vmem_shared>>
      %dma_start3A_169 = tpu.memref_slice %arg13[%rem3A_142] : memref<8x!tpu.dma_semaphore, #tpu.memory_space<semaphore_mem>> -> memref<1x!tpu.dma_semaphore, #tpu.memory_space<semaphore_mem>>
      %dma_start3A_170 = tpu.memref_squeeze %dma_start3A_169 : memref<1x!tpu.dma_semaphore, #tpu.memory_space<semaphore_mem>> -> memref<!tpu.dma_semaphore, #tpu.memory_space<semaphore_mem>>
      tpu.enqueue_indirect_dma source(%dma_start3A_162 : memref<128x32xf32, #tpu.memory_space<vmem>>) target(%dma_start3A_168 : memref<10112x32xf32, #tpu.memory_space<vmem_shared>>) offsets(%dma_start3A_165 : memref<128xi32, #tpu.memory_space<vmem>>) semaphore(%dma_start3A_170 : memref<!tpu.dma_semaphore, #tpu.memory_space<semaphore_mem>>) {add = true}
      %ge3A = arith.constant 4 : i32
      %ge3A_171 = arith.cmpi sge, %add3A_141, %ge3A : i32
      %convert_element_type3A_172 = arith.extui %ge3A_171 : i1 to i32
      %cond3A_173 = arith.constant 0 : i32
      %cond3A_174 = arith.cmpi ne, %convert_element_type3A_172, %cond3A_173 : i32
      scf.if %cond3A_174 {
        %dma_wait3A_319 = arith.constant 0 : i32
        %dma_wait3A_320 = arith.constant 0 : i32
        %dma_wait3A_321 = tpu.memref_slice %arg9[%rem3A_146, %dma_wait3A_319, %dma_wait3A_320] : memref<8x128x32xf32, #tpu.memory_space<vmem>> -> memref<1x128x32xf32, #tpu.memory_space<vmem>>
        %dma_wait3A_322 = tpu.memref_squeeze %dma_wait3A_321 : memref<1x128x32xf32, #tpu.memory_space<vmem>> -> memref<128x32xf32, #tpu.memory_space<vmem>>
        %dma_wait3A_323 = arith.constant 0 : i32
        %dma_wait3A_324 = tpu.memref_slice %arg8[%add3A_141, %dma_wait3A_323] : memref<80x128xi32, #tpu.memory_space<vmem>> -> memref<1x128xi32, #tpu.memory_space<vmem>>
        %dma_wait3A_325 = tpu.memref_squeeze %dma_wait3A_324 : memref<1x128xi32, #tpu.memory_space<vmem>> -> memref<128xi32, #tpu.memory_space<vmem>>
        %dma_wait3A_326 = arith.constant 0 : i32
        %dma_wait3A_327 = arith.constant 0 : i32
        %dma_wait3A_328 = tpu.memref_slice %arg10[%dma_wait3A_326, %dma_wait3A_327] : memref<10112x32xf32, #tpu.memory_space<vmem_shared>> -> memref<10112x32xf32, #tpu.memory_space<vmem_shared>>
        %dma_wait3A_329 = tpu.memref_slice %arg13[%rem3A_146] : memref<8x!tpu.dma_semaphore, #tpu.memory_space<semaphore_mem>> -> memref<1x!tpu.dma_semaphore, #tpu.memory_space<semaphore_mem>>
        %dma_wait3A_330 = tpu.memref_squeeze %dma_wait3A_329 : memref<1x!tpu.dma_semaphore, #tpu.memory_space<semaphore_mem>> -> memref<!tpu.dma_semaphore, #tpu.memory_space<semaphore_mem>>
        tpu.wait_indirect_dma semaphore(%dma_wait3A_330 : memref<!tpu.dma_semaphore, #tpu.memory_space<semaphore_mem>>) src(%dma_wait3A_322 : memref<128x32xf32, #tpu.memory_space<vmem>>) dst(%dma_wait3A_328 : memref<10112x32xf32, #tpu.memory_space<vmem_shared>>)
      } else {
      }
      %add3A_175 = arith.constant 4 : i32
      %add3A_176 = arith.addi %add3A_141, %add3A_175 : i32
      %lt3A = arith.constant 80 : i32
      %lt3A_177 = arith.cmpi slt, %add3A_176, %lt3A : i32
      %convert_element_type3A_178 = arith.extui %lt3A_177 : i1 to i32
      %cond3A_179 = arith.constant 0 : i32
      %cond3A_180 = arith.cmpi ne, %convert_element_type3A_178, %cond3A_179 : i32
      scf.if %cond3A_180 {
        %add3A_319 = arith.constant 4 : i32
        %add3A_320 = arith.addi %add3A_141, %add3A_319 : i32
        %dma_start3A_321 = arith.constant 0 : i32
        %dma_start3A_322 = arith.constant 0 : i32
        %dma_start3A_323 = tpu.memref_slice %arg9[%rem3A_146, %dma_start3A_321, %dma_start3A_322] : memref<8x128x32xf32, #tpu.memory_space<vmem>> -> memref<1x128x32xf32, #tpu.memory_space<vmem>>
        %dma_start3A_324 = tpu.memref_squeeze %dma_start3A_323 : memref<1x128x32xf32, #tpu.memory_space<vmem>> -> memref<128x32xf32, #tpu.memory_space<vmem>>
        %dma_start3A_325 = arith.constant 0 : i32
        %dma_start3A_326 = tpu.memref_slice %arg7[%add3A_320, %dma_start3A_325] : memref<80x128xi32, #tpu.memory_space<vmem>> -> memref<1x128xi32, #tpu.memory_space<vmem>>
        %dma_start3A_327 = tpu.memref_squeeze %dma_start3A_326 : memref<1x128xi32, #tpu.memory_space<vmem>> -> memref<128xi32, #tpu.memory_space<vmem>>
        %dma_start3A_328 = arith.constant 0 : i32
        %dma_start3A_329 = arith.constant 0 : i32
        %dma_start3A_330 = tpu.memref_slice %arg11[%dma_start3A_328, %dma_start3A_329] : memref<10112x32xf32, #tpu.memory_space<vmem_shared>> -> memref<10112x32xf32, #tpu.memory_space<vmem_shared>>
        %dma_start3A_331 = tpu.memref_slice %arg12[%rem3A_146] : memref<8x!tpu.dma_semaphore, #tpu.memory_space<semaphore_mem>> -> memref<1x!tpu.dma_semaphore, #tpu.memory_space<semaphore_mem>>
        %dma_start3A_332 = tpu.memref_squeeze %dma_start3A_331 : memref<1x!tpu.dma_semaphore, #tpu.memory_space<semaphore_mem>> -> memref<!tpu.dma_semaphore, #tpu.memory_space<semaphore_mem>>
        tpu.enqueue_indirect_dma source(%dma_start3A_330 : memref<10112x32xf32, #tpu.memory_space<vmem_shared>>) target(%dma_start3A_324 : memref<128x32xf32, #tpu.memory_space<vmem>>) offsets(%dma_start3A_327 : memref<128xi32, #tpu.memory_space<vmem>>) semaphore(%dma_start3A_332 : memref<!tpu.dma_semaphore, #tpu.memory_space<semaphore_mem>>)
      } else {
      }
      %mul3A_181 = arith.constant 4 : i32
      %mul3A_182 = arith.muli %mul3A_181, %scan3A_137 : i32
      %add3A_183 = arith.constant 1 : i32
      %add3A_184 = arith.addi %mul3A_182, %add3A_183 : i32
      %rem3A_185 = arith.constant 8 : i32
      %rem3A_186 = arith.remsi %add3A_184, %rem3A_185 : i32
      %add3A_187 = arith.constant 4 : i32
      %add3A_188 = arith.addi %add3A_184, %add3A_187 : i32
      %rem3A_189 = arith.constant 8 : i32
      %rem3A_190 = arith.remsi %add3A_188, %rem3A_189 : i32
      %dma_wait3A_191 = arith.constant 0 : i32
      %dma_wait3A_192 = arith.constant 0 : i32
      %dma_wait3A_193 = tpu.memref_slice %arg9[%rem3A_186, %dma_wait3A_191, %dma_wait3A_192] : memref<8x128x32xf32, #tpu.memory_space<vmem>> -> memref<1x128x32xf32, #tpu.memory_space<vmem>>
      %dma_wait3A_194 = tpu.memref_squeeze %dma_wait3A_193 : memref<1x128x32xf32, #tpu.memory_space<vmem>> -> memref<128x32xf32, #tpu.memory_space<vmem>>
      %dma_wait3A_195 = arith.constant 0 : i32
      %dma_wait3A_196 = tpu.memref_slice %arg7[%add3A_184, %dma_wait3A_195] : memref<80x128xi32, #tpu.memory_space<vmem>> -> memref<1x128xi32, #tpu.memory_space<vmem>>
      %dma_wait3A_197 = tpu.memref_squeeze %dma_wait3A_196 : memref<1x128xi32, #tpu.memory_space<vmem>> -> memref<128xi32, #tpu.memory_space<vmem>>
      %dma_wait3A_198 = arith.constant 0 : i32
      %dma_wait3A_199 = arith.constant 0 : i32
      %dma_wait3A_200 = tpu.memref_slice %arg11[%dma_wait3A_198, %dma_wait3A_199] : memref<10112x32xf32, #tpu.memory_space<vmem_shared>> -> memref<10112x32xf32, #tpu.memory_space<vmem_shared>>
      %dma_wait3A_201 = tpu.memref_slice %arg12[%rem3A_186] : memref<8x!tpu.dma_semaphore, #tpu.memory_space<semaphore_mem>> -> memref<1x!tpu.dma_semaphore, #tpu.memory_space<semaphore_mem>>
      %dma_wait3A_202 = tpu.memref_squeeze %dma_wait3A_201 : memref<1x!tpu.dma_semaphore, #tpu.memory_space<semaphore_mem>> -> memref<!tpu.dma_semaphore, #tpu.memory_space<semaphore_mem>>
      tpu.wait_indirect_dma semaphore(%dma_wait3A_202 : memref<!tpu.dma_semaphore, #tpu.memory_space<semaphore_mem>>) src(%dma_wait3A_200 : memref<10112x32xf32, #tpu.memory_space<vmem_shared>>) dst(%dma_wait3A_194 : memref<128x32xf32, #tpu.memory_space<vmem>>)
      %dma_start3A_203 = arith.constant 0 : i32
      %dma_start3A_204 = arith.constant 0 : i32
      %dma_start3A_205 = tpu.memref_slice %arg9[%rem3A_186, %dma_start3A_203, %dma_start3A_204] : memref<8x128x32xf32, #tpu.memory_space<vmem>> -> memref<1x128x32xf32, #tpu.memory_space<vmem>>
      %dma_start3A_206 = tpu.memref_squeeze %dma_start3A_205 : memref<1x128x32xf32, #tpu.memory_space<vmem>> -> memref<128x32xf32, #tpu.memory_space<vmem>>
      %dma_start3A_207 = arith.constant 0 : i32
      %dma_start3A_208 = tpu.memref_slice %arg8[%add3A_184, %dma_start3A_207] : memref<80x128xi32, #tpu.memory_space<vmem>> -> memref<1x128xi32, #tpu.memory_space<vmem>>
      %dma_start3A_209 = tpu.memref_squeeze %dma_start3A_208 : memref<1x128xi32, #tpu.memory_space<vmem>> -> memref<128xi32, #tpu.memory_space<vmem>>
      %dma_start3A_210 = arith.constant 0 : i32
      %dma_start3A_211 = arith.constant 0 : i32
      %dma_start3A_212 = tpu.memref_slice %arg10[%dma_start3A_210, %dma_start3A_211] : memref<10112x32xf32, #tpu.memory_space<vmem_shared>> -> memref<10112x32xf32, #tpu.memory_space<vmem_shared>>
      %dma_start3A_213 = tpu.memref_slice %arg13[%rem3A_186] : memref<8x!tpu.dma_semaphore, #tpu.memory_space<semaphore_mem>> -> memref<1x!tpu.dma_semaphore, #tpu.memory_space<semaphore_mem>>
      %dma_start3A_214 = tpu.memref_squeeze %dma_start3A_213 : memref<1x!tpu.dma_semaphore, #tpu.memory_space<semaphore_mem>> -> memref<!tpu.dma_semaphore, #tpu.memory_space<semaphore_mem>>
      tpu.enqueue_indirect_dma source(%dma_start3A_206 : memref<128x32xf32, #tpu.memory_space<vmem>>) target(%dma_start3A_212 : memref<10112x32xf32, #tpu.memory_space<vmem_shared>>) offsets(%dma_start3A_209 : memref<128xi32, #tpu.memory_space<vmem>>) semaphore(%dma_start3A_214 : memref<!tpu.dma_semaphore, #tpu.memory_space<semaphore_mem>>) {add = true}
      %ge3A_215 = arith.constant 4 : i32
      %ge3A_216 = arith.cmpi sge, %add3A_184, %ge3A_215 : i32
      %convert_element_type3A_217 = arith.extui %ge3A_216 : i1 to i32
      %cond3A_218 = arith.constant 0 : i32
      %cond3A_219 = arith.cmpi ne, %convert_element_type3A_217, %cond3A_218 : i32
      scf.if %cond3A_219 {
        %dma_wait3A_319 = arith.constant 0 : i32
        %dma_wait3A_320 = arith.constant 0 : i32
        %dma_wait3A_321 = tpu.memref_slice %arg9[%rem3A_190, %dma_wait3A_319, %dma_wait3A_320] : memref<8x128x32xf32, #tpu.memory_space<vmem>> -> memref<1x128x32xf32, #tpu.memory_space<vmem>>
        %dma_wait3A_322 = tpu.memref_squeeze %dma_wait3A_321 : memref<1x128x32xf32, #tpu.memory_space<vmem>> -> memref<128x32xf32, #tpu.memory_space<vmem>>
        %dma_wait3A_323 = arith.constant 0 : i32
        %dma_wait3A_324 = tpu.memref_slice %arg8[%add3A_184, %dma_wait3A_323] : memref<80x128xi32, #tpu.memory_space<vmem>> -> memref<1x128xi32, #tpu.memory_space<vmem>>
        %dma_wait3A_325 = tpu.memref_squeeze %dma_wait3A_324 : memref<1x128xi32, #tpu.memory_space<vmem>> -> memref<128xi32, #tpu.memory_space<vmem>>
        %dma_wait3A_326 = arith.constant 0 : i32
        %dma_wait3A_327 = arith.constant 0 : i32
        %dma_wait3A_328 = tpu.memref_slice %arg10[%dma_wait3A_326, %dma_wait3A_327] : memref<10112x32xf32, #tpu.memory_space<vmem_shared>> -> memref<10112x32xf32, #tpu.memory_space<vmem_shared>>
        %dma_wait3A_329 = tpu.memref_slice %arg13[%rem3A_190] : memref<8x!tpu.dma_semaphore, #tpu.memory_space<semaphore_mem>> -> memref<1x!tpu.dma_semaphore, #tpu.memory_space<semaphore_mem>>
        %dma_wait3A_330 = tpu.memref_squeeze %dma_wait3A_329 : memref<1x!tpu.dma_semaphore, #tpu.memory_space<semaphore_mem>> -> memref<!tpu.dma_semaphore, #tpu.memory_space<semaphore_mem>>
        tpu.wait_indirect_dma semaphore(%dma_wait3A_330 : memref<!tpu.dma_semaphore, #tpu.memory_space<semaphore_mem>>) src(%dma_wait3A_322 : memref<128x32xf32, #tpu.memory_space<vmem>>) dst(%dma_wait3A_328 : memref<10112x32xf32, #tpu.memory_space<vmem_shared>>)
      } else {
      }
      %add3A_220 = arith.constant 4 : i32
      %add3A_221 = arith.addi %add3A_184, %add3A_220 : i32
      %lt3A_222 = arith.constant 80 : i32
      %lt3A_223 = arith.cmpi slt, %add3A_221, %lt3A_222 : i32
      %convert_element_type3A_224 = arith.extui %lt3A_223 : i1 to i32
      %cond3A_225 = arith.constant 0 : i32
      %cond3A_226 = arith.cmpi ne, %convert_element_type3A_224, %cond3A_225 : i32
      scf.if %cond3A_226 {
        %add3A_319 = arith.constant 4 : i32
        %add3A_320 = arith.addi %add3A_184, %add3A_319 : i32
        %dma_start3A_321 = arith.constant 0 : i32
        %dma_start3A_322 = arith.constant 0 : i32
        %dma_start3A_323 = tpu.memref_slice %arg9[%rem3A_190, %dma_start3A_321, %dma_start3A_322] : memref<8x128x32xf32, #tpu.memory_space<vmem>> -> memref<1x128x32xf32, #tpu.memory_space<vmem>>
        %dma_start3A_324 = tpu.memref_squeeze %dma_start3A_323 : memref<1x128x32xf32, #tpu.memory_space<vmem>> -> memref<128x32xf32, #tpu.memory_space<vmem>>
        %dma_start3A_325 = arith.constant 0 : i32
        %dma_start3A_326 = tpu.memref_slice %arg7[%add3A_320, %dma_start3A_325] : memref<80x128xi32, #tpu.memory_space<vmem>> -> memref<1x128xi32, #tpu.memory_space<vmem>>
        %dma_start3A_327 = tpu.memref_squeeze %dma_start3A_326 : memref<1x128xi32, #tpu.memory_space<vmem>> -> memref<128xi32, #tpu.memory_space<vmem>>
        %dma_start3A_328 = arith.constant 0 : i32
        %dma_start3A_329 = arith.constant 0 : i32
        %dma_start3A_330 = tpu.memref_slice %arg11[%dma_start3A_328, %dma_start3A_329] : memref<10112x32xf32, #tpu.memory_space<vmem_shared>> -> memref<10112x32xf32, #tpu.memory_space<vmem_shared>>
        %dma_start3A_331 = tpu.memref_slice %arg12[%rem3A_190] : memref<8x!tpu.dma_semaphore, #tpu.memory_space<semaphore_mem>> -> memref<1x!tpu.dma_semaphore, #tpu.memory_space<semaphore_mem>>
        %dma_start3A_332 = tpu.memref_squeeze %dma_start3A_331 : memref<1x!tpu.dma_semaphore, #tpu.memory_space<semaphore_mem>> -> memref<!tpu.dma_semaphore, #tpu.memory_space<semaphore_mem>>
        tpu.enqueue_indirect_dma source(%dma_start3A_330 : memref<10112x32xf32, #tpu.memory_space<vmem_shared>>) target(%dma_start3A_324 : memref<128x32xf32, #tpu.memory_space<vmem>>) offsets(%dma_start3A_327 : memref<128xi32, #tpu.memory_space<vmem>>) semaphore(%dma_start3A_332 : memref<!tpu.dma_semaphore, #tpu.memory_space<semaphore_mem>>)
      } else {
      }
      %mul3A_227 = arith.constant 4 : i32
      %mul3A_228 = arith.muli %mul3A_227, %scan3A_137 : i32
      %add3A_229 = arith.constant 2 : i32
      %add3A_230 = arith.addi %mul3A_228, %add3A_229 : i32
      %rem3A_231 = arith.constant 8 : i32
      %rem3A_232 = arith.remsi %add3A_230, %rem3A_231 : i32
      %add3A_233 = arith.constant 4 : i32
      %add3A_234 = arith.addi %add3A_230, %add3A_233 : i32
      %rem3A_235 = arith.constant 8 : i32
      %rem3A_236 = arith.remsi %add3A_234, %rem3A_235 : i32
      %dma_wait3A_237 = arith.constant 0 : i32
      %dma_wait3A_238 = arith.constant 0 : i32
      %dma_wait3A_239 = tpu.memref_slice %arg9[%rem3A_232, %dma_wait3A_237, %dma_wait3A_238] : memref<8x128x32xf32, #tpu.memory_space<vmem>> -> memref<1x128x32xf32, #tpu.memory_space<vmem>>
      %dma_wait3A_240 = tpu.memref_squeeze %dma_wait3A_239 : memref<1x128x32xf32, #tpu.memory_space<vmem>> -> memref<128x32xf32, #tpu.memory_space<vmem>>
      %dma_wait3A_241 = arith.constant 0 : i32
      %dma_wait3A_242 = tpu.memref_slice %arg7[%add3A_230, %dma_wait3A_241] : memref<80x128xi32, #tpu.memory_space<vmem>> -> memref<1x128xi32, #tpu.memory_space<vmem>>
      %dma_wait3A_243 = tpu.memref_squeeze %dma_wait3A_242 : memref<1x128xi32, #tpu.memory_space<vmem>> -> memref<128xi32, #tpu.memory_space<vmem>>
      %dma_wait3A_244 = arith.constant 0 : i32
      %dma_wait3A_245 = arith.constant 0 : i32
      %dma_wait3A_246 = tpu.memref_slice %arg11[%dma_wait3A_244, %dma_wait3A_245] : memref<10112x32xf32, #tpu.memory_space<vmem_shared>> -> memref<10112x32xf32, #tpu.memory_space<vmem_shared>>
      %dma_wait3A_247 = tpu.memref_slice %arg12[%rem3A_232] : memref<8x!tpu.dma_semaphore, #tpu.memory_space<semaphore_mem>> -> memref<1x!tpu.dma_semaphore, #tpu.memory_space<semaphore_mem>>
      %dma_wait3A_248 = tpu.memref_squeeze %dma_wait3A_247 : memref<1x!tpu.dma_semaphore, #tpu.memory_space<semaphore_mem>> -> memref<!tpu.dma_semaphore, #tpu.memory_space<semaphore_mem>>
      tpu.wait_indirect_dma semaphore(%dma_wait3A_248 : memref<!tpu.dma_semaphore, #tpu.memory_space<semaphore_mem>>) src(%dma_wait3A_246 : memref<10112x32xf32, #tpu.memory_space<vmem_shared>>) dst(%dma_wait3A_240 : memref<128x32xf32, #tpu.memory_space<vmem>>)
      %dma_start3A_249 = arith.constant 0 : i32
      %dma_start3A_250 = arith.constant 0 : i32
      %dma_start3A_251 = tpu.memref_slice %arg9[%rem3A_232, %dma_start3A_249, %dma_start3A_250] : memref<8x128x32xf32, #tpu.memory_space<vmem>> -> memref<1x128x32xf32, #tpu.memory_space<vmem>>
      %dma_start3A_252 = tpu.memref_squeeze %dma_start3A_251 : memref<1x128x32xf32, #tpu.memory_space<vmem>> -> memref<128x32xf32, #tpu.memory_space<vmem>>
      %dma_start3A_253 = arith.constant 0 : i32
      %dma_start3A_254 = tpu.memref_slice %arg8[%add3A_230, %dma_start3A_253] : memref<80x128xi32, #tpu.memory_space<vmem>> -> memref<1x128xi32, #tpu.memory_space<vmem>>
      %dma_start3A_255 = tpu.memref_squeeze %dma_start3A_254 : memref<1x128xi32, #tpu.memory_space<vmem>> -> memref<128xi32, #tpu.memory_space<vmem>>
      %dma_start3A_256 = arith.constant 0 : i32
      %dma_start3A_257 = arith.constant 0 : i32
      %dma_start3A_258 = tpu.memref_slice %arg10[%dma_start3A_256, %dma_start3A_257] : memref<10112x32xf32, #tpu.memory_space<vmem_shared>> -> memref<10112x32xf32, #tpu.memory_space<vmem_shared>>
      %dma_start3A_259 = tpu.memref_slice %arg13[%rem3A_232] : memref<8x!tpu.dma_semaphore, #tpu.memory_space<semaphore_mem>> -> memref<1x!tpu.dma_semaphore, #tpu.memory_space<semaphore_mem>>
      %dma_start3A_260 = tpu.memref_squeeze %dma_start3A_259 : memref<1x!tpu.dma_semaphore, #tpu.memory_space<semaphore_mem>> -> memref<!tpu.dma_semaphore, #tpu.memory_space<semaphore_mem>>
      tpu.enqueue_indirect_dma source(%dma_start3A_252 : memref<128x32xf32, #tpu.memory_space<vmem>>) target(%dma_start3A_258 : memref<10112x32xf32, #tpu.memory_space<vmem_shared>>) offsets(%dma_start3A_255 : memref<128xi32, #tpu.memory_space<vmem>>) semaphore(%dma_start3A_260 : memref<!tpu.dma_semaphore, #tpu.memory_space<semaphore_mem>>) {add = true}
      %ge3A_261 = arith.constant 4 : i32
      %ge3A_262 = arith.cmpi sge, %add3A_230, %ge3A_261 : i32
      %convert_element_type3A_263 = arith.extui %ge3A_262 : i1 to i32
      %cond3A_264 = arith.constant 0 : i32
      %cond3A_265 = arith.cmpi ne, %convert_element_type3A_263, %cond3A_264 : i32
      scf.if %cond3A_265 {
        %dma_wait3A_319 = arith.constant 0 : i32
        %dma_wait3A_320 = arith.constant 0 : i32
        %dma_wait3A_321 = tpu.memref_slice %arg9[%rem3A_236, %dma_wait3A_319, %dma_wait3A_320] : memref<8x128x32xf32, #tpu.memory_space<vmem>> -> memref<1x128x32xf32, #tpu.memory_space<vmem>>
        %dma_wait3A_322 = tpu.memref_squeeze %dma_wait3A_321 : memref<1x128x32xf32, #tpu.memory_space<vmem>> -> memref<128x32xf32, #tpu.memory_space<vmem>>
        %dma_wait3A_323 = arith.constant 0 : i32
        %dma_wait3A_324 = tpu.memref_slice %arg8[%add3A_230, %dma_wait3A_323] : memref<80x128xi32, #tpu.memory_space<vmem>> -> memref<1x128xi32, #tpu.memory_space<vmem>>
        %dma_wait3A_325 = tpu.memref_squeeze %dma_wait3A_324 : memref<1x128xi32, #tpu.memory_space<vmem>> -> memref<128xi32, #tpu.memory_space<vmem>>
        %dma_wait3A_326 = arith.constant 0 : i32
        %dma_wait3A_327 = arith.constant 0 : i32
        %dma_wait3A_328 = tpu.memref_slice %arg10[%dma_wait3A_326, %dma_wait3A_327] : memref<10112x32xf32, #tpu.memory_space<vmem_shared>> -> memref<10112x32xf32, #tpu.memory_space<vmem_shared>>
        %dma_wait3A_329 = tpu.memref_slice %arg13[%rem3A_236] : memref<8x!tpu.dma_semaphore, #tpu.memory_space<semaphore_mem>> -> memref<1x!tpu.dma_semaphore, #tpu.memory_space<semaphore_mem>>
        %dma_wait3A_330 = tpu.memref_squeeze %dma_wait3A_329 : memref<1x!tpu.dma_semaphore, #tpu.memory_space<semaphore_mem>> -> memref<!tpu.dma_semaphore, #tpu.memory_space<semaphore_mem>>
        tpu.wait_indirect_dma semaphore(%dma_wait3A_330 : memref<!tpu.dma_semaphore, #tpu.memory_space<semaphore_mem>>) src(%dma_wait3A_322 : memref<128x32xf32, #tpu.memory_space<vmem>>) dst(%dma_wait3A_328 : memref<10112x32xf32, #tpu.memory_space<vmem_shared>>)
      } else {
      }
      %add3A_266 = arith.constant 4 : i32
      %add3A_267 = arith.addi %add3A_230, %add3A_266 : i32
      %lt3A_268 = arith.constant 80 : i32
      %lt3A_269 = arith.cmpi slt, %add3A_267, %lt3A_268 : i32
      %convert_element_type3A_270 = arith.extui %lt3A_269 : i1 to i32
      %cond3A_271 = arith.constant 0 : i32
      %cond3A_272 = arith.cmpi ne, %convert_element_type3A_270, %cond3A_271 : i32
      scf.if %cond3A_272 {
        %add3A_319 = arith.constant 4 : i32
        %add3A_320 = arith.addi %add3A_230, %add3A_319 : i32
        %dma_start3A_321 = arith.constant 0 : i32
        %dma_start3A_322 = arith.constant 0 : i32
        %dma_start3A_323 = tpu.memref_slice %arg9[%rem3A_236, %dma_start3A_321, %dma_start3A_322] : memref<8x128x32xf32, #tpu.memory_space<vmem>> -> memref<1x128x32xf32, #tpu.memory_space<vmem>>
        %dma_start3A_324 = tpu.memref_squeeze %dma_start3A_323 : memref<1x128x32xf32, #tpu.memory_space<vmem>> -> memref<128x32xf32, #tpu.memory_space<vmem>>
        %dma_start3A_325 = arith.constant 0 : i32
        %dma_start3A_326 = tpu.memref_slice %arg7[%add3A_320, %dma_start3A_325] : memref<80x128xi32, #tpu.memory_space<vmem>> -> memref<1x128xi32, #tpu.memory_space<vmem>>
        %dma_start3A_327 = tpu.memref_squeeze %dma_start3A_326 : memref<1x128xi32, #tpu.memory_space<vmem>> -> memref<128xi32, #tpu.memory_space<vmem>>
        %dma_start3A_328 = arith.constant 0 : i32
        %dma_start3A_329 = arith.constant 0 : i32
        %dma_start3A_330 = tpu.memref_slice %arg11[%dma_start3A_328, %dma_start3A_329] : memref<10112x32xf32, #tpu.memory_space<vmem_shared>> -> memref<10112x32xf32, #tpu.memory_space<vmem_shared>>
        %dma_start3A_331 = tpu.memref_slice %arg12[%rem3A_236] : memref<8x!tpu.dma_semaphore, #tpu.memory_space<semaphore_mem>> -> memref<1x!tpu.dma_semaphore, #tpu.memory_space<semaphore_mem>>
        %dma_start3A_332 = tpu.memref_squeeze %dma_start3A_331 : memref<1x!tpu.dma_semaphore, #tpu.memory_space<semaphore_mem>> -> memref<!tpu.dma_semaphore, #tpu.memory_space<semaphore_mem>>
        tpu.enqueue_indirect_dma source(%dma_start3A_330 : memref<10112x32xf32, #tpu.memory_space<vmem_shared>>) target(%dma_start3A_324 : memref<128x32xf32, #tpu.memory_space<vmem>>) offsets(%dma_start3A_327 : memref<128xi32, #tpu.memory_space<vmem>>) semaphore(%dma_start3A_332 : memref<!tpu.dma_semaphore, #tpu.memory_space<semaphore_mem>>)
      } else {
      }
      %mul3A_273 = arith.constant 4 : i32
      %mul3A_274 = arith.muli %mul3A_273, %scan3A_137 : i32
      %add3A_275 = arith.constant 3 : i32
      %add3A_276 = arith.addi %mul3A_274, %add3A_275 : i32
      %rem3A_277 = arith.constant 8 : i32
      %rem3A_278 = arith.remsi %add3A_276, %rem3A_277 : i32
      %add3A_279 = arith.constant 4 : i32
      %add3A_280 = arith.addi %add3A_276, %add3A_279 : i32
      %rem3A_281 = arith.constant 8 : i32
      %rem3A_282 = arith.remsi %add3A_280, %rem3A_281 : i32
      %dma_wait3A_283 = arith.constant 0 : i32
      %dma_wait3A_284 = arith.constant 0 : i32
      %dma_wait3A_285 = tpu.memref_slice %arg9[%rem3A_278, %dma_wait3A_283, %dma_wait3A_284] : memref<8x128x32xf32, #tpu.memory_space<vmem>> -> memref<1x128x32xf32, #tpu.memory_space<vmem>>
      %dma_wait3A_286 = tpu.memref_squeeze %dma_wait3A_285 : memref<1x128x32xf32, #tpu.memory_space<vmem>> -> memref<128x32xf32, #tpu.memory_space<vmem>>
      %dma_wait3A_287 = arith.constant 0 : i32
      %dma_wait3A_288 = tpu.memref_slice %arg7[%add3A_276, %dma_wait3A_287] : memref<80x128xi32, #tpu.memory_space<vmem>> -> memref<1x128xi32, #tpu.memory_space<vmem>>
      %dma_wait3A_289 = tpu.memref_squeeze %dma_wait3A_288 : memref<1x128xi32, #tpu.memory_space<vmem>> -> memref<128xi32, #tpu.memory_space<vmem>>
      %dma_wait3A_290 = arith.constant 0 : i32
      %dma_wait3A_291 = arith.constant 0 : i32
      %dma_wait3A_292 = tpu.memref_slice %arg11[%dma_wait3A_290, %dma_wait3A_291] : memref<10112x32xf32, #tpu.memory_space<vmem_shared>> -> memref<10112x32xf32, #tpu.memory_space<vmem_shared>>
      %dma_wait3A_293 = tpu.memref_slice %arg12[%rem3A_278] : memref<8x!tpu.dma_semaphore, #tpu.memory_space<semaphore_mem>> -> memref<1x!tpu.dma_semaphore, #tpu.memory_space<semaphore_mem>>
      %dma_wait3A_294 = tpu.memref_squeeze %dma_wait3A_293 : memref<1x!tpu.dma_semaphore, #tpu.memory_space<semaphore_mem>> -> memref<!tpu.dma_semaphore, #tpu.memory_space<semaphore_mem>>
      tpu.wait_indirect_dma semaphore(%dma_wait3A_294 : memref<!tpu.dma_semaphore, #tpu.memory_space<semaphore_mem>>) src(%dma_wait3A_292 : memref<10112x32xf32, #tpu.memory_space<vmem_shared>>) dst(%dma_wait3A_286 : memref<128x32xf32, #tpu.memory_space<vmem>>)
      %dma_start3A_295 = arith.constant 0 : i32
      %dma_start3A_296 = arith.constant 0 : i32
      %dma_start3A_297 = tpu.memref_slice %arg9[%rem3A_278, %dma_start3A_295, %dma_start3A_296] : memref<8x128x32xf32, #tpu.memory_space<vmem>> -> memref<1x128x32xf32, #tpu.memory_space<vmem>>
      %dma_start3A_298 = tpu.memref_squeeze %dma_start3A_297 : memref<1x128x32xf32, #tpu.memory_space<vmem>> -> memref<128x32xf32, #tpu.memory_space<vmem>>
      %dma_start3A_299 = arith.constant 0 : i32
      %dma_start3A_300 = tpu.memref_slice %arg8[%add3A_276, %dma_start3A_299] : memref<80x128xi32, #tpu.memory_space<vmem>> -> memref<1x128xi32, #tpu.memory_space<vmem>>
      %dma_start3A_301 = tpu.memref_squeeze %dma_start3A_300 : memref<1x128xi32, #tpu.memory_space<vmem>> -> memref<128xi32, #tpu.memory_space<vmem>>
      %dma_start3A_302 = arith.constant 0 : i32
      %dma_start3A_303 = arith.constant 0 : i32
      %dma_start3A_304 = tpu.memref_slice %arg10[%dma_start3A_302, %dma_start3A_303] : memref<10112x32xf32, #tpu.memory_space<vmem_shared>> -> memref<10112x32xf32, #tpu.memory_space<vmem_shared>>
      %dma_start3A_305 = tpu.memref_slice %arg13[%rem3A_278] : memref<8x!tpu.dma_semaphore, #tpu.memory_space<semaphore_mem>> -> memref<1x!tpu.dma_semaphore, #tpu.memory_space<semaphore_mem>>
      %dma_start3A_306 = tpu.memref_squeeze %dma_start3A_305 : memref<1x!tpu.dma_semaphore, #tpu.memory_space<semaphore_mem>> -> memref<!tpu.dma_semaphore, #tpu.memory_space<semaphore_mem>>
      tpu.enqueue_indirect_dma source(%dma_start3A_298 : memref<128x32xf32, #tpu.memory_space<vmem>>) target(%dma_start3A_304 : memref<10112x32xf32, #tpu.memory_space<vmem_shared>>) offsets(%dma_start3A_301 : memref<128xi32, #tpu.memory_space<vmem>>) semaphore(%dma_start3A_306 : memref<!tpu.dma_semaphore, #tpu.memory_space<semaphore_mem>>) {add = true}
      %ge3A_307 = arith.constant 4 : i32
      %ge3A_308 = arith.cmpi sge, %add3A_276, %ge3A_307 : i32
      %convert_element_type3A_309 = arith.extui %ge3A_308 : i1 to i32
      %cond3A_310 = arith.constant 0 : i32
      %cond3A_311 = arith.cmpi ne, %convert_element_type3A_309, %cond3A_310 : i32
      scf.if %cond3A_311 {
        %dma_wait3A_319 = arith.constant 0 : i32
        %dma_wait3A_320 = arith.constant 0 : i32
        %dma_wait3A_321 = tpu.memref_slice %arg9[%rem3A_282, %dma_wait3A_319, %dma_wait3A_320] : memref<8x128x32xf32, #tpu.memory_space<vmem>> -> memref<1x128x32xf32, #tpu.memory_space<vmem>>
        %dma_wait3A_322 = tpu.memref_squeeze %dma_wait3A_321 : memref<1x128x32xf32, #tpu.memory_space<vmem>> -> memref<128x32xf32, #tpu.memory_space<vmem>>
        %dma_wait3A_323 = arith.constant 0 : i32
        %dma_wait3A_324 = tpu.memref_slice %arg8[%add3A_276, %dma_wait3A_323] : memref<80x128xi32, #tpu.memory_space<vmem>> -> memref<1x128xi32, #tpu.memory_space<vmem>>
        %dma_wait3A_325 = tpu.memref_squeeze %dma_wait3A_324 : memref<1x128xi32, #tpu.memory_space<vmem>> -> memref<128xi32, #tpu.memory_space<vmem>>
        %dma_wait3A_326 = arith.constant 0 : i32
        %dma_wait3A_327 = arith.constant 0 : i32
        %dma_wait3A_328 = tpu.memref_slice %arg10[%dma_wait3A_326, %dma_wait3A_327] : memref<10112x32xf32, #tpu.memory_space<vmem_shared>> -> memref<10112x32xf32, #tpu.memory_space<vmem_shared>>
        %dma_wait3A_329 = tpu.memref_slice %arg13[%rem3A_282] : memref<8x!tpu.dma_semaphore, #tpu.memory_space<semaphore_mem>> -> memref<1x!tpu.dma_semaphore, #tpu.memory_space<semaphore_mem>>
        %dma_wait3A_330 = tpu.memref_squeeze %dma_wait3A_329 : memref<1x!tpu.dma_semaphore, #tpu.memory_space<semaphore_mem>> -> memref<!tpu.dma_semaphore, #tpu.memory_space<semaphore_mem>>
        tpu.wait_indirect_dma semaphore(%dma_wait3A_330 : memref<!tpu.dma_semaphore, #tpu.memory_space<semaphore_mem>>) src(%dma_wait3A_322 : memref<128x32xf32, #tpu.memory_space<vmem>>) dst(%dma_wait3A_328 : memref<10112x32xf32, #tpu.memory_space<vmem_shared>>)
      } else {
      }
      %add3A_312 = arith.constant 4 : i32
      %add3A_313 = arith.addi %add3A_276, %add3A_312 : i32
      %lt3A_314 = arith.constant 80 : i32
      %lt3A_315 = arith.cmpi slt, %add3A_313, %lt3A_314 : i32
      %convert_element_type3A_316 = arith.extui %lt3A_315 : i1 to i32
      %cond3A_317 = arith.constant 0 : i32
      %cond3A_318 = arith.cmpi ne, %convert_element_type3A_316, %cond3A_317 : i32
      scf.if %cond3A_318 {
        %add3A_319 = arith.constant 4 : i32
        %add3A_320 = arith.addi %add3A_276, %add3A_319 : i32
        %dma_start3A_321 = arith.constant 0 : i32
        %dma_start3A_322 = arith.constant 0 : i32
        %dma_start3A_323 = tpu.memref_slice %arg9[%rem3A_282, %dma_start3A_321, %dma_start3A_322] : memref<8x128x32xf32, #tpu.memory_space<vmem>> -> memref<1x128x32xf32, #tpu.memory_space<vmem>>
        %dma_start3A_324 = tpu.memref_squeeze %dma_start3A_323 : memref<1x128x32xf32, #tpu.memory_space<vmem>> -> memref<128x32xf32, #tpu.memory_space<vmem>>
        %dma_start3A_325 = arith.constant 0 : i32
        %dma_start3A_326 = tpu.memref_slice %arg7[%add3A_320, %dma_start3A_325] : memref<80x128xi32, #tpu.memory_space<vmem>> -> memref<1x128xi32, #tpu.memory_space<vmem>>
        %dma_start3A_327 = tpu.memref_squeeze %dma_start3A_326 : memref<1x128xi32, #tpu.memory_space<vmem>> -> memref<128xi32, #tpu.memory_space<vmem>>
        %dma_start3A_328 = arith.constant 0 : i32
        %dma_start3A_329 = arith.constant 0 : i32
        %dma_start3A_330 = tpu.memref_slice %arg11[%dma_start3A_328, %dma_start3A_329] : memref<10112x32xf32, #tpu.memory_space<vmem_shared>> -> memref<10112x32xf32, #tpu.memory_space<vmem_shared>>
        %dma_start3A_331 = tpu.memref_slice %arg12[%rem3A_282] : memref<8x!tpu.dma_semaphore, #tpu.memory_space<semaphore_mem>> -> memref<1x!tpu.dma_semaphore, #tpu.memory_space<semaphore_mem>>
        %dma_start3A_332 = tpu.memref_squeeze %dma_start3A_331 : memref<1x!tpu.dma_semaphore, #tpu.memory_space<semaphore_mem>> -> memref<!tpu.dma_semaphore, #tpu.memory_space<semaphore_mem>>
        tpu.enqueue_indirect_dma source(%dma_start3A_330 : memref<10112x32xf32, #tpu.memory_space<vmem_shared>>) target(%dma_start3A_324 : memref<128x32xf32, #tpu.memory_space<vmem>>) offsets(%dma_start3A_327 : memref<128xi32, #tpu.memory_space<vmem>>) semaphore(%dma_start3A_332 : memref<!tpu.dma_semaphore, #tpu.memory_space<semaphore_mem>>)
      } else {
      }
    }
    %scan3A_76 = arith.constant 20 : i32
    %dma_wait3A = arith.constant 4 : i32
    %dma_wait3A_77 = arith.constant 76 : i32
    %dma_wait3A_78 = arith.constant 4 : i32
    %dma_wait3A_79 = arith.constant 0 : i32
    %dma_wait3A_80 = arith.constant 0 : i32
    %dma_wait3A_81 = tpu.memref_slice %arg9[%dma_wait3A, %dma_wait3A_79, %dma_wait3A_80] : memref<8x128x32xf32, #tpu.memory_space<vmem>> -> memref<1x128x32xf32, #tpu.memory_space<vmem>>
    %dma_wait3A_82 = tpu.memref_squeeze %dma_wait3A_81 : memref<1x128x32xf32, #tpu.memory_space<vmem>> -> memref<128x32xf32, #tpu.memory_space<vmem>>
    %dma_wait3A_83 = arith.constant 0 : i32
    %dma_wait3A_84 = tpu.memref_slice %arg8[%dma_wait3A_77, %dma_wait3A_83] : memref<80x128xi32, #tpu.memory_space<vmem>> -> memref<1x128xi32, #tpu.memory_space<vmem>>
    %dma_wait3A_85 = tpu.memref_squeeze %dma_wait3A_84 : memref<1x128xi32, #tpu.memory_space<vmem>> -> memref<128xi32, #tpu.memory_space<vmem>>
    %dma_wait3A_86 = arith.constant 0 : i32
    %dma_wait3A_87 = arith.constant 0 : i32
    %dma_wait3A_88 = tpu.memref_slice %arg10[%dma_wait3A_86, %dma_wait3A_87] : memref<10112x32xf32, #tpu.memory_space<vmem_shared>> -> memref<10112x32xf32, #tpu.memory_space<vmem_shared>>
    %dma_wait3A_89 = tpu.memref_slice %arg13[%dma_wait3A_78] : memref<8x!tpu.dma_semaphore, #tpu.memory_space<semaphore_mem>> -> memref<1x!tpu.dma_semaphore, #tpu.memory_space<semaphore_mem>>
    %dma_wait3A_90 = tpu.memref_squeeze %dma_wait3A_89 : memref<1x!tpu.dma_semaphore, #tpu.memory_space<semaphore_mem>> -> memref<!tpu.dma_semaphore, #tpu.memory_space<semaphore_mem>>
    tpu.wait_indirect_dma semaphore(%dma_wait3A_90 : memref<!tpu.dma_semaphore, #tpu.memory_space<semaphore_mem>>) src(%dma_wait3A_82 : memref<128x32xf32, #tpu.memory_space<vmem>>) dst(%dma_wait3A_88 : memref<10112x32xf32, #tpu.memory_space<vmem_shared>>)
    %dma_wait3A_91 = arith.constant 5 : i32
    %dma_wait3A_92 = arith.constant 77 : i32
    %dma_wait3A_93 = arith.constant 5 : i32
    %dma_wait3A_94 = arith.constant 0 : i32
    %dma_wait3A_95 = arith.constant 0 : i32
    %dma_wait3A_96 = tpu.memref_slice %arg9[%dma_wait3A_91, %dma_wait3A_94, %dma_wait3A_95] : memref<8x128x32xf32, #tpu.memory_space<vmem>> -> memref<1x128x32xf32, #tpu.memory_space<vmem>>
    %dma_wait3A_97 = tpu.memref_squeeze %dma_wait3A_96 : memref<1x128x32xf32, #tpu.memory_space<vmem>> -> memref<128x32xf32, #tpu.memory_space<vmem>>
    %dma_wait3A_98 = arith.constant 0 : i32
    %dma_wait3A_99 = tpu.memref_slice %arg8[%dma_wait3A_92, %dma_wait3A_98] : memref<80x128xi32, #tpu.memory_space<vmem>> -> memref<1x128xi32, #tpu.memory_space<vmem>>
    %dma_wait3A_100 = tpu.memref_squeeze %dma_wait3A_99 : memref<1x128xi32, #tpu.memory_space<vmem>> -> memref<128xi32, #tpu.memory_space<vmem>>
    %dma_wait3A_101 = arith.constant 0 : i32
    %dma_wait3A_102 = arith.constant 0 : i32
    %dma_wait3A_103 = tpu.memref_slice %arg10[%dma_wait3A_101, %dma_wait3A_102] : memref<10112x32xf32, #tpu.memory_space<vmem_shared>> -> memref<10112x32xf32, #tpu.memory_space<vmem_shared>>
    %dma_wait3A_104 = tpu.memref_slice %arg13[%dma_wait3A_93] : memref<8x!tpu.dma_semaphore, #tpu.memory_space<semaphore_mem>> -> memref<1x!tpu.dma_semaphore, #tpu.memory_space<semaphore_mem>>
    %dma_wait3A_105 = tpu.memref_squeeze %dma_wait3A_104 : memref<1x!tpu.dma_semaphore, #tpu.memory_space<semaphore_mem>> -> memref<!tpu.dma_semaphore, #tpu.memory_space<semaphore_mem>>
    tpu.wait_indirect_dma semaphore(%dma_wait3A_105 : memref<!tpu.dma_semaphore, #tpu.memory_space<semaphore_mem>>) src(%dma_wait3A_97 : memref<128x32xf32, #tpu.memory_space<vmem>>) dst(%dma_wait3A_103 : memref<10112x32xf32, #tpu.memory_space<vmem_shared>>)
    %dma_wait3A_106 = arith.constant 6 : i32
    %dma_wait3A_107 = arith.constant 78 : i32
    %dma_wait3A_108 = arith.constant 6 : i32
    %dma_wait3A_109 = arith.constant 0 : i32
    %dma_wait3A_110 = arith.constant 0 : i32
    %dma_wait3A_111 = tpu.memref_slice %arg9[%dma_wait3A_106, %dma_wait3A_109, %dma_wait3A_110] : memref<8x128x32xf32, #tpu.memory_space<vmem>> -> memref<1x128x32xf32, #tpu.memory_space<vmem>>
    %dma_wait3A_112 = tpu.memref_squeeze %dma_wait3A_111 : memref<1x128x32xf32, #tpu.memory_space<vmem>> -> memref<128x32xf32, #tpu.memory_space<vmem>>
    %dma_wait3A_113 = arith.constant 0 : i32
    %dma_wait3A_114 = tpu.memref_slice %arg8[%dma_wait3A_107, %dma_wait3A_113] : memref<80x128xi32, #tpu.memory_space<vmem>> -> memref<1x128xi32, #tpu.memory_space<vmem>>
    %dma_wait3A_115 = tpu.memref_squeeze %dma_wait3A_114 : memref<1x128xi32, #tpu.memory_space<vmem>> -> memref<128xi32, #tpu.memory_space<vmem>>
    %dma_wait3A_116 = arith.constant 0 : i32
    %dma_wait3A_117 = arith.constant 0 : i32
    %dma_wait3A_118 = tpu.memref_slice %arg10[%dma_wait3A_116, %dma_wait3A_117] : memref<10112x32xf32, #tpu.memory_space<vmem_shared>> -> memref<10112x32xf32, #tpu.memory_space<vmem_shared>>
    %dma_wait3A_119 = tpu.memref_slice %arg13[%dma_wait3A_108] : memref<8x!tpu.dma_semaphore, #tpu.memory_space<semaphore_mem>> -> memref<1x!tpu.dma_semaphore, #tpu.memory_space<semaphore_mem>>
    %dma_wait3A_120 = tpu.memref_squeeze %dma_wait3A_119 : memref<1x!tpu.dma_semaphore, #tpu.memory_space<semaphore_mem>> -> memref<!tpu.dma_semaphore, #tpu.memory_space<semaphore_mem>>
    tpu.wait_indirect_dma semaphore(%dma_wait3A_120 : memref<!tpu.dma_semaphore, #tpu.memory_space<semaphore_mem>>) src(%dma_wait3A_112 : memref<128x32xf32, #tpu.memory_space<vmem>>) dst(%dma_wait3A_118 : memref<10112x32xf32, #tpu.memory_space<vmem_shared>>)
    %dma_wait3A_121 = arith.constant 7 : i32
    %dma_wait3A_122 = arith.constant 79 : i32
    %dma_wait3A_123 = arith.constant 7 : i32
    %dma_wait3A_124 = arith.constant 0 : i32
    %dma_wait3A_125 = arith.constant 0 : i32
    %dma_wait3A_126 = tpu.memref_slice %arg9[%dma_wait3A_121, %dma_wait3A_124, %dma_wait3A_125] : memref<8x128x32xf32, #tpu.memory_space<vmem>> -> memref<1x128x32xf32, #tpu.memory_space<vmem>>
    %dma_wait3A_127 = tpu.memref_squeeze %dma_wait3A_126 : memref<1x128x32xf32, #tpu.memory_space<vmem>> -> memref<128x32xf32, #tpu.memory_space<vmem>>
    %dma_wait3A_128 = arith.constant 0 : i32
    %dma_wait3A_129 = tpu.memref_slice %arg8[%dma_wait3A_122, %dma_wait3A_128] : memref<80x128xi32, #tpu.memory_space<vmem>> -> memref<1x128xi32, #tpu.memory_space<vmem>>
    %dma_wait3A_130 = tpu.memref_squeeze %dma_wait3A_129 : memref<1x128xi32, #tpu.memory_space<vmem>> -> memref<128xi32, #tpu.memory_space<vmem>>
    %dma_wait3A_131 = arith.constant 0 : i32
    %dma_wait3A_132 = arith.constant 0 : i32
    %dma_wait3A_133 = tpu.memref_slice %arg10[%dma_wait3A_131, %dma_wait3A_132] : memref<10112x32xf32, #tpu.memory_space<vmem_shared>> -> memref<10112x32xf32, #tpu.memory_space<vmem_shared>>
    %dma_wait3A_134 = tpu.memref_slice %arg13[%dma_wait3A_123] : memref<8x!tpu.dma_semaphore, #tpu.memory_space<semaphore_mem>> -> memref<1x!tpu.dma_semaphore, #tpu.memory_space<semaphore_mem>>
    %dma_wait3A_135 = tpu.memref_squeeze %dma_wait3A_134 : memref<1x!tpu.dma_semaphore, #tpu.memory_space<semaphore_mem>> -> memref<!tpu.dma_semaphore, #tpu.memory_space<semaphore_mem>>
    tpu.wait_indirect_dma semaphore(%dma_wait3A_135 : memref<!tpu.dma_semaphore, #tpu.memory_space<semaphore_mem>>) src(%dma_wait3A_127 : memref<128x32xf32, #tpu.memory_space<vmem>>) dst(%dma_wait3A_133 : memref<10112x32xf32, #tpu.memory_space<vmem_shared>>)
    %barrier3A_136 = arith.constant 0 : index
    tpu.barrier barrier_id(%barrier3A_136)
    "tpu.region"() ({
      %run_scoped3A = tpu.sem_alloc : memref<!tpu.dma_semaphore, #tpu.memory_space<semaphore_mem>>
      %dma_start3A_137 = arith.constant 0 : i32
      %dma_start3A_138 = tpu.memref_slice %arg6[%arg0, %mul3A_2, %dma_start3A_137] : memref<2x10112x32xf32, #tpu.memory_space<hbm>> -> memref<1x632x32xf32, #tpu.memory_space<hbm>>
      %dma_start3A_139 = tpu.memref_squeeze %dma_start3A_138 : memref<1x632x32xf32, #tpu.memory_space<hbm>> -> memref<632x32xf32, #tpu.memory_space<hbm>>
      %dma_start3A_140 = arith.constant 0 : i32
      %dma_start3A_141 = tpu.memref_slice %arg10[%mul3A_2, %dma_start3A_140] : memref<10112x32xf32, #tpu.memory_space<vmem_shared>> -> memref<632x32xf32, #tpu.memory_space<vmem_shared>>
      tpu.enqueue_dma source(%dma_start3A_141 : memref<632x32xf32, #tpu.memory_space<vmem_shared>>) target(%dma_start3A_139 : memref<632x32xf32, #tpu.memory_space<hbm>>) target_semaphore(%run_scoped3A : memref<!tpu.dma_semaphore, #tpu.memory_space<semaphore_mem>>)
      %dma_wait3A_142 = arith.constant 0 : i32
      %dma_wait3A_143 = tpu.memref_slice %arg6[%arg0, %mul3A_2, %dma_wait3A_142] : memref<2x10112x32xf32, #tpu.memory_space<hbm>> -> memref<1x632x32xf32, #tpu.memory_space<hbm>>
      %dma_wait3A_144 = tpu.memref_squeeze %dma_wait3A_143 : memref<1x632x32xf32, #tpu.memory_space<hbm>> -> memref<632x32xf32, #tpu.memory_space<hbm>>
      %dma_wait3A_145 = arith.constant 0 : i32
      %dma_wait3A_146 = tpu.memref_slice %arg10[%mul3A_2, %dma_wait3A_145] : memref<10112x32xf32, #tpu.memory_space<vmem_shared>> -> memref<632x32xf32, #tpu.memory_space<vmem_shared>>
      tpu.wait_dma2 semaphore(%run_scoped3A : memref<!tpu.dma_semaphore, #tpu.memory_space<semaphore_mem>>) src(%dma_wait3A_146 : memref<632x32xf32, #tpu.memory_space<vmem_shared>>) dst(%dma_wait3A_144 : memref<632x32xf32, #tpu.memory_space<hbm>>)
      tpu.yield
    }) : () -> ()
    return
  }
}

#map = affine_map<(d0, d1) -> (0, 0)>
#map1 = affine_map<(d0, d1) -> (0, 0, 0)>
module attributes {stable_mosaic.version = 14 : i64} {
  func.func @k(%arg0: i32, %arg1: i32, %arg2: memref<10112x16xf32, #tpu.memory_space<hbm>>, %arg3: memref<2560x128xi32, #tpu.memory_space<hbm>>, %arg4: memref<2560x128xi32, #tpu.memory_space<hbm>>, %arg5: memref<128x8xf32, #tpu.memory_space<hbm>>, %arg6: memref<10112x8xf32, #tpu.memory_space<hbm>>, %arg7: memref<10112x16xf32, #tpu.memory_space<hbm>>, %arg8: memref<2x10112x16xf32, #tpu.memory_space<hbm>>, %arg9: memref<10112x16xf32, #tpu.memory_space<hbm>>, %arg10: memref<80x128xi32, #tpu.memory_space<vmem>>, %arg11: memref<80x128xi32, #tpu.memory_space<vmem>>, %arg12: memref<80x128xi32, #tpu.memory_space<vmem>>, %arg13: memref<8x128x16xf32, #tpu.memory_space<vmem>>, %arg14: memref<632x16xf32, #tpu.memory_space<vmem>>, %arg15: memref<632x16xf32, #tpu.memory_space<vmem>>, %arg16: memref<632x16xf32, #tpu.memory_space<vmem>>, %arg17: memref<128x8xf32, #tpu.memory_space<vmem>>, %arg18: memref<10112x16xf32, #tpu.memory_space<vmem_shared>>, %arg19: memref<10112x16xf32, #tpu.memory_space<vmem_shared>>, %arg20: memref<10112x8xf32, #tpu.memory_space<vmem_shared>>, %arg21: memref<8x!tpu.dma_semaphore, #tpu.memory_space<semaphore_mem>>, %arg22: memref<8x!tpu.dma_semaphore, #tpu.memory_space<semaphore_mem>>, %arg23: memref<8x!tpu.dma_semaphore, #tpu.memory_space<semaphore_mem>>) attributes {dimension_semantics = [#tpu.dimension_semantics<core_parallel>, #tpu.dimension_semantics<subcore_parallel>], iteration_bounds = array<i64: 2, 16>, scalar_prefetch = 0 : i64, scratch_operands = 14 : i64, tpu.core_type = #tpu.core_type<sc_vector_subcore>, window_params = [{transform_indices = #map}, {transform_indices = #map}, {transform_indices = #map}, {transform_indices = #map}, {transform_indices = #map}, {transform_indices = #map}, {transform_indices = #map1}, {transform_indices = #map}]} {
    %mul3A = arith.constant 16 : i32
    %mul3A_0 = arith.muli %arg0, %mul3A : i32
    %add3A = arith.addi %mul3A_0, %arg1 : i32
    %sub3A = arith.constant 1 : i32
    %sub3A_1 = arith.subi %sub3A, %arg0 : i32
    %mul3A_2 = arith.constant 16 : i32
    %mul3A_3 = arith.muli %sub3A_1, %mul3A_2 : i32
    %add3A_4 = arith.addi %mul3A_3, %arg1 : i32
    %mul3A_5 = arith.constant 632 : i32
    %mul3A_6 = arith.muli %arg1, %mul3A_5 : i32
    "tpu.region"() ({
      %run_scoped3A = tpu.sem_alloc : memref<!tpu.dma_semaphore, #tpu.memory_space<semaphore_mem>>
      %dma_start3A_483 = arith.constant 0 : i32
      %dma_start3A_484 = tpu.memref_slice %arg20[%mul3A_6, %dma_start3A_483] : memref<10112x8xf32, #tpu.memory_space<vmem_shared>> -> memref<632x8xf32, #tpu.memory_space<vmem_shared>>
      %dma_start3A_485 = arith.constant 0 : i32
      %dma_start3A_486 = tpu.memref_slice %arg6[%mul3A_6, %dma_start3A_485] : memref<10112x8xf32, #tpu.memory_space<hbm>> -> memref<632x8xf32, #tpu.memory_space<hbm>>
      tpu.enqueue_dma source(%dma_start3A_486 : memref<632x8xf32, #tpu.memory_space<hbm>>) target(%dma_start3A_484 : memref<632x8xf32, #tpu.memory_space<vmem_shared>>) target_semaphore(%run_scoped3A : memref<!tpu.dma_semaphore, #tpu.memory_space<semaphore_mem>>)
      %dma_wait3A_487 = arith.constant 0 : i32
      %dma_wait3A_488 = tpu.memref_slice %arg20[%mul3A_6, %dma_wait3A_487] : memref<10112x8xf32, #tpu.memory_space<vmem_shared>> -> memref<632x8xf32, #tpu.memory_space<vmem_shared>>
      %dma_wait3A_489 = arith.constant 0 : i32
      %dma_wait3A_490 = tpu.memref_slice %arg6[%mul3A_6, %dma_wait3A_489] : memref<10112x8xf32, #tpu.memory_space<hbm>> -> memref<632x8xf32, #tpu.memory_space<hbm>>
      tpu.wait_dma2 semaphore(%run_scoped3A : memref<!tpu.dma_semaphore, #tpu.memory_space<semaphore_mem>>) src(%dma_wait3A_490 : memref<632x8xf32, #tpu.memory_space<hbm>>) dst(%dma_wait3A_488 : memref<632x8xf32, #tpu.memory_space<vmem_shared>>)
      tpu.yield
    }) : () -> ()
    %mul3A_7 = arith.constant 80 : i32
    %mul3A_8 = arith.muli %add3A, %mul3A_7 : i32
    "tpu.region"() ({
      %run_scoped3A = tpu.sem_alloc : memref<!tpu.dma_semaphore, #tpu.memory_space<semaphore_mem>>
      %dma_start3A_483 = arith.constant 0 : i32
      %dma_start3A_484 = tpu.memref_slice %arg4[%mul3A_8, %dma_start3A_483] : memref<2560x128xi32, #tpu.memory_space<hbm>> -> memref<80x128xi32, #tpu.memory_space<hbm>>
      %dma_start3A_485 = arith.constant 0 : i32
      %dma_start3A_486 = tpu.memref_slice %arg4[%mul3A_8, %dma_start3A_485] : memref<2560x128xi32, #tpu.memory_space<hbm>> -> memref<80x128xi32, #tpu.memory_space<hbm>>
      tpu.enqueue_dma source(%dma_start3A_486 : memref<80x128xi32, #tpu.memory_space<hbm>>) target(%arg11 : memref<80x128xi32, #tpu.memory_space<vmem>>) target_semaphore(%run_scoped3A : memref<!tpu.dma_semaphore, #tpu.memory_space<semaphore_mem>>)
      %dma_wait3A_487 = arith.constant 0 : i32
      %dma_wait3A_488 = tpu.memref_slice %arg4[%mul3A_8, %dma_wait3A_487] : memref<2560x128xi32, #tpu.memory_space<hbm>> -> memref<80x128xi32, #tpu.memory_space<hbm>>
      %dma_wait3A_489 = arith.constant 0 : i32
      %dma_wait3A_490 = tpu.memref_slice %arg4[%mul3A_8, %dma_wait3A_489] : memref<2560x128xi32, #tpu.memory_space<hbm>> -> memref<80x128xi32, #tpu.memory_space<hbm>>
      tpu.wait_dma2 semaphore(%run_scoped3A : memref<!tpu.dma_semaphore, #tpu.memory_space<semaphore_mem>>) src(%dma_wait3A_490 : memref<80x128xi32, #tpu.memory_space<hbm>>) dst(%arg11 : memref<80x128xi32, #tpu.memory_space<vmem>>)
      tpu.yield
    }) : () -> ()
    %mul3A_9 = arith.constant 80 : i32
    %mul3A_10 = arith.muli %add3A_4, %mul3A_9 : i32
    "tpu.region"() ({
      %run_scoped3A = tpu.sem_alloc : memref<!tpu.dma_semaphore, #tpu.memory_space<semaphore_mem>>
      %dma_start3A_483 = arith.constant 0 : i32
      %dma_start3A_484 = tpu.memref_slice %arg4[%mul3A_10, %dma_start3A_483] : memref<2560x128xi32, #tpu.memory_space<hbm>> -> memref<80x128xi32, #tpu.memory_space<hbm>>
      %dma_start3A_485 = arith.constant 0 : i32
      %dma_start3A_486 = tpu.memref_slice %arg4[%mul3A_10, %dma_start3A_485] : memref<2560x128xi32, #tpu.memory_space<hbm>> -> memref<80x128xi32, #tpu.memory_space<hbm>>
      tpu.enqueue_dma source(%dma_start3A_486 : memref<80x128xi32, #tpu.memory_space<hbm>>) target(%arg12 : memref<80x128xi32, #tpu.memory_space<vmem>>) target_semaphore(%run_scoped3A : memref<!tpu.dma_semaphore, #tpu.memory_space<semaphore_mem>>)
      %dma_wait3A_487 = arith.constant 0 : i32
      %dma_wait3A_488 = tpu.memref_slice %arg4[%mul3A_10, %dma_wait3A_487] : memref<2560x128xi32, #tpu.memory_space<hbm>> -> memref<80x128xi32, #tpu.memory_space<hbm>>
      %dma_wait3A_489 = arith.constant 0 : i32
      %dma_wait3A_490 = tpu.memref_slice %arg4[%mul3A_10, %dma_wait3A_489] : memref<2560x128xi32, #tpu.memory_space<hbm>> -> memref<80x128xi32, #tpu.memory_space<hbm>>
      tpu.wait_dma2 semaphore(%run_scoped3A : memref<!tpu.dma_semaphore, #tpu.memory_space<semaphore_mem>>) src(%dma_wait3A_490 : memref<80x128xi32, #tpu.memory_space<hbm>>) dst(%arg12 : memref<80x128xi32, #tpu.memory_space<vmem>>)
      tpu.yield
    }) : () -> ()
    %mul3A_11 = arith.constant 80 : i32
    %mul3A_12 = arith.muli %add3A, %mul3A_11 : i32
    "tpu.region"() ({
      %run_scoped3A = tpu.sem_alloc : memref<!tpu.dma_semaphore, #tpu.memory_space<semaphore_mem>>
      %dma_start3A_483 = arith.constant 0 : i32
      %dma_start3A_484 = tpu.memref_slice %arg3[%mul3A_12, %dma_start3A_483] : memref<2560x128xi32, #tpu.memory_space<hbm>> -> memref<80x128xi32, #tpu.memory_space<hbm>>
      %dma_start3A_485 = arith.constant 0 : i32
      %dma_start3A_486 = tpu.memref_slice %arg3[%mul3A_12, %dma_start3A_485] : memref<2560x128xi32, #tpu.memory_space<hbm>> -> memref<80x128xi32, #tpu.memory_space<hbm>>
      tpu.enqueue_dma source(%dma_start3A_486 : memref<80x128xi32, #tpu.memory_space<hbm>>) target(%arg10 : memref<80x128xi32, #tpu.memory_space<vmem>>) target_semaphore(%run_scoped3A : memref<!tpu.dma_semaphore, #tpu.memory_space<semaphore_mem>>)
      %dma_wait3A_487 = arith.constant 0 : i32
      %dma_wait3A_488 = tpu.memref_slice %arg3[%mul3A_12, %dma_wait3A_487] : memref<2560x128xi32, #tpu.memory_space<hbm>> -> memref<80x128xi32, #tpu.memory_space<hbm>>
      %dma_wait3A_489 = arith.constant 0 : i32
      %dma_wait3A_490 = tpu.memref_slice %arg3[%mul3A_12, %dma_wait3A_489] : memref<2560x128xi32, #tpu.memory_space<hbm>> -> memref<80x128xi32, #tpu.memory_space<hbm>>
      tpu.wait_dma2 semaphore(%run_scoped3A : memref<!tpu.dma_semaphore, #tpu.memory_space<semaphore_mem>>) src(%dma_wait3A_490 : memref<80x128xi32, #tpu.memory_space<hbm>>) dst(%arg10 : memref<80x128xi32, #tpu.memory_space<vmem>>)
      tpu.yield
    }) : () -> ()
    "tpu.region"() ({
      %run_scoped3A = tpu.sem_alloc : memref<!tpu.dma_semaphore, #tpu.memory_space<semaphore_mem>>
      %dma_start3A_483 = arith.constant 0 : i32
      %dma_start3A_484 = tpu.memref_slice %arg2[%mul3A_6, %dma_start3A_483] : memref<10112x16xf32, #tpu.memory_space<hbm>> -> memref<632x16xf32, #tpu.memory_space<hbm>>
      %dma_start3A_485 = arith.constant 0 : i32
      %dma_start3A_486 = tpu.memref_slice %arg2[%mul3A_6, %dma_start3A_485] : memref<10112x16xf32, #tpu.memory_space<hbm>> -> memref<632x16xf32, #tpu.memory_space<hbm>>
      tpu.enqueue_dma source(%dma_start3A_486 : memref<632x16xf32, #tpu.memory_space<hbm>>) target(%arg14 : memref<632x16xf32, #tpu.memory_space<vmem>>) target_semaphore(%run_scoped3A : memref<!tpu.dma_semaphore, #tpu.memory_space<semaphore_mem>>)
      %dma_wait3A_487 = arith.constant 0 : i32
      %dma_wait3A_488 = tpu.memref_slice %arg2[%mul3A_6, %dma_wait3A_487] : memref<10112x16xf32, #tpu.memory_space<hbm>> -> memref<632x16xf32, #tpu.memory_space<hbm>>
      %dma_wait3A_489 = arith.constant 0 : i32
      %dma_wait3A_490 = tpu.memref_slice %arg2[%mul3A_6, %dma_wait3A_489] : memref<10112x16xf32, #tpu.memory_space<hbm>> -> memref<632x16xf32, #tpu.memory_space<hbm>>
      tpu.wait_dma2 semaphore(%run_scoped3A : memref<!tpu.dma_semaphore, #tpu.memory_space<semaphore_mem>>) src(%dma_wait3A_490 : memref<632x16xf32, #tpu.memory_space<hbm>>) dst(%arg14 : memref<632x16xf32, #tpu.memory_space<vmem>>)
      tpu.yield
    }) : () -> ()
    "tpu.region"() ({
      %run_scoped3A = tpu.sem_alloc : memref<!tpu.dma_semaphore, #tpu.memory_space<semaphore_mem>>
      tpu.enqueue_dma source(%arg5 : memref<128x8xf32, #tpu.memory_space<hbm>>) target(%arg17 : memref<128x8xf32, #tpu.memory_space<vmem>>) target_semaphore(%run_scoped3A : memref<!tpu.dma_semaphore, #tpu.memory_space<semaphore_mem>>)
      tpu.wait_dma2 semaphore(%run_scoped3A : memref<!tpu.dma_semaphore, #tpu.memory_space<semaphore_mem>>) src(%arg5 : memref<128x8xf32, #tpu.memory_space<hbm>>) dst(%arg17 : memref<128x8xf32, #tpu.memory_space<vmem>>)
      tpu.yield
    }) : () -> ()
    %barrier3A = arith.constant 0 : index
    tpu.barrier barrier_id(%barrier3A)
    %dma_start3A = arith.constant 0 : i32
    %dma_start3A_13 = arith.constant 0 : i32
    %dma_start3A_14 = arith.constant 0 : i32
    %dma_start3A_15 = tpu.memref_slice %arg11[%dma_start3A, %dma_start3A_14] : memref<80x128xi32, #tpu.memory_space<vmem>> -> memref<1x128xi32, #tpu.memory_space<vmem>>
    %dma_start3A_16 = tpu.memref_squeeze %dma_start3A_15 : memref<1x128xi32, #tpu.memory_space<vmem>> -> memref<128xi32, #tpu.memory_space<vmem>>
    %dma_start3A_17 = arith.constant 0 : i32
    %dma_start3A_18 = arith.constant 0 : i32
    %dma_start3A_19 = tpu.memref_slice %arg20[%dma_start3A_17, %dma_start3A_18] : memref<10112x8xf32, #tpu.memory_space<vmem_shared>> -> memref<10112x8xf32, #tpu.memory_space<vmem_shared>>
    %dma_start3A_20 = tpu.memref_slice %arg21[%dma_start3A_13] : memref<8x!tpu.dma_semaphore, #tpu.memory_space<semaphore_mem>> -> memref<1x!tpu.dma_semaphore, #tpu.memory_space<semaphore_mem>>
    %dma_start3A_21 = tpu.memref_squeeze %dma_start3A_20 : memref<1x!tpu.dma_semaphore, #tpu.memory_space<semaphore_mem>> -> memref<!tpu.dma_semaphore, #tpu.memory_space<semaphore_mem>>
    tpu.enqueue_indirect_dma source(%arg17 : memref<128x8xf32, #tpu.memory_space<vmem>>) target(%dma_start3A_19 : memref<10112x8xf32, #tpu.memory_space<vmem_shared>>) offsets(%dma_start3A_16 : memref<128xi32, #tpu.memory_space<vmem>>) semaphore(%dma_start3A_21 : memref<!tpu.dma_semaphore, #tpu.memory_space<semaphore_mem>>) {add = true}
    %dma_start3A_22 = arith.constant 1 : i32
    %dma_start3A_23 = arith.constant 1 : i32
    %dma_start3A_24 = arith.constant 0 : i32
    %dma_start3A_25 = tpu.memref_slice %arg11[%dma_start3A_22, %dma_start3A_24] : memref<80x128xi32, #tpu.memory_space<vmem>> -> memref<1x128xi32, #tpu.memory_space<vmem>>
    %dma_start3A_26 = tpu.memref_squeeze %dma_start3A_25 : memref<1x128xi32, #tpu.memory_space<vmem>> -> memref<128xi32, #tpu.memory_space<vmem>>
    %dma_start3A_27 = arith.constant 0 : i32
    %dma_start3A_28 = arith.constant 0 : i32
    %dma_start3A_29 = tpu.memref_slice %arg20[%dma_start3A_27, %dma_start3A_28] : memref<10112x8xf32, #tpu.memory_space<vmem_shared>> -> memref<10112x8xf32, #tpu.memory_space<vmem_shared>>
    %dma_start3A_30 = tpu.memref_slice %arg21[%dma_start3A_23] : memref<8x!tpu.dma_semaphore, #tpu.memory_space<semaphore_mem>> -> memref<1x!tpu.dma_semaphore, #tpu.memory_space<semaphore_mem>>
    %dma_start3A_31 = tpu.memref_squeeze %dma_start3A_30 : memref<1x!tpu.dma_semaphore, #tpu.memory_space<semaphore_mem>> -> memref<!tpu.dma_semaphore, #tpu.memory_space<semaphore_mem>>
    tpu.enqueue_indirect_dma source(%arg17 : memref<128x8xf32, #tpu.memory_space<vmem>>) target(%dma_start3A_29 : memref<10112x8xf32, #tpu.memory_space<vmem_shared>>) offsets(%dma_start3A_26 : memref<128xi32, #tpu.memory_space<vmem>>) semaphore(%dma_start3A_31 : memref<!tpu.dma_semaphore, #tpu.memory_space<semaphore_mem>>) {add = true}
    %dma_start3A_32 = arith.constant 2 : i32
    %dma_start3A_33 = arith.constant 2 : i32
    %dma_start3A_34 = arith.constant 0 : i32
    %dma_start3A_35 = tpu.memref_slice %arg11[%dma_start3A_32, %dma_start3A_34] : memref<80x128xi32, #tpu.memory_space<vmem>> -> memref<1x128xi32, #tpu.memory_space<vmem>>
    %dma_start3A_36 = tpu.memref_squeeze %dma_start3A_35 : memref<1x128xi32, #tpu.memory_space<vmem>> -> memref<128xi32, #tpu.memory_space<vmem>>
    %dma_start3A_37 = arith.constant 0 : i32
    %dma_start3A_38 = arith.constant 0 : i32
    %dma_start3A_39 = tpu.memref_slice %arg20[%dma_start3A_37, %dma_start3A_38] : memref<10112x8xf32, #tpu.memory_space<vmem_shared>> -> memref<10112x8xf32, #tpu.memory_space<vmem_shared>>
    %dma_start3A_40 = tpu.memref_slice %arg21[%dma_start3A_33] : memref<8x!tpu.dma_semaphore, #tpu.memory_space<semaphore_mem>> -> memref<1x!tpu.dma_semaphore, #tpu.memory_space<semaphore_mem>>
    %dma_start3A_41 = tpu.memref_squeeze %dma_start3A_40 : memref<1x!tpu.dma_semaphore, #tpu.memory_space<semaphore_mem>> -> memref<!tpu.dma_semaphore, #tpu.memory_space<semaphore_mem>>
    tpu.enqueue_indirect_dma source(%arg17 : memref<128x8xf32, #tpu.memory_space<vmem>>) target(%dma_start3A_39 : memref<10112x8xf32, #tpu.memory_space<vmem_shared>>) offsets(%dma_start3A_36 : memref<128xi32, #tpu.memory_space<vmem>>) semaphore(%dma_start3A_41 : memref<!tpu.dma_semaphore, #tpu.memory_space<semaphore_mem>>) {add = true}
    %dma_start3A_42 = arith.constant 3 : i32
    %dma_start3A_43 = arith.constant 3 : i32
    %dma_start3A_44 = arith.constant 0 : i32
    %dma_start3A_45 = tpu.memref_slice %arg11[%dma_start3A_42, %dma_start3A_44] : memref<80x128xi32, #tpu.memory_space<vmem>> -> memref<1x128xi32, #tpu.memory_space<vmem>>
    %dma_start3A_46 = tpu.memref_squeeze %dma_start3A_45 : memref<1x128xi32, #tpu.memory_space<vmem>> -> memref<128xi32, #tpu.memory_space<vmem>>
    %dma_start3A_47 = arith.constant 0 : i32
    %dma_start3A_48 = arith.constant 0 : i32
    %dma_start3A_49 = tpu.memref_slice %arg20[%dma_start3A_47, %dma_start3A_48] : memref<10112x8xf32, #tpu.memory_space<vmem_shared>> -> memref<10112x8xf32, #tpu.memory_space<vmem_shared>>
    %dma_start3A_50 = tpu.memref_slice %arg21[%dma_start3A_43] : memref<8x!tpu.dma_semaphore, #tpu.memory_space<semaphore_mem>> -> memref<1x!tpu.dma_semaphore, #tpu.memory_space<semaphore_mem>>
    %dma_start3A_51 = tpu.memref_squeeze %dma_start3A_50 : memref<1x!tpu.dma_semaphore, #tpu.memory_space<semaphore_mem>> -> memref<!tpu.dma_semaphore, #tpu.memory_space<semaphore_mem>>
    tpu.enqueue_indirect_dma source(%arg17 : memref<128x8xf32, #tpu.memory_space<vmem>>) target(%dma_start3A_49 : memref<10112x8xf32, #tpu.memory_space<vmem_shared>>) offsets(%dma_start3A_46 : memref<128xi32, #tpu.memory_space<vmem>>) semaphore(%dma_start3A_51 : memref<!tpu.dma_semaphore, #tpu.memory_space<semaphore_mem>>) {add = true}
    %dma_start3A_52 = arith.constant 4 : i32
    %dma_start3A_53 = arith.constant 4 : i32
    %dma_start3A_54 = arith.constant 0 : i32
    %dma_start3A_55 = tpu.memref_slice %arg11[%dma_start3A_52, %dma_start3A_54] : memref<80x128xi32, #tpu.memory_space<vmem>> -> memref<1x128xi32, #tpu.memory_space<vmem>>
    %dma_start3A_56 = tpu.memref_squeeze %dma_start3A_55 : memref<1x128xi32, #tpu.memory_space<vmem>> -> memref<128xi32, #tpu.memory_space<vmem>>
    %dma_start3A_57 = arith.constant 0 : i32
    %dma_start3A_58 = arith.constant 0 : i32
    %dma_start3A_59 = tpu.memref_slice %arg20[%dma_start3A_57, %dma_start3A_58] : memref<10112x8xf32, #tpu.memory_space<vmem_shared>> -> memref<10112x8xf32, #tpu.memory_space<vmem_shared>>
    %dma_start3A_60 = tpu.memref_slice %arg21[%dma_start3A_53] : memref<8x!tpu.dma_semaphore, #tpu.memory_space<semaphore_mem>> -> memref<1x!tpu.dma_semaphore, #tpu.memory_space<semaphore_mem>>
    %dma_start3A_61 = tpu.memref_squeeze %dma_start3A_60 : memref<1x!tpu.dma_semaphore, #tpu.memory_space<semaphore_mem>> -> memref<!tpu.dma_semaphore, #tpu.memory_space<semaphore_mem>>
    tpu.enqueue_indirect_dma source(%arg17 : memref<128x8xf32, #tpu.memory_space<vmem>>) target(%dma_start3A_59 : memref<10112x8xf32, #tpu.memory_space<vmem_shared>>) offsets(%dma_start3A_56 : memref<128xi32, #tpu.memory_space<vmem>>) semaphore(%dma_start3A_61 : memref<!tpu.dma_semaphore, #tpu.memory_space<semaphore_mem>>) {add = true}
    %dma_start3A_62 = arith.constant 5 : i32
    %dma_start3A_63 = arith.constant 5 : i32
    %dma_start3A_64 = arith.constant 0 : i32
    %dma_start3A_65 = tpu.memref_slice %arg11[%dma_start3A_62, %dma_start3A_64] : memref<80x128xi32, #tpu.memory_space<vmem>> -> memref<1x128xi32, #tpu.memory_space<vmem>>
    %dma_start3A_66 = tpu.memref_squeeze %dma_start3A_65 : memref<1x128xi32, #tpu.memory_space<vmem>> -> memref<128xi32, #tpu.memory_space<vmem>>
    %dma_start3A_67 = arith.constant 0 : i32
    %dma_start3A_68 = arith.constant 0 : i32
    %dma_start3A_69 = tpu.memref_slice %arg20[%dma_start3A_67, %dma_start3A_68] : memref<10112x8xf32, #tpu.memory_space<vmem_shared>> -> memref<10112x8xf32, #tpu.memory_space<vmem_shared>>
    %dma_start3A_70 = tpu.memref_slice %arg21[%dma_start3A_63] : memref<8x!tpu.dma_semaphore, #tpu.memory_space<semaphore_mem>> -> memref<1x!tpu.dma_semaphore, #tpu.memory_space<semaphore_mem>>
    %dma_start3A_71 = tpu.memref_squeeze %dma_start3A_70 : memref<1x!tpu.dma_semaphore, #tpu.memory_space<semaphore_mem>> -> memref<!tpu.dma_semaphore, #tpu.memory_space<semaphore_mem>>
    tpu.enqueue_indirect_dma source(%arg17 : memref<128x8xf32, #tpu.memory_space<vmem>>) target(%dma_start3A_69 : memref<10112x8xf32, #tpu.memory_space<vmem_shared>>) offsets(%dma_start3A_66 : memref<128xi32, #tpu.memory_space<vmem>>) semaphore(%dma_start3A_71 : memref<!tpu.dma_semaphore, #tpu.memory_space<semaphore_mem>>) {add = true}
    %dma_start3A_72 = arith.constant 6 : i32
    %dma_start3A_73 = arith.constant 6 : i32
    %dma_start3A_74 = arith.constant 0 : i32
    %dma_start3A_75 = tpu.memref_slice %arg11[%dma_start3A_72, %dma_start3A_74] : memref<80x128xi32, #tpu.memory_space<vmem>> -> memref<1x128xi32, #tpu.memory_space<vmem>>
    %dma_start3A_76 = tpu.memref_squeeze %dma_start3A_75 : memref<1x128xi32, #tpu.memory_space<vmem>> -> memref<128xi32, #tpu.memory_space<vmem>>
    %dma_start3A_77 = arith.constant 0 : i32
    %dma_start3A_78 = arith.constant 0 : i32
    %dma_start3A_79 = tpu.memref_slice %arg20[%dma_start3A_77, %dma_start3A_78] : memref<10112x8xf32, #tpu.memory_space<vmem_shared>> -> memref<10112x8xf32, #tpu.memory_space<vmem_shared>>
    %dma_start3A_80 = tpu.memref_slice %arg21[%dma_start3A_73] : memref<8x!tpu.dma_semaphore, #tpu.memory_space<semaphore_mem>> -> memref<1x!tpu.dma_semaphore, #tpu.memory_space<semaphore_mem>>
    %dma_start3A_81 = tpu.memref_squeeze %dma_start3A_80 : memref<1x!tpu.dma_semaphore, #tpu.memory_space<semaphore_mem>> -> memref<!tpu.dma_semaphore, #tpu.memory_space<semaphore_mem>>
    tpu.enqueue_indirect_dma source(%arg17 : memref<128x8xf32, #tpu.memory_space<vmem>>) target(%dma_start3A_79 : memref<10112x8xf32, #tpu.memory_space<vmem_shared>>) offsets(%dma_start3A_76 : memref<128xi32, #tpu.memory_space<vmem>>) semaphore(%dma_start3A_81 : memref<!tpu.dma_semaphore, #tpu.memory_space<semaphore_mem>>) {add = true}
    %dma_start3A_82 = arith.constant 7 : i32
    %dma_start3A_83 = arith.constant 7 : i32
    %dma_start3A_84 = arith.constant 0 : i32
    %dma_start3A_85 = tpu.memref_slice %arg11[%dma_start3A_82, %dma_start3A_84] : memref<80x128xi32, #tpu.memory_space<vmem>> -> memref<1x128xi32, #tpu.memory_space<vmem>>
    %dma_start3A_86 = tpu.memref_squeeze %dma_start3A_85 : memref<1x128xi32, #tpu.memory_space<vmem>> -> memref<128xi32, #tpu.memory_space<vmem>>
    %dma_start3A_87 = arith.constant 0 : i32
    %dma_start3A_88 = arith.constant 0 : i32
    %dma_start3A_89 = tpu.memref_slice %arg20[%dma_start3A_87, %dma_start3A_88] : memref<10112x8xf32, #tpu.memory_space<vmem_shared>> -> memref<10112x8xf32, #tpu.memory_space<vmem_shared>>
    %dma_start3A_90 = tpu.memref_slice %arg21[%dma_start3A_83] : memref<8x!tpu.dma_semaphore, #tpu.memory_space<semaphore_mem>> -> memref<1x!tpu.dma_semaphore, #tpu.memory_space<semaphore_mem>>
    %dma_start3A_91 = tpu.memref_squeeze %dma_start3A_90 : memref<1x!tpu.dma_semaphore, #tpu.memory_space<semaphore_mem>> -> memref<!tpu.dma_semaphore, #tpu.memory_space<semaphore_mem>>
    tpu.enqueue_indirect_dma source(%arg17 : memref<128x8xf32, #tpu.memory_space<vmem>>) target(%dma_start3A_89 : memref<10112x8xf32, #tpu.memory_space<vmem_shared>>) offsets(%dma_start3A_86 : memref<128xi32, #tpu.memory_space<vmem>>) semaphore(%dma_start3A_91 : memref<!tpu.dma_semaphore, #tpu.memory_space<semaphore_mem>>) {add = true}
    %scan3A = arith.constant 0 : i32
    %scan3A_92 = arith.constant 0 : i32
    %scan3A_93 = arith.constant 72 : i32
    %scan3A_94 = arith.addi %scan3A_92, %scan3A_93 : i32
    %scan3A_95 = arith.constant 1 : i32
    scf.for %scan3A_483 = %scan3A_92 to %scan3A_94 step %scan3A_95  : i32 {
      %rem3A = arith.constant 8 : i32
      %rem3A_484 = arith.remsi %scan3A_483, %rem3A : i32
      %dma_wait3A_485 = arith.constant 0 : i32
      %dma_wait3A_486 = tpu.memref_slice %arg11[%scan3A_483, %dma_wait3A_485] : memref<80x128xi32, #tpu.memory_space<vmem>> -> memref<1x128xi32, #tpu.memory_space<vmem>>
      %dma_wait3A_487 = tpu.memref_squeeze %dma_wait3A_486 : memref<1x128xi32, #tpu.memory_space<vmem>> -> memref<128xi32, #tpu.memory_space<vmem>>
      %dma_wait3A_488 = arith.constant 0 : i32
      %dma_wait3A_489 = arith.constant 0 : i32
      %dma_wait3A_490 = tpu.memref_slice %arg20[%dma_wait3A_488, %dma_wait3A_489] : memref<10112x8xf32, #tpu.memory_space<vmem_shared>> -> memref<10112x8xf32, #tpu.memory_space<vmem_shared>>
      %dma_wait3A_491 = tpu.memref_slice %arg21[%rem3A_484] : memref<8x!tpu.dma_semaphore, #tpu.memory_space<semaphore_mem>> -> memref<1x!tpu.dma_semaphore, #tpu.memory_space<semaphore_mem>>
      %dma_wait3A_492 = tpu.memref_squeeze %dma_wait3A_491 : memref<1x!tpu.dma_semaphore, #tpu.memory_space<semaphore_mem>> -> memref<!tpu.dma_semaphore, #tpu.memory_space<semaphore_mem>>
      tpu.wait_indirect_dma semaphore(%dma_wait3A_492 : memref<!tpu.dma_semaphore, #tpu.memory_space<semaphore_mem>>) src(%arg17 : memref<128x8xf32, #tpu.memory_space<vmem>>) dst(%dma_wait3A_490 : memref<10112x8xf32, #tpu.memory_space<vmem_shared>>)
      %add3A_493 = arith.constant 8 : i32
      %add3A_494 = arith.addi %scan3A_483, %add3A_493 : i32
      %dma_start3A_495 = arith.constant 0 : i32
      %dma_start3A_496 = tpu.memref_slice %arg11[%add3A_494, %dma_start3A_495] : memref<80x128xi32, #tpu.memory_space<vmem>> -> memref<1x128xi32, #tpu.memory_space<vmem>>
      %dma_start3A_497 = tpu.memref_squeeze %dma_start3A_496 : memref<1x128xi32, #tpu.memory_space<vmem>> -> memref<128xi32, #tpu.memory_space<vmem>>
      %dma_start3A_498 = arith.constant 0 : i32
      %dma_start3A_499 = arith.constant 0 : i32
      %dma_start3A_500 = tpu.memref_slice %arg20[%dma_start3A_498, %dma_start3A_499] : memref<10112x8xf32, #tpu.memory_space<vmem_shared>> -> memref<10112x8xf32, #tpu.memory_space<vmem_shared>>
      %dma_start3A_501 = tpu.memref_slice %arg21[%rem3A_484] : memref<8x!tpu.dma_semaphore, #tpu.memory_space<semaphore_mem>> -> memref<1x!tpu.dma_semaphore, #tpu.memory_space<semaphore_mem>>
      %dma_start3A_502 = tpu.memref_squeeze %dma_start3A_501 : memref<1x!tpu.dma_semaphore, #tpu.memory_space<semaphore_mem>> -> memref<!tpu.dma_semaphore, #tpu.memory_space<semaphore_mem>>
      tpu.enqueue_indirect_dma source(%arg17 : memref<128x8xf32, #tpu.memory_space<vmem>>) target(%dma_start3A_500 : memref<10112x8xf32, #tpu.memory_space<vmem_shared>>) offsets(%dma_start3A_497 : memref<128xi32, #tpu.memory_space<vmem>>) semaphore(%dma_start3A_502 : memref<!tpu.dma_semaphore, #tpu.memory_space<semaphore_mem>>) {add = true}
    }
    %scan3A_96 = arith.constant 72 : i32
    %dma_wait3A = arith.constant 72 : i32
    %dma_wait3A_97 = arith.constant 0 : i32
    %dma_wait3A_98 = arith.constant 0 : i32
    %dma_wait3A_99 = tpu.memref_slice %arg11[%dma_wait3A, %dma_wait3A_98] : memref<80x128xi32, #tpu.memory_space<vmem>> -> memref<1x128xi32, #tpu.memory_space<vmem>>
    %dma_wait3A_100 = tpu.memref_squeeze %dma_wait3A_99 : memref<1x128xi32, #tpu.memory_space<vmem>> -> memref<128xi32, #tpu.memory_space<vmem>>
    %dma_wait3A_101 = arith.constant 0 : i32
    %dma_wait3A_102 = arith.constant 0 : i32
    %dma_wait3A_103 = tpu.memref_slice %arg20[%dma_wait3A_101, %dma_wait3A_102] : memref<10112x8xf32, #tpu.memory_space<vmem_shared>> -> memref<10112x8xf32, #tpu.memory_space<vmem_shared>>
    %dma_wait3A_104 = tpu.memref_slice %arg21[%dma_wait3A_97] : memref<8x!tpu.dma_semaphore, #tpu.memory_space<semaphore_mem>> -> memref<1x!tpu.dma_semaphore, #tpu.memory_space<semaphore_mem>>
    %dma_wait3A_105 = tpu.memref_squeeze %dma_wait3A_104 : memref<1x!tpu.dma_semaphore, #tpu.memory_space<semaphore_mem>> -> memref<!tpu.dma_semaphore, #tpu.memory_space<semaphore_mem>>
    tpu.wait_indirect_dma semaphore(%dma_wait3A_105 : memref<!tpu.dma_semaphore, #tpu.memory_space<semaphore_mem>>) src(%arg17 : memref<128x8xf32, #tpu.memory_space<vmem>>) dst(%dma_wait3A_103 : memref<10112x8xf32, #tpu.memory_space<vmem_shared>>)
    %dma_wait3A_106 = arith.constant 73 : i32
    %dma_wait3A_107 = arith.constant 1 : i32
    %dma_wait3A_108 = arith.constant 0 : i32
    %dma_wait3A_109 = tpu.memref_slice %arg11[%dma_wait3A_106, %dma_wait3A_108] : memref<80x128xi32, #tpu.memory_space<vmem>> -> memref<1x128xi32, #tpu.memory_space<vmem>>
    %dma_wait3A_110 = tpu.memref_squeeze %dma_wait3A_109 : memref<1x128xi32, #tpu.memory_space<vmem>> -> memref<128xi32, #tpu.memory_space<vmem>>
    %dma_wait3A_111 = arith.constant 0 : i32
    %dma_wait3A_112 = arith.constant 0 : i32
    %dma_wait3A_113 = tpu.memref_slice %arg20[%dma_wait3A_111, %dma_wait3A_112] : memref<10112x8xf32, #tpu.memory_space<vmem_shared>> -> memref<10112x8xf32, #tpu.memory_space<vmem_shared>>
    %dma_wait3A_114 = tpu.memref_slice %arg21[%dma_wait3A_107] : memref<8x!tpu.dma_semaphore, #tpu.memory_space<semaphore_mem>> -> memref<1x!tpu.dma_semaphore, #tpu.memory_space<semaphore_mem>>
    %dma_wait3A_115 = tpu.memref_squeeze %dma_wait3A_114 : memref<1x!tpu.dma_semaphore, #tpu.memory_space<semaphore_mem>> -> memref<!tpu.dma_semaphore, #tpu.memory_space<semaphore_mem>>
    tpu.wait_indirect_dma semaphore(%dma_wait3A_115 : memref<!tpu.dma_semaphore, #tpu.memory_space<semaphore_mem>>) src(%arg17 : memref<128x8xf32, #tpu.memory_space<vmem>>) dst(%dma_wait3A_113 : memref<10112x8xf32, #tpu.memory_space<vmem_shared>>)
    %dma_wait3A_116 = arith.constant 74 : i32
    %dma_wait3A_117 = arith.constant 2 : i32
    %dma_wait3A_118 = arith.constant 0 : i32
    %dma_wait3A_119 = tpu.memref_slice %arg11[%dma_wait3A_116, %dma_wait3A_118] : memref<80x128xi32, #tpu.memory_space<vmem>> -> memref<1x128xi32, #tpu.memory_space<vmem>>
    %dma_wait3A_120 = tpu.memref_squeeze %dma_wait3A_119 : memref<1x128xi32, #tpu.memory_space<vmem>> -> memref<128xi32, #tpu.memory_space<vmem>>
    %dma_wait3A_121 = arith.constant 0 : i32
    %dma_wait3A_122 = arith.constant 0 : i32
    %dma_wait3A_123 = tpu.memref_slice %arg20[%dma_wait3A_121, %dma_wait3A_122] : memref<10112x8xf32, #tpu.memory_space<vmem_shared>> -> memref<10112x8xf32, #tpu.memory_space<vmem_shared>>
    %dma_wait3A_124 = tpu.memref_slice %arg21[%dma_wait3A_117] : memref<8x!tpu.dma_semaphore, #tpu.memory_space<semaphore_mem>> -> memref<1x!tpu.dma_semaphore, #tpu.memory_space<semaphore_mem>>
    %dma_wait3A_125 = tpu.memref_squeeze %dma_wait3A_124 : memref<1x!tpu.dma_semaphore, #tpu.memory_space<semaphore_mem>> -> memref<!tpu.dma_semaphore, #tpu.memory_space<semaphore_mem>>
    tpu.wait_indirect_dma semaphore(%dma_wait3A_125 : memref<!tpu.dma_semaphore, #tpu.memory_space<semaphore_mem>>) src(%arg17 : memref<128x8xf32, #tpu.memory_space<vmem>>) dst(%dma_wait3A_123 : memref<10112x8xf32, #tpu.memory_space<vmem_shared>>)
    %dma_wait3A_126 = arith.constant 75 : i32
    %dma_wait3A_127 = arith.constant 3 : i32
    %dma_wait3A_128 = arith.constant 0 : i32
    %dma_wait3A_129 = tpu.memref_slice %arg11[%dma_wait3A_126, %dma_wait3A_128] : memref<80x128xi32, #tpu.memory_space<vmem>> -> memref<1x128xi32, #tpu.memory_space<vmem>>
    %dma_wait3A_130 = tpu.memref_squeeze %dma_wait3A_129 : memref<1x128xi32, #tpu.memory_space<vmem>> -> memref<128xi32, #tpu.memory_space<vmem>>
    %dma_wait3A_131 = arith.constant 0 : i32
    %dma_wait3A_132 = arith.constant 0 : i32
    %dma_wait3A_133 = tpu.memref_slice %arg20[%dma_wait3A_131, %dma_wait3A_132] : memref<10112x8xf32, #tpu.memory_space<vmem_shared>> -> memref<10112x8xf32, #tpu.memory_space<vmem_shared>>
    %dma_wait3A_134 = tpu.memref_slice %arg21[%dma_wait3A_127] : memref<8x!tpu.dma_semaphore, #tpu.memory_space<semaphore_mem>> -> memref<1x!tpu.dma_semaphore, #tpu.memory_space<semaphore_mem>>
    %dma_wait3A_135 = tpu.memref_squeeze %dma_wait3A_134 : memref<1x!tpu.dma_semaphore, #tpu.memory_space<semaphore_mem>> -> memref<!tpu.dma_semaphore, #tpu.memory_space<semaphore_mem>>
    tpu.wait_indirect_dma semaphore(%dma_wait3A_135 : memref<!tpu.dma_semaphore, #tpu.memory_space<semaphore_mem>>) src(%arg17 : memref<128x8xf32, #tpu.memory_space<vmem>>) dst(%dma_wait3A_133 : memref<10112x8xf32, #tpu.memory_space<vmem_shared>>)
    %dma_wait3A_136 = arith.constant 76 : i32
    %dma_wait3A_137 = arith.constant 4 : i32
    %dma_wait3A_138 = arith.constant 0 : i32
    %dma_wait3A_139 = tpu.memref_slice %arg11[%dma_wait3A_136, %dma_wait3A_138] : memref<80x128xi32, #tpu.memory_space<vmem>> -> memref<1x128xi32, #tpu.memory_space<vmem>>
    %dma_wait3A_140 = tpu.memref_squeeze %dma_wait3A_139 : memref<1x128xi32, #tpu.memory_space<vmem>> -> memref<128xi32, #tpu.memory_space<vmem>>
    %dma_wait3A_141 = arith.constant 0 : i32
    %dma_wait3A_142 = arith.constant 0 : i32
    %dma_wait3A_143 = tpu.memref_slice %arg20[%dma_wait3A_141, %dma_wait3A_142] : memref<10112x8xf32, #tpu.memory_space<vmem_shared>> -> memref<10112x8xf32, #tpu.memory_space<vmem_shared>>
    %dma_wait3A_144 = tpu.memref_slice %arg21[%dma_wait3A_137] : memref<8x!tpu.dma_semaphore, #tpu.memory_space<semaphore_mem>> -> memref<1x!tpu.dma_semaphore, #tpu.memory_space<semaphore_mem>>
    %dma_wait3A_145 = tpu.memref_squeeze %dma_wait3A_144 : memref<1x!tpu.dma_semaphore, #tpu.memory_space<semaphore_mem>> -> memref<!tpu.dma_semaphore, #tpu.memory_space<semaphore_mem>>
    tpu.wait_indirect_dma semaphore(%dma_wait3A_145 : memref<!tpu.dma_semaphore, #tpu.memory_space<semaphore_mem>>) src(%arg17 : memref<128x8xf32, #tpu.memory_space<vmem>>) dst(%dma_wait3A_143 : memref<10112x8xf32, #tpu.memory_space<vmem_shared>>)
    %dma_wait3A_146 = arith.constant 77 : i32
    %dma_wait3A_147 = arith.constant 5 : i32
    %dma_wait3A_148 = arith.constant 0 : i32
    %dma_wait3A_149 = tpu.memref_slice %arg11[%dma_wait3A_146, %dma_wait3A_148] : memref<80x128xi32, #tpu.memory_space<vmem>> -> memref<1x128xi32, #tpu.memory_space<vmem>>
    %dma_wait3A_150 = tpu.memref_squeeze %dma_wait3A_149 : memref<1x128xi32, #tpu.memory_space<vmem>> -> memref<128xi32, #tpu.memory_space<vmem>>
    %dma_wait3A_151 = arith.constant 0 : i32
    %dma_wait3A_152 = arith.constant 0 : i32
    %dma_wait3A_153 = tpu.memref_slice %arg20[%dma_wait3A_151, %dma_wait3A_152] : memref<10112x8xf32, #tpu.memory_space<vmem_shared>> -> memref<10112x8xf32, #tpu.memory_space<vmem_shared>>
    %dma_wait3A_154 = tpu.memref_slice %arg21[%dma_wait3A_147] : memref<8x!tpu.dma_semaphore, #tpu.memory_space<semaphore_mem>> -> memref<1x!tpu.dma_semaphore, #tpu.memory_space<semaphore_mem>>
    %dma_wait3A_155 = tpu.memref_squeeze %dma_wait3A_154 : memref<1x!tpu.dma_semaphore, #tpu.memory_space<semaphore_mem>> -> memref<!tpu.dma_semaphore, #tpu.memory_space<semaphore_mem>>
    tpu.wait_indirect_dma semaphore(%dma_wait3A_155 : memref<!tpu.dma_semaphore, #tpu.memory_space<semaphore_mem>>) src(%arg17 : memref<128x8xf32, #tpu.memory_space<vmem>>) dst(%dma_wait3A_153 : memref<10112x8xf32, #tpu.memory_space<vmem_shared>>)
    %dma_wait3A_156 = arith.constant 78 : i32
    %dma_wait3A_157 = arith.constant 6 : i32
    %dma_wait3A_158 = arith.constant 0 : i32
    %dma_wait3A_159 = tpu.memref_slice %arg11[%dma_wait3A_156, %dma_wait3A_158] : memref<80x128xi32, #tpu.memory_space<vmem>> -> memref<1x128xi32, #tpu.memory_space<vmem>>
    %dma_wait3A_160 = tpu.memref_squeeze %dma_wait3A_159 : memref<1x128xi32, #tpu.memory_space<vmem>> -> memref<128xi32, #tpu.memory_space<vmem>>
    %dma_wait3A_161 = arith.constant 0 : i32
    %dma_wait3A_162 = arith.constant 0 : i32
    %dma_wait3A_163 = tpu.memref_slice %arg20[%dma_wait3A_161, %dma_wait3A_162] : memref<10112x8xf32, #tpu.memory_space<vmem_shared>> -> memref<10112x8xf32, #tpu.memory_space<vmem_shared>>
    %dma_wait3A_164 = tpu.memref_slice %arg21[%dma_wait3A_157] : memref<8x!tpu.dma_semaphore, #tpu.memory_space<semaphore_mem>> -> memref<1x!tpu.dma_semaphore, #tpu.memory_space<semaphore_mem>>
    %dma_wait3A_165 = tpu.memref_squeeze %dma_wait3A_164 : memref<1x!tpu.dma_semaphore, #tpu.memory_space<semaphore_mem>> -> memref<!tpu.dma_semaphore, #tpu.memory_space<semaphore_mem>>
    tpu.wait_indirect_dma semaphore(%dma_wait3A_165 : memref<!tpu.dma_semaphore, #tpu.memory_space<semaphore_mem>>) src(%arg17 : memref<128x8xf32, #tpu.memory_space<vmem>>) dst(%dma_wait3A_163 : memref<10112x8xf32, #tpu.memory_space<vmem_shared>>)
    %dma_wait3A_166 = arith.constant 79 : i32
    %dma_wait3A_167 = arith.constant 7 : i32
    %dma_wait3A_168 = arith.constant 0 : i32
    %dma_wait3A_169 = tpu.memref_slice %arg11[%dma_wait3A_166, %dma_wait3A_168] : memref<80x128xi32, #tpu.memory_space<vmem>> -> memref<1x128xi32, #tpu.memory_space<vmem>>
    %dma_wait3A_170 = tpu.memref_squeeze %dma_wait3A_169 : memref<1x128xi32, #tpu.memory_space<vmem>> -> memref<128xi32, #tpu.memory_space<vmem>>
    %dma_wait3A_171 = arith.constant 0 : i32
    %dma_wait3A_172 = arith.constant 0 : i32
    %dma_wait3A_173 = tpu.memref_slice %arg20[%dma_wait3A_171, %dma_wait3A_172] : memref<10112x8xf32, #tpu.memory_space<vmem_shared>> -> memref<10112x8xf32, #tpu.memory_space<vmem_shared>>
    %dma_wait3A_174 = tpu.memref_slice %arg21[%dma_wait3A_167] : memref<8x!tpu.dma_semaphore, #tpu.memory_space<semaphore_mem>> -> memref<1x!tpu.dma_semaphore, #tpu.memory_space<semaphore_mem>>
    %dma_wait3A_175 = tpu.memref_squeeze %dma_wait3A_174 : memref<1x!tpu.dma_semaphore, #tpu.memory_space<semaphore_mem>> -> memref<!tpu.dma_semaphore, #tpu.memory_space<semaphore_mem>>
    tpu.wait_indirect_dma semaphore(%dma_wait3A_175 : memref<!tpu.dma_semaphore, #tpu.memory_space<semaphore_mem>>) src(%arg17 : memref<128x8xf32, #tpu.memory_space<vmem>>) dst(%dma_wait3A_173 : memref<10112x8xf32, #tpu.memory_space<vmem_shared>>)
    %dma_start3A_176 = arith.constant 0 : i32
    %dma_start3A_177 = arith.constant 0 : i32
    %dma_start3A_178 = arith.constant 0 : i32
    %dma_start3A_179 = tpu.memref_slice %arg12[%dma_start3A_176, %dma_start3A_178] : memref<80x128xi32, #tpu.memory_space<vmem>> -> memref<1x128xi32, #tpu.memory_space<vmem>>
    %dma_start3A_180 = tpu.memref_squeeze %dma_start3A_179 : memref<1x128xi32, #tpu.memory_space<vmem>> -> memref<128xi32, #tpu.memory_space<vmem>>
    %dma_start3A_181 = arith.constant 0 : i32
    %dma_start3A_182 = arith.constant 0 : i32
    %dma_start3A_183 = tpu.memref_slice %arg20[%dma_start3A_181, %dma_start3A_182] : memref<10112x8xf32, #tpu.memory_space<vmem_shared>> -> memref<10112x8xf32, #tpu.memory_space<vmem_shared>>
    %dma_start3A_184 = tpu.memref_slice %arg21[%dma_start3A_177] : memref<8x!tpu.dma_semaphore, #tpu.memory_space<semaphore_mem>> -> memref<1x!tpu.dma_semaphore, #tpu.memory_space<semaphore_mem>>
    %dma_start3A_185 = tpu.memref_squeeze %dma_start3A_184 : memref<1x!tpu.dma_semaphore, #tpu.memory_space<semaphore_mem>> -> memref<!tpu.dma_semaphore, #tpu.memory_space<semaphore_mem>>
    tpu.enqueue_indirect_dma source(%arg17 : memref<128x8xf32, #tpu.memory_space<vmem>>) target(%dma_start3A_183 : memref<10112x8xf32, #tpu.memory_space<vmem_shared>>) offsets(%dma_start3A_180 : memref<128xi32, #tpu.memory_space<vmem>>) semaphore(%dma_start3A_185 : memref<!tpu.dma_semaphore, #tpu.memory_space<semaphore_mem>>) {add = true}
    %dma_start3A_186 = arith.constant 1 : i32
    %dma_start3A_187 = arith.constant 1 : i32
    %dma_start3A_188 = arith.constant 0 : i32
    %dma_start3A_189 = tpu.memref_slice %arg12[%dma_start3A_186, %dma_start3A_188] : memref<80x128xi32, #tpu.memory_space<vmem>> -> memref<1x128xi32, #tpu.memory_space<vmem>>
    %dma_start3A_190 = tpu.memref_squeeze %dma_start3A_189 : memref<1x128xi32, #tpu.memory_space<vmem>> -> memref<128xi32, #tpu.memory_space<vmem>>
    %dma_start3A_191 = arith.constant 0 : i32
    %dma_start3A_192 = arith.constant 0 : i32
    %dma_start3A_193 = tpu.memref_slice %arg20[%dma_start3A_191, %dma_start3A_192] : memref<10112x8xf32, #tpu.memory_space<vmem_shared>> -> memref<10112x8xf32, #tpu.memory_space<vmem_shared>>
    %dma_start3A_194 = tpu.memref_slice %arg21[%dma_start3A_187] : memref<8x!tpu.dma_semaphore, #tpu.memory_space<semaphore_mem>> -> memref<1x!tpu.dma_semaphore, #tpu.memory_space<semaphore_mem>>
    %dma_start3A_195 = tpu.memref_squeeze %dma_start3A_194 : memref<1x!tpu.dma_semaphore, #tpu.memory_space<semaphore_mem>> -> memref<!tpu.dma_semaphore, #tpu.memory_space<semaphore_mem>>
    tpu.enqueue_indirect_dma source(%arg17 : memref<128x8xf32, #tpu.memory_space<vmem>>) target(%dma_start3A_193 : memref<10112x8xf32, #tpu.memory_space<vmem_shared>>) offsets(%dma_start3A_190 : memref<128xi32, #tpu.memory_space<vmem>>) semaphore(%dma_start3A_195 : memref<!tpu.dma_semaphore, #tpu.memory_space<semaphore_mem>>) {add = true}
    %dma_start3A_196 = arith.constant 2 : i32
    %dma_start3A_197 = arith.constant 2 : i32
    %dma_start3A_198 = arith.constant 0 : i32
    %dma_start3A_199 = tpu.memref_slice %arg12[%dma_start3A_196, %dma_start3A_198] : memref<80x128xi32, #tpu.memory_space<vmem>> -> memref<1x128xi32, #tpu.memory_space<vmem>>
    %dma_start3A_200 = tpu.memref_squeeze %dma_start3A_199 : memref<1x128xi32, #tpu.memory_space<vmem>> -> memref<128xi32, #tpu.memory_space<vmem>>
    %dma_start3A_201 = arith.constant 0 : i32
    %dma_start3A_202 = arith.constant 0 : i32
    %dma_start3A_203 = tpu.memref_slice %arg20[%dma_start3A_201, %dma_start3A_202] : memref<10112x8xf32, #tpu.memory_space<vmem_shared>> -> memref<10112x8xf32, #tpu.memory_space<vmem_shared>>
    %dma_start3A_204 = tpu.memref_slice %arg21[%dma_start3A_197] : memref<8x!tpu.dma_semaphore, #tpu.memory_space<semaphore_mem>> -> memref<1x!tpu.dma_semaphore, #tpu.memory_space<semaphore_mem>>
    %dma_start3A_205 = tpu.memref_squeeze %dma_start3A_204 : memref<1x!tpu.dma_semaphore, #tpu.memory_space<semaphore_mem>> -> memref<!tpu.dma_semaphore, #tpu.memory_space<semaphore_mem>>
    tpu.enqueue_indirect_dma source(%arg17 : memref<128x8xf32, #tpu.memory_space<vmem>>) target(%dma_start3A_203 : memref<10112x8xf32, #tpu.memory_space<vmem_shared>>) offsets(%dma_start3A_200 : memref<128xi32, #tpu.memory_space<vmem>>) semaphore(%dma_start3A_205 : memref<!tpu.dma_semaphore, #tpu.memory_space<semaphore_mem>>) {add = true}
    %dma_start3A_206 = arith.constant 3 : i32
    %dma_start3A_207 = arith.constant 3 : i32
    %dma_start3A_208 = arith.constant 0 : i32
    %dma_start3A_209 = tpu.memref_slice %arg12[%dma_start3A_206, %dma_start3A_208] : memref<80x128xi32, #tpu.memory_space<vmem>> -> memref<1x128xi32, #tpu.memory_space<vmem>>
    %dma_start3A_210 = tpu.memref_squeeze %dma_start3A_209 : memref<1x128xi32, #tpu.memory_space<vmem>> -> memref<128xi32, #tpu.memory_space<vmem>>
    %dma_start3A_211 = arith.constant 0 : i32
    %dma_start3A_212 = arith.constant 0 : i32
    %dma_start3A_213 = tpu.memref_slice %arg20[%dma_start3A_211, %dma_start3A_212] : memref<10112x8xf32, #tpu.memory_space<vmem_shared>> -> memref<10112x8xf32, #tpu.memory_space<vmem_shared>>
    %dma_start3A_214 = tpu.memref_slice %arg21[%dma_start3A_207] : memref<8x!tpu.dma_semaphore, #tpu.memory_space<semaphore_mem>> -> memref<1x!tpu.dma_semaphore, #tpu.memory_space<semaphore_mem>>
    %dma_start3A_215 = tpu.memref_squeeze %dma_start3A_214 : memref<1x!tpu.dma_semaphore, #tpu.memory_space<semaphore_mem>> -> memref<!tpu.dma_semaphore, #tpu.memory_space<semaphore_mem>>
    tpu.enqueue_indirect_dma source(%arg17 : memref<128x8xf32, #tpu.memory_space<vmem>>) target(%dma_start3A_213 : memref<10112x8xf32, #tpu.memory_space<vmem_shared>>) offsets(%dma_start3A_210 : memref<128xi32, #tpu.memory_space<vmem>>) semaphore(%dma_start3A_215 : memref<!tpu.dma_semaphore, #tpu.memory_space<semaphore_mem>>) {add = true}
    %dma_start3A_216 = arith.constant 4 : i32
    %dma_start3A_217 = arith.constant 4 : i32
    %dma_start3A_218 = arith.constant 0 : i32
    %dma_start3A_219 = tpu.memref_slice %arg12[%dma_start3A_216, %dma_start3A_218] : memref<80x128xi32, #tpu.memory_space<vmem>> -> memref<1x128xi32, #tpu.memory_space<vmem>>
    %dma_start3A_220 = tpu.memref_squeeze %dma_start3A_219 : memref<1x128xi32, #tpu.memory_space<vmem>> -> memref<128xi32, #tpu.memory_space<vmem>>
    %dma_start3A_221 = arith.constant 0 : i32
    %dma_start3A_222 = arith.constant 0 : i32
    %dma_start3A_223 = tpu.memref_slice %arg20[%dma_start3A_221, %dma_start3A_222] : memref<10112x8xf32, #tpu.memory_space<vmem_shared>> -> memref<10112x8xf32, #tpu.memory_space<vmem_shared>>
    %dma_start3A_224 = tpu.memref_slice %arg21[%dma_start3A_217] : memref<8x!tpu.dma_semaphore, #tpu.memory_space<semaphore_mem>> -> memref<1x!tpu.dma_semaphore, #tpu.memory_space<semaphore_mem>>
    %dma_start3A_225 = tpu.memref_squeeze %dma_start3A_224 : memref<1x!tpu.dma_semaphore, #tpu.memory_space<semaphore_mem>> -> memref<!tpu.dma_semaphore, #tpu.memory_space<semaphore_mem>>
    tpu.enqueue_indirect_dma source(%arg17 : memref<128x8xf32, #tpu.memory_space<vmem>>) target(%dma_start3A_223 : memref<10112x8xf32, #tpu.memory_space<vmem_shared>>) offsets(%dma_start3A_220 : memref<128xi32, #tpu.memory_space<vmem>>) semaphore(%dma_start3A_225 : memref<!tpu.dma_semaphore, #tpu.memory_space<semaphore_mem>>) {add = true}
    %dma_start3A_226 = arith.constant 5 : i32
    %dma_start3A_227 = arith.constant 5 : i32
    %dma_start3A_228 = arith.constant 0 : i32
    %dma_start3A_229 = tpu.memref_slice %arg12[%dma_start3A_226, %dma_start3A_228] : memref<80x128xi32, #tpu.memory_space<vmem>> -> memref<1x128xi32, #tpu.memory_space<vmem>>
    %dma_start3A_230 = tpu.memref_squeeze %dma_start3A_229 : memref<1x128xi32, #tpu.memory_space<vmem>> -> memref<128xi32, #tpu.memory_space<vmem>>
    %dma_start3A_231 = arith.constant 0 : i32
    %dma_start3A_232 = arith.constant 0 : i32
    %dma_start3A_233 = tpu.memref_slice %arg20[%dma_start3A_231, %dma_start3A_232] : memref<10112x8xf32, #tpu.memory_space<vmem_shared>> -> memref<10112x8xf32, #tpu.memory_space<vmem_shared>>
    %dma_start3A_234 = tpu.memref_slice %arg21[%dma_start3A_227] : memref<8x!tpu.dma_semaphore, #tpu.memory_space<semaphore_mem>> -> memref<1x!tpu.dma_semaphore, #tpu.memory_space<semaphore_mem>>
    %dma_start3A_235 = tpu.memref_squeeze %dma_start3A_234 : memref<1x!tpu.dma_semaphore, #tpu.memory_space<semaphore_mem>> -> memref<!tpu.dma_semaphore, #tpu.memory_space<semaphore_mem>>
    tpu.enqueue_indirect_dma source(%arg17 : memref<128x8xf32, #tpu.memory_space<vmem>>) target(%dma_start3A_233 : memref<10112x8xf32, #tpu.memory_space<vmem_shared>>) offsets(%dma_start3A_230 : memref<128xi32, #tpu.memory_space<vmem>>) semaphore(%dma_start3A_235 : memref<!tpu.dma_semaphore, #tpu.memory_space<semaphore_mem>>) {add = true}
    %dma_start3A_236 = arith.constant 6 : i32
    %dma_start3A_237 = arith.constant 6 : i32
    %dma_start3A_238 = arith.constant 0 : i32
    %dma_start3A_239 = tpu.memref_slice %arg12[%dma_start3A_236, %dma_start3A_238] : memref<80x128xi32, #tpu.memory_space<vmem>> -> memref<1x128xi32, #tpu.memory_space<vmem>>
    %dma_start3A_240 = tpu.memref_squeeze %dma_start3A_239 : memref<1x128xi32, #tpu.memory_space<vmem>> -> memref<128xi32, #tpu.memory_space<vmem>>
    %dma_start3A_241 = arith.constant 0 : i32
    %dma_start3A_242 = arith.constant 0 : i32
    %dma_start3A_243 = tpu.memref_slice %arg20[%dma_start3A_241, %dma_start3A_242] : memref<10112x8xf32, #tpu.memory_space<vmem_shared>> -> memref<10112x8xf32, #tpu.memory_space<vmem_shared>>
    %dma_start3A_244 = tpu.memref_slice %arg21[%dma_start3A_237] : memref<8x!tpu.dma_semaphore, #tpu.memory_space<semaphore_mem>> -> memref<1x!tpu.dma_semaphore, #tpu.memory_space<semaphore_mem>>
    %dma_start3A_245 = tpu.memref_squeeze %dma_start3A_244 : memref<1x!tpu.dma_semaphore, #tpu.memory_space<semaphore_mem>> -> memref<!tpu.dma_semaphore, #tpu.memory_space<semaphore_mem>>
    tpu.enqueue_indirect_dma source(%arg17 : memref<128x8xf32, #tpu.memory_space<vmem>>) target(%dma_start3A_243 : memref<10112x8xf32, #tpu.memory_space<vmem_shared>>) offsets(%dma_start3A_240 : memref<128xi32, #tpu.memory_space<vmem>>) semaphore(%dma_start3A_245 : memref<!tpu.dma_semaphore, #tpu.memory_space<semaphore_mem>>) {add = true}
    %dma_start3A_246 = arith.constant 7 : i32
    %dma_start3A_247 = arith.constant 7 : i32
    %dma_start3A_248 = arith.constant 0 : i32
    %dma_start3A_249 = tpu.memref_slice %arg12[%dma_start3A_246, %dma_start3A_248] : memref<80x128xi32, #tpu.memory_space<vmem>> -> memref<1x128xi32, #tpu.memory_space<vmem>>
    %dma_start3A_250 = tpu.memref_squeeze %dma_start3A_249 : memref<1x128xi32, #tpu.memory_space<vmem>> -> memref<128xi32, #tpu.memory_space<vmem>>
    %dma_start3A_251 = arith.constant 0 : i32
    %dma_start3A_252 = arith.constant 0 : i32
    %dma_start3A_253 = tpu.memref_slice %arg20[%dma_start3A_251, %dma_start3A_252] : memref<10112x8xf32, #tpu.memory_space<vmem_shared>> -> memref<10112x8xf32, #tpu.memory_space<vmem_shared>>
    %dma_start3A_254 = tpu.memref_slice %arg21[%dma_start3A_247] : memref<8x!tpu.dma_semaphore, #tpu.memory_space<semaphore_mem>> -> memref<1x!tpu.dma_semaphore, #tpu.memory_space<semaphore_mem>>
    %dma_start3A_255 = tpu.memref_squeeze %dma_start3A_254 : memref<1x!tpu.dma_semaphore, #tpu.memory_space<semaphore_mem>> -> memref<!tpu.dma_semaphore, #tpu.memory_space<semaphore_mem>>
    tpu.enqueue_indirect_dma source(%arg17 : memref<128x8xf32, #tpu.memory_space<vmem>>) target(%dma_start3A_253 : memref<10112x8xf32, #tpu.memory_space<vmem_shared>>) offsets(%dma_start3A_250 : memref<128xi32, #tpu.memory_space<vmem>>) semaphore(%dma_start3A_255 : memref<!tpu.dma_semaphore, #tpu.memory_space<semaphore_mem>>) {add = true}
    %scan3A_256 = arith.constant 0 : i32
    %scan3A_257 = arith.constant 0 : i32
    %scan3A_258 = arith.constant 72 : i32
    %scan3A_259 = arith.addi %scan3A_257, %scan3A_258 : i32
    %scan3A_260 = arith.constant 1 : i32
    scf.for %scan3A_483 = %scan3A_257 to %scan3A_259 step %scan3A_260  : i32 {
      %rem3A = arith.constant 8 : i32
      %rem3A_484 = arith.remsi %scan3A_483, %rem3A : i32
      %dma_wait3A_485 = arith.constant 0 : i32
      %dma_wait3A_486 = tpu.memref_slice %arg12[%scan3A_483, %dma_wait3A_485] : memref<80x128xi32, #tpu.memory_space<vmem>> -> memref<1x128xi32, #tpu.memory_space<vmem>>
      %dma_wait3A_487 = tpu.memref_squeeze %dma_wait3A_486 : memref<1x128xi32, #tpu.memory_space<vmem>> -> memref<128xi32, #tpu.memory_space<vmem>>
      %dma_wait3A_488 = arith.constant 0 : i32
      %dma_wait3A_489 = arith.constant 0 : i32
      %dma_wait3A_490 = tpu.memref_slice %arg20[%dma_wait3A_488, %dma_wait3A_489] : memref<10112x8xf32, #tpu.memory_space<vmem_shared>> -> memref<10112x8xf32, #tpu.memory_space<vmem_shared>>
      %dma_wait3A_491 = tpu.memref_slice %arg21[%rem3A_484] : memref<8x!tpu.dma_semaphore, #tpu.memory_space<semaphore_mem>> -> memref<1x!tpu.dma_semaphore, #tpu.memory_space<semaphore_mem>>
      %dma_wait3A_492 = tpu.memref_squeeze %dma_wait3A_491 : memref<1x!tpu.dma_semaphore, #tpu.memory_space<semaphore_mem>> -> memref<!tpu.dma_semaphore, #tpu.memory_space<semaphore_mem>>
      tpu.wait_indirect_dma semaphore(%dma_wait3A_492 : memref<!tpu.dma_semaphore, #tpu.memory_space<semaphore_mem>>) src(%arg17 : memref<128x8xf32, #tpu.memory_space<vmem>>) dst(%dma_wait3A_490 : memref<10112x8xf32, #tpu.memory_space<vmem_shared>>)
      %add3A_493 = arith.constant 8 : i32
      %add3A_494 = arith.addi %scan3A_483, %add3A_493 : i32
      %dma_start3A_495 = arith.constant 0 : i32
      %dma_start3A_496 = tpu.memref_slice %arg12[%add3A_494, %dma_start3A_495] : memref<80x128xi32, #tpu.memory_space<vmem>> -> memref<1x128xi32, #tpu.memory_space<vmem>>
      %dma_start3A_497 = tpu.memref_squeeze %dma_start3A_496 : memref<1x128xi32, #tpu.memory_space<vmem>> -> memref<128xi32, #tpu.memory_space<vmem>>
      %dma_start3A_498 = arith.constant 0 : i32
      %dma_start3A_499 = arith.constant 0 : i32
      %dma_start3A_500 = tpu.memref_slice %arg20[%dma_start3A_498, %dma_start3A_499] : memref<10112x8xf32, #tpu.memory_space<vmem_shared>> -> memref<10112x8xf32, #tpu.memory_space<vmem_shared>>
      %dma_start3A_501 = tpu.memref_slice %arg21[%rem3A_484] : memref<8x!tpu.dma_semaphore, #tpu.memory_space<semaphore_mem>> -> memref<1x!tpu.dma_semaphore, #tpu.memory_space<semaphore_mem>>
      %dma_start3A_502 = tpu.memref_squeeze %dma_start3A_501 : memref<1x!tpu.dma_semaphore, #tpu.memory_space<semaphore_mem>> -> memref<!tpu.dma_semaphore, #tpu.memory_space<semaphore_mem>>
      tpu.enqueue_indirect_dma source(%arg17 : memref<128x8xf32, #tpu.memory_space<vmem>>) target(%dma_start3A_500 : memref<10112x8xf32, #tpu.memory_space<vmem_shared>>) offsets(%dma_start3A_497 : memref<128xi32, #tpu.memory_space<vmem>>) semaphore(%dma_start3A_502 : memref<!tpu.dma_semaphore, #tpu.memory_space<semaphore_mem>>) {add = true}
    }
    %scan3A_261 = arith.constant 72 : i32
    %dma_wait3A_262 = arith.constant 72 : i32
    %dma_wait3A_263 = arith.constant 0 : i32
    %dma_wait3A_264 = arith.constant 0 : i32
    %dma_wait3A_265 = tpu.memref_slice %arg12[%dma_wait3A_262, %dma_wait3A_264] : memref<80x128xi32, #tpu.memory_space<vmem>> -> memref<1x128xi32, #tpu.memory_space<vmem>>
    %dma_wait3A_266 = tpu.memref_squeeze %dma_wait3A_265 : memref<1x128xi32, #tpu.memory_space<vmem>> -> memref<128xi32, #tpu.memory_space<vmem>>
    %dma_wait3A_267 = arith.constant 0 : i32
    %dma_wait3A_268 = arith.constant 0 : i32
    %dma_wait3A_269 = tpu.memref_slice %arg20[%dma_wait3A_267, %dma_wait3A_268] : memref<10112x8xf32, #tpu.memory_space<vmem_shared>> -> memref<10112x8xf32, #tpu.memory_space<vmem_shared>>
    %dma_wait3A_270 = tpu.memref_slice %arg21[%dma_wait3A_263] : memref<8x!tpu.dma_semaphore, #tpu.memory_space<semaphore_mem>> -> memref<1x!tpu.dma_semaphore, #tpu.memory_space<semaphore_mem>>
    %dma_wait3A_271 = tpu.memref_squeeze %dma_wait3A_270 : memref<1x!tpu.dma_semaphore, #tpu.memory_space<semaphore_mem>> -> memref<!tpu.dma_semaphore, #tpu.memory_space<semaphore_mem>>
    tpu.wait_indirect_dma semaphore(%dma_wait3A_271 : memref<!tpu.dma_semaphore, #tpu.memory_space<semaphore_mem>>) src(%arg17 : memref<128x8xf32, #tpu.memory_space<vmem>>) dst(%dma_wait3A_269 : memref<10112x8xf32, #tpu.memory_space<vmem_shared>>)
    %dma_wait3A_272 = arith.constant 73 : i32
    %dma_wait3A_273 = arith.constant 1 : i32
    %dma_wait3A_274 = arith.constant 0 : i32
    %dma_wait3A_275 = tpu.memref_slice %arg12[%dma_wait3A_272, %dma_wait3A_274] : memref<80x128xi32, #tpu.memory_space<vmem>> -> memref<1x128xi32, #tpu.memory_space<vmem>>
    %dma_wait3A_276 = tpu.memref_squeeze %dma_wait3A_275 : memref<1x128xi32, #tpu.memory_space<vmem>> -> memref<128xi32, #tpu.memory_space<vmem>>
    %dma_wait3A_277 = arith.constant 0 : i32
    %dma_wait3A_278 = arith.constant 0 : i32
    %dma_wait3A_279 = tpu.memref_slice %arg20[%dma_wait3A_277, %dma_wait3A_278] : memref<10112x8xf32, #tpu.memory_space<vmem_shared>> -> memref<10112x8xf32, #tpu.memory_space<vmem_shared>>
    %dma_wait3A_280 = tpu.memref_slice %arg21[%dma_wait3A_273] : memref<8x!tpu.dma_semaphore, #tpu.memory_space<semaphore_mem>> -> memref<1x!tpu.dma_semaphore, #tpu.memory_space<semaphore_mem>>
    %dma_wait3A_281 = tpu.memref_squeeze %dma_wait3A_280 : memref<1x!tpu.dma_semaphore, #tpu.memory_space<semaphore_mem>> -> memref<!tpu.dma_semaphore, #tpu.memory_space<semaphore_mem>>
    tpu.wait_indirect_dma semaphore(%dma_wait3A_281 : memref<!tpu.dma_semaphore, #tpu.memory_space<semaphore_mem>>) src(%arg17 : memref<128x8xf32, #tpu.memory_space<vmem>>) dst(%dma_wait3A_279 : memref<10112x8xf32, #tpu.memory_space<vmem_shared>>)
    %dma_wait3A_282 = arith.constant 74 : i32
    %dma_wait3A_283 = arith.constant 2 : i32
    %dma_wait3A_284 = arith.constant 0 : i32
    %dma_wait3A_285 = tpu.memref_slice %arg12[%dma_wait3A_282, %dma_wait3A_284] : memref<80x128xi32, #tpu.memory_space<vmem>> -> memref<1x128xi32, #tpu.memory_space<vmem>>
    %dma_wait3A_286 = tpu.memref_squeeze %dma_wait3A_285 : memref<1x128xi32, #tpu.memory_space<vmem>> -> memref<128xi32, #tpu.memory_space<vmem>>
    %dma_wait3A_287 = arith.constant 0 : i32
    %dma_wait3A_288 = arith.constant 0 : i32
    %dma_wait3A_289 = tpu.memref_slice %arg20[%dma_wait3A_287, %dma_wait3A_288] : memref<10112x8xf32, #tpu.memory_space<vmem_shared>> -> memref<10112x8xf32, #tpu.memory_space<vmem_shared>>
    %dma_wait3A_290 = tpu.memref_slice %arg21[%dma_wait3A_283] : memref<8x!tpu.dma_semaphore, #tpu.memory_space<semaphore_mem>> -> memref<1x!tpu.dma_semaphore, #tpu.memory_space<semaphore_mem>>
    %dma_wait3A_291 = tpu.memref_squeeze %dma_wait3A_290 : memref<1x!tpu.dma_semaphore, #tpu.memory_space<semaphore_mem>> -> memref<!tpu.dma_semaphore, #tpu.memory_space<semaphore_mem>>
    tpu.wait_indirect_dma semaphore(%dma_wait3A_291 : memref<!tpu.dma_semaphore, #tpu.memory_space<semaphore_mem>>) src(%arg17 : memref<128x8xf32, #tpu.memory_space<vmem>>) dst(%dma_wait3A_289 : memref<10112x8xf32, #tpu.memory_space<vmem_shared>>)
    %dma_wait3A_292 = arith.constant 75 : i32
    %dma_wait3A_293 = arith.constant 3 : i32
    %dma_wait3A_294 = arith.constant 0 : i32
    %dma_wait3A_295 = tpu.memref_slice %arg12[%dma_wait3A_292, %dma_wait3A_294] : memref<80x128xi32, #tpu.memory_space<vmem>> -> memref<1x128xi32, #tpu.memory_space<vmem>>
    %dma_wait3A_296 = tpu.memref_squeeze %dma_wait3A_295 : memref<1x128xi32, #tpu.memory_space<vmem>> -> memref<128xi32, #tpu.memory_space<vmem>>
    %dma_wait3A_297 = arith.constant 0 : i32
    %dma_wait3A_298 = arith.constant 0 : i32
    %dma_wait3A_299 = tpu.memref_slice %arg20[%dma_wait3A_297, %dma_wait3A_298] : memref<10112x8xf32, #tpu.memory_space<vmem_shared>> -> memref<10112x8xf32, #tpu.memory_space<vmem_shared>>
    %dma_wait3A_300 = tpu.memref_slice %arg21[%dma_wait3A_293] : memref<8x!tpu.dma_semaphore, #tpu.memory_space<semaphore_mem>> -> memref<1x!tpu.dma_semaphore, #tpu.memory_space<semaphore_mem>>
    %dma_wait3A_301 = tpu.memref_squeeze %dma_wait3A_300 : memref<1x!tpu.dma_semaphore, #tpu.memory_space<semaphore_mem>> -> memref<!tpu.dma_semaphore, #tpu.memory_space<semaphore_mem>>
    tpu.wait_indirect_dma semaphore(%dma_wait3A_301 : memref<!tpu.dma_semaphore, #tpu.memory_space<semaphore_mem>>) src(%arg17 : memref<128x8xf32, #tpu.memory_space<vmem>>) dst(%dma_wait3A_299 : memref<10112x8xf32, #tpu.memory_space<vmem_shared>>)
    %dma_wait3A_302 = arith.constant 76 : i32
    %dma_wait3A_303 = arith.constant 4 : i32
    %dma_wait3A_304 = arith.constant 0 : i32
    %dma_wait3A_305 = tpu.memref_slice %arg12[%dma_wait3A_302, %dma_wait3A_304] : memref<80x128xi32, #tpu.memory_space<vmem>> -> memref<1x128xi32, #tpu.memory_space<vmem>>
    %dma_wait3A_306 = tpu.memref_squeeze %dma_wait3A_305 : memref<1x128xi32, #tpu.memory_space<vmem>> -> memref<128xi32, #tpu.memory_space<vmem>>
    %dma_wait3A_307 = arith.constant 0 : i32
    %dma_wait3A_308 = arith.constant 0 : i32
    %dma_wait3A_309 = tpu.memref_slice %arg20[%dma_wait3A_307, %dma_wait3A_308] : memref<10112x8xf32, #tpu.memory_space<vmem_shared>> -> memref<10112x8xf32, #tpu.memory_space<vmem_shared>>
    %dma_wait3A_310 = tpu.memref_slice %arg21[%dma_wait3A_303] : memref<8x!tpu.dma_semaphore, #tpu.memory_space<semaphore_mem>> -> memref<1x!tpu.dma_semaphore, #tpu.memory_space<semaphore_mem>>
    %dma_wait3A_311 = tpu.memref_squeeze %dma_wait3A_310 : memref<1x!tpu.dma_semaphore, #tpu.memory_space<semaphore_mem>> -> memref<!tpu.dma_semaphore, #tpu.memory_space<semaphore_mem>>
    tpu.wait_indirect_dma semaphore(%dma_wait3A_311 : memref<!tpu.dma_semaphore, #tpu.memory_space<semaphore_mem>>) src(%arg17 : memref<128x8xf32, #tpu.memory_space<vmem>>) dst(%dma_wait3A_309 : memref<10112x8xf32, #tpu.memory_space<vmem_shared>>)
    %dma_wait3A_312 = arith.constant 77 : i32
    %dma_wait3A_313 = arith.constant 5 : i32
    %dma_wait3A_314 = arith.constant 0 : i32
    %dma_wait3A_315 = tpu.memref_slice %arg12[%dma_wait3A_312, %dma_wait3A_314] : memref<80x128xi32, #tpu.memory_space<vmem>> -> memref<1x128xi32, #tpu.memory_space<vmem>>
    %dma_wait3A_316 = tpu.memref_squeeze %dma_wait3A_315 : memref<1x128xi32, #tpu.memory_space<vmem>> -> memref<128xi32, #tpu.memory_space<vmem>>
    %dma_wait3A_317 = arith.constant 0 : i32
    %dma_wait3A_318 = arith.constant 0 : i32
    %dma_wait3A_319 = tpu.memref_slice %arg20[%dma_wait3A_317, %dma_wait3A_318] : memref<10112x8xf32, #tpu.memory_space<vmem_shared>> -> memref<10112x8xf32, #tpu.memory_space<vmem_shared>>
    %dma_wait3A_320 = tpu.memref_slice %arg21[%dma_wait3A_313] : memref<8x!tpu.dma_semaphore, #tpu.memory_space<semaphore_mem>> -> memref<1x!tpu.dma_semaphore, #tpu.memory_space<semaphore_mem>>
    %dma_wait3A_321 = tpu.memref_squeeze %dma_wait3A_320 : memref<1x!tpu.dma_semaphore, #tpu.memory_space<semaphore_mem>> -> memref<!tpu.dma_semaphore, #tpu.memory_space<semaphore_mem>>
    tpu.wait_indirect_dma semaphore(%dma_wait3A_321 : memref<!tpu.dma_semaphore, #tpu.memory_space<semaphore_mem>>) src(%arg17 : memref<128x8xf32, #tpu.memory_space<vmem>>) dst(%dma_wait3A_319 : memref<10112x8xf32, #tpu.memory_space<vmem_shared>>)
    %dma_wait3A_322 = arith.constant 78 : i32
    %dma_wait3A_323 = arith.constant 6 : i32
    %dma_wait3A_324 = arith.constant 0 : i32
    %dma_wait3A_325 = tpu.memref_slice %arg12[%dma_wait3A_322, %dma_wait3A_324] : memref<80x128xi32, #tpu.memory_space<vmem>> -> memref<1x128xi32, #tpu.memory_space<vmem>>
    %dma_wait3A_326 = tpu.memref_squeeze %dma_wait3A_325 : memref<1x128xi32, #tpu.memory_space<vmem>> -> memref<128xi32, #tpu.memory_space<vmem>>
    %dma_wait3A_327 = arith.constant 0 : i32
    %dma_wait3A_328 = arith.constant 0 : i32
    %dma_wait3A_329 = tpu.memref_slice %arg20[%dma_wait3A_327, %dma_wait3A_328] : memref<10112x8xf32, #tpu.memory_space<vmem_shared>> -> memref<10112x8xf32, #tpu.memory_space<vmem_shared>>
    %dma_wait3A_330 = tpu.memref_slice %arg21[%dma_wait3A_323] : memref<8x!tpu.dma_semaphore, #tpu.memory_space<semaphore_mem>> -> memref<1x!tpu.dma_semaphore, #tpu.memory_space<semaphore_mem>>
    %dma_wait3A_331 = tpu.memref_squeeze %dma_wait3A_330 : memref<1x!tpu.dma_semaphore, #tpu.memory_space<semaphore_mem>> -> memref<!tpu.dma_semaphore, #tpu.memory_space<semaphore_mem>>
    tpu.wait_indirect_dma semaphore(%dma_wait3A_331 : memref<!tpu.dma_semaphore, #tpu.memory_space<semaphore_mem>>) src(%arg17 : memref<128x8xf32, #tpu.memory_space<vmem>>) dst(%dma_wait3A_329 : memref<10112x8xf32, #tpu.memory_space<vmem_shared>>)
    %dma_wait3A_332 = arith.constant 79 : i32
    %dma_wait3A_333 = arith.constant 7 : i32
    %dma_wait3A_334 = arith.constant 0 : i32
    %dma_wait3A_335 = tpu.memref_slice %arg12[%dma_wait3A_332, %dma_wait3A_334] : memref<80x128xi32, #tpu.memory_space<vmem>> -> memref<1x128xi32, #tpu.memory_space<vmem>>
    %dma_wait3A_336 = tpu.memref_squeeze %dma_wait3A_335 : memref<1x128xi32, #tpu.memory_space<vmem>> -> memref<128xi32, #tpu.memory_space<vmem>>
    %dma_wait3A_337 = arith.constant 0 : i32
    %dma_wait3A_338 = arith.constant 0 : i32
    %dma_wait3A_339 = tpu.memref_slice %arg20[%dma_wait3A_337, %dma_wait3A_338] : memref<10112x8xf32, #tpu.memory_space<vmem_shared>> -> memref<10112x8xf32, #tpu.memory_space<vmem_shared>>
    %dma_wait3A_340 = tpu.memref_slice %arg21[%dma_wait3A_333] : memref<8x!tpu.dma_semaphore, #tpu.memory_space<semaphore_mem>> -> memref<1x!tpu.dma_semaphore, #tpu.memory_space<semaphore_mem>>
    %dma_wait3A_341 = tpu.memref_squeeze %dma_wait3A_340 : memref<1x!tpu.dma_semaphore, #tpu.memory_space<semaphore_mem>> -> memref<!tpu.dma_semaphore, #tpu.memory_space<semaphore_mem>>
    tpu.wait_indirect_dma semaphore(%dma_wait3A_341 : memref<!tpu.dma_semaphore, #tpu.memory_space<semaphore_mem>>) src(%arg17 : memref<128x8xf32, #tpu.memory_space<vmem>>) dst(%dma_wait3A_339 : memref<10112x8xf32, #tpu.memory_space<vmem_shared>>)
    %barrier3A_342 = arith.constant 0 : index
    tpu.barrier barrier_id(%barrier3A_342)
    "tpu.region"() ({
      %run_scoped3A = tpu.sem_alloc : memref<!tpu.dma_semaphore, #tpu.memory_space<semaphore_mem>>
      %dma_start3A_483 = arith.constant 0 : i32
      %dma_start3A_484 = arith.constant 0 : i32
      %dma_start3A_485 = tpu.memref_slice %arg15[%dma_start3A_483, %dma_start3A_484] : memref<632x16xf32, #tpu.memory_space<vmem>> -> memref<632x8xf32, #tpu.memory_space<vmem>>
      %dma_start3A_486 = arith.constant 0 : i32
      %dma_start3A_487 = tpu.memref_slice %arg20[%mul3A_6, %dma_start3A_486] : memref<10112x8xf32, #tpu.memory_space<vmem_shared>> -> memref<632x8xf32, #tpu.memory_space<vmem_shared>>
      %dma_start3A_488 = arith.constant 0 : i32
      %dma_start3A_489 = arith.constant 0 : i32
      %dma_start3A_490 = tpu.memref_slice %arg15[%dma_start3A_488, %dma_start3A_489] : memref<632x16xf32, #tpu.memory_space<vmem>> -> memref<632x8xf32, #tpu.memory_space<vmem>>
      %dma_start3A_491 = arith.constant 0 : i32
      %dma_start3A_492 = tpu.memref_slice %arg20[%mul3A_6, %dma_start3A_491] : memref<10112x8xf32, #tpu.memory_space<vmem_shared>> -> memref<632x8xf32, #tpu.memory_space<vmem_shared>>
      tpu.enqueue_dma source(%dma_start3A_492 : memref<632x8xf32, #tpu.memory_space<vmem_shared>>) target(%dma_start3A_490 : memref<632x8xf32, #tpu.memory_space<vmem>>) target_semaphore(%run_scoped3A : memref<!tpu.dma_semaphore, #tpu.memory_space<semaphore_mem>>)
      %dma_wait3A_493 = arith.constant 0 : i32
      %dma_wait3A_494 = arith.constant 0 : i32
      %dma_wait3A_495 = tpu.memref_slice %arg15[%dma_wait3A_493, %dma_wait3A_494] : memref<632x16xf32, #tpu.memory_space<vmem>> -> memref<632x8xf32, #tpu.memory_space<vmem>>
      %dma_wait3A_496 = arith.constant 0 : i32
      %dma_wait3A_497 = tpu.memref_slice %arg20[%mul3A_6, %dma_wait3A_496] : memref<10112x8xf32, #tpu.memory_space<vmem_shared>> -> memref<632x8xf32, #tpu.memory_space<vmem_shared>>
      %dma_wait3A_498 = arith.constant 0 : i32
      %dma_wait3A_499 = arith.constant 0 : i32
      %dma_wait3A_500 = tpu.memref_slice %arg15[%dma_wait3A_498, %dma_wait3A_499] : memref<632x16xf32, #tpu.memory_space<vmem>> -> memref<632x8xf32, #tpu.memory_space<vmem>>
      %dma_wait3A_501 = arith.constant 0 : i32
      %dma_wait3A_502 = tpu.memref_slice %arg20[%mul3A_6, %dma_wait3A_501] : memref<10112x8xf32, #tpu.memory_space<vmem_shared>> -> memref<632x8xf32, #tpu.memory_space<vmem_shared>>
      tpu.wait_dma2 semaphore(%run_scoped3A : memref<!tpu.dma_semaphore, #tpu.memory_space<semaphore_mem>>) src(%dma_wait3A_502 : memref<632x8xf32, #tpu.memory_space<vmem_shared>>) dst(%dma_wait3A_500 : memref<632x8xf32, #tpu.memory_space<vmem>>)
      tpu.yield
    }) : () -> ()
    "tpu.region"() ({
      %run_scoped3A = tpu.sem_alloc : memref<!tpu.dma_semaphore, #tpu.memory_space<semaphore_mem>>
      %dma_start3A_483 = arith.constant 0 : i32
      %dma_start3A_484 = arith.constant 8 : i32
      %dma_start3A_485 = tpu.memref_slice %arg15[%dma_start3A_483, %dma_start3A_484] : memref<632x16xf32, #tpu.memory_space<vmem>> -> memref<632x8xf32, #tpu.memory_space<vmem>>
      %dma_start3A_486 = arith.constant 0 : i32
      %dma_start3A_487 = tpu.memref_slice %arg20[%mul3A_6, %dma_start3A_486] : memref<10112x8xf32, #tpu.memory_space<vmem_shared>> -> memref<632x8xf32, #tpu.memory_space<vmem_shared>>
      %dma_start3A_488 = arith.constant 0 : i32
      %dma_start3A_489 = arith.constant 8 : i32
      %dma_start3A_490 = tpu.memref_slice %arg15[%dma_start3A_488, %dma_start3A_489] : memref<632x16xf32, #tpu.memory_space<vmem>> -> memref<632x8xf32, #tpu.memory_space<vmem>>
      %dma_start3A_491 = arith.constant 0 : i32
      %dma_start3A_492 = tpu.memref_slice %arg20[%mul3A_6, %dma_start3A_491] : memref<10112x8xf32, #tpu.memory_space<vmem_shared>> -> memref<632x8xf32, #tpu.memory_space<vmem_shared>>
      tpu.enqueue_dma source(%dma_start3A_492 : memref<632x8xf32, #tpu.memory_space<vmem_shared>>) target(%dma_start3A_490 : memref<632x8xf32, #tpu.memory_space<vmem>>) target_semaphore(%run_scoped3A : memref<!tpu.dma_semaphore, #tpu.memory_space<semaphore_mem>>)
      %dma_wait3A_493 = arith.constant 0 : i32
      %dma_wait3A_494 = arith.constant 8 : i32
      %dma_wait3A_495 = tpu.memref_slice %arg15[%dma_wait3A_493, %dma_wait3A_494] : memref<632x16xf32, #tpu.memory_space<vmem>> -> memref<632x8xf32, #tpu.memory_space<vmem>>
      %dma_wait3A_496 = arith.constant 0 : i32
      %dma_wait3A_497 = tpu.memref_slice %arg20[%mul3A_6, %dma_wait3A_496] : memref<10112x8xf32, #tpu.memory_space<vmem_shared>> -> memref<632x8xf32, #tpu.memory_space<vmem_shared>>
      %dma_wait3A_498 = arith.constant 0 : i32
      %dma_wait3A_499 = arith.constant 8 : i32
      %dma_wait3A_500 = tpu.memref_slice %arg15[%dma_wait3A_498, %dma_wait3A_499] : memref<632x16xf32, #tpu.memory_space<vmem>> -> memref<632x8xf32, #tpu.memory_space<vmem>>
      %dma_wait3A_501 = arith.constant 0 : i32
      %dma_wait3A_502 = tpu.memref_slice %arg20[%mul3A_6, %dma_wait3A_501] : memref<10112x8xf32, #tpu.memory_space<vmem_shared>> -> memref<632x8xf32, #tpu.memory_space<vmem_shared>>
      tpu.wait_dma2 semaphore(%run_scoped3A : memref<!tpu.dma_semaphore, #tpu.memory_space<semaphore_mem>>) src(%dma_wait3A_502 : memref<632x8xf32, #tpu.memory_space<vmem_shared>>) dst(%dma_wait3A_500 : memref<632x8xf32, #tpu.memory_space<vmem>>)
      tpu.yield
    }) : () -> ()
    %scan3A_343 = arith.constant 0 : i32
    %scan3A_344 = arith.constant 0 : i32
    %scan3A_345 = arith.constant 632 : i32
    %scan3A_346 = arith.addi %scan3A_344, %scan3A_345 : i32
    %scan3A_347 = arith.constant 1 : i32
    scf.for %scan3A_483 = %scan3A_344 to %scan3A_346 step %scan3A_347  : i32 {
      %get3A = arith.index_cast %scan3A_483 : i32 to index
      %get3A_484 = arith.constant 0 : index
      %get3A_485 = tpu.vector_load %arg15[%get3A, %get3A_484] {strides = array<i32>} : memref<632x16xf32, #tpu.memory_space<vmem>>, vector<1x16xf32>,
      %get3A_486 = vector.shape_cast %get3A_485 : vector<1x16xf32> to vector<16xf32>
      %add3A_487 = arith.constant 1.000000e+00 : f32
      %add3A_488 = vector.broadcast %add3A_487 : f32 to vector<16xf32>
      %add3A_489 = arith.addf %add3A_488, %get3A_486 : vector<16xf32>
      %bitcast_convert_type3A = tpu.bitcast %add3A_489 : vector<16xf32> -> vector<16xi32>
      %shift_right_arithmetic3A = arith.constant 1 : i32
      %shift_right_arithmetic3A_490 = vector.broadcast %shift_right_arithmetic3A : i32 to vector<16xi32>
      %shift_right_arithmetic3A_491 = arith.shrsi %bitcast_convert_type3A, %shift_right_arithmetic3A_490 : vector<16xi32>
      %sub3A_492 = arith.constant 1597463007 : i32
      %sub3A_493 = vector.broadcast %sub3A_492 : i32 to vector<16xi32>
      %sub3A_494 = arith.subi %sub3A_493, %shift_right_arithmetic3A_491 : vector<16xi32>
      %bitcast_convert_type3A_495 = tpu.bitcast %sub3A_494 : vector<16xi32> -> vector<16xf32>
      %mul3A_496 = arith.constant 5.000000e-01 : f32
      %mul3A_497 = vector.broadcast %mul3A_496 : f32 to vector<16xf32>
      %mul3A_498 = arith.mulf %mul3A_497, %add3A_489 : vector<16xf32>
      %mul3A_499 = arith.mulf %mul3A_498, %bitcast_convert_type3A_495 : vector<16xf32>
      %mul3A_500 = arith.mulf %mul3A_499, %bitcast_convert_type3A_495 : vector<16xf32>
      %sub3A_501 = arith.constant 1.500000e+00 : f32
      %sub3A_502 = vector.broadcast %sub3A_501 : f32 to vector<16xf32>
      %sub3A_503 = arith.subf %sub3A_502, %mul3A_500 : vector<16xf32>
      %mul3A_504 = arith.mulf %bitcast_convert_type3A_495, %sub3A_503 : vector<16xf32>
      %mul3A_505 = arith.mulf %mul3A_498, %mul3A_504 : vector<16xf32>
      %mul3A_506 = arith.mulf %mul3A_505, %mul3A_504 : vector<16xf32>
      %sub3A_507 = arith.constant 1.500000e+00 : f32
      %sub3A_508 = vector.broadcast %sub3A_507 : f32 to vector<16xf32>
      %sub3A_509 = arith.subf %sub3A_508, %mul3A_506 : vector<16xf32>
      %mul3A_510 = arith.mulf %mul3A_504, %sub3A_509 : vector<16xf32>
      %mul3A_511 = arith.mulf %mul3A_498, %mul3A_510 : vector<16xf32>
      %mul3A_512 = arith.mulf %mul3A_511, %mul3A_510 : vector<16xf32>
      %sub3A_513 = arith.constant 1.500000e+00 : f32
      %sub3A_514 = vector.broadcast %sub3A_513 : f32 to vector<16xf32>
      %sub3A_515 = arith.subf %sub3A_514, %mul3A_512 : vector<16xf32>
      %mul3A_516 = arith.mulf %mul3A_510, %sub3A_515 : vector<16xf32>
      %swap3A = arith.index_cast %scan3A_483 : i32 to index
      %swap3A_517 = arith.constant 0 : index
      %swap3A_518 = tpu.vector_load %arg16[%swap3A, %swap3A_517] {strides = array<i32>} : memref<632x16xf32, #tpu.memory_space<vmem>>, vector<1x16xf32>,
      %swap3A_519 = vector.shape_cast %swap3A_518 : vector<1x16xf32> to vector<16xf32>
      %swap3A_520 = vector.shape_cast %mul3A_516 : vector<16xf32> to vector<1x16xf32>
      tpu.vector_store %arg16[%swap3A, %swap3A_517], %swap3A_520 {strides = array<i32>} : memref<632x16xf32, #tpu.memory_space<vmem>>, vector<1x16xf32>,
      %get3A_521 = arith.index_cast %scan3A_483 : i32 to index
      %get3A_522 = arith.constant 0 : index
      %get3A_523 = tpu.vector_load %arg14[%get3A_521, %get3A_522] {strides = array<i32>} : memref<632x16xf32, #tpu.memory_space<vmem>>, vector<1x16xf32>,
      %get3A_524 = vector.shape_cast %get3A_523 : vector<1x16xf32> to vector<16xf32>
      %mul3A_525 = arith.mulf %get3A_524, %mul3A_516 : vector<16xf32>
      %swap3A_526 = arith.index_cast %scan3A_483 : i32 to index
      %swap3A_527 = arith.constant 0 : index
      %swap3A_528 = tpu.vector_load %arg14[%swap3A_526, %swap3A_527] {strides = array<i32>} : memref<632x16xf32, #tpu.memory_space<vmem>>, vector<1x16xf32>,
      %swap3A_529 = vector.shape_cast %swap3A_528 : vector<1x16xf32> to vector<16xf32>
      %swap3A_530 = vector.shape_cast %mul3A_525 : vector<16xf32> to vector<1x16xf32>
      tpu.vector_store %arg14[%swap3A_526, %swap3A_527], %swap3A_530 {strides = array<i32>} : memref<632x16xf32, #tpu.memory_space<vmem>>, vector<1x16xf32>,
    }
    %scan3A_348 = arith.constant 632 : i32
    "tpu.region"() ({
      %run_scoped3A = tpu.sem_alloc : memref<!tpu.dma_semaphore, #tpu.memory_space<semaphore_mem>>
      %dma_start3A_483 = arith.constant 0 : i32
      %dma_start3A_484 = tpu.memref_slice %arg19[%mul3A_6, %dma_start3A_483] : memref<10112x16xf32, #tpu.memory_space<vmem_shared>> -> memref<632x16xf32, #tpu.memory_space<vmem_shared>>
      %dma_start3A_485 = arith.constant 0 : i32
      %dma_start3A_486 = tpu.memref_slice %arg19[%mul3A_6, %dma_start3A_485] : memref<10112x16xf32, #tpu.memory_space<vmem_shared>> -> memref<632x16xf32, #tpu.memory_space<vmem_shared>>
      tpu.enqueue_dma source(%arg14 : memref<632x16xf32, #tpu.memory_space<vmem>>) target(%dma_start3A_486 : memref<632x16xf32, #tpu.memory_space<vmem_shared>>) target_semaphore(%run_scoped3A : memref<!tpu.dma_semaphore, #tpu.memory_space<semaphore_mem>>)
      %dma_wait3A_487 = arith.constant 0 : i32
      %dma_wait3A_488 = tpu.memref_slice %arg19[%mul3A_6, %dma_wait3A_487] : memref<10112x16xf32, #tpu.memory_space<vmem_shared>> -> memref<632x16xf32, #tpu.memory_space<vmem_shared>>
      %dma_wait3A_489 = arith.constant 0 : i32
      %dma_wait3A_490 = tpu.memref_slice %arg19[%mul3A_6, %dma_wait3A_489] : memref<10112x16xf32, #tpu.memory_space<vmem_shared>> -> memref<632x16xf32, #tpu.memory_space<vmem_shared>>
      tpu.wait_dma2 semaphore(%run_scoped3A : memref<!tpu.dma_semaphore, #tpu.memory_space<semaphore_mem>>) src(%arg14 : memref<632x16xf32, #tpu.memory_space<vmem>>) dst(%dma_wait3A_490 : memref<632x16xf32, #tpu.memory_space<vmem_shared>>)
      tpu.yield
    }) : () -> ()
    %eq3A = arith.constant 0 : i32
    %eq3A_349 = arith.cmpi eq, %arg0, %eq3A : i32
    %convert_element_type3A = arith.extui %eq3A_349 : i1 to i32
    %cond3A = arith.constant 0 : i32
    %cond3A_350 = arith.cmpi ne, %convert_element_type3A, %cond3A : i32
    scf.if %cond3A_350 {
      "tpu.region"() ({
        %run_scoped3A = tpu.sem_alloc : memref<!tpu.dma_semaphore, #tpu.memory_space<semaphore_mem>>
        %dma_start3A_483 = arith.constant 0 : i32
        %dma_start3A_484 = tpu.memref_slice %arg18[%mul3A_6, %dma_start3A_483] : memref<10112x16xf32, #tpu.memory_space<vmem_shared>> -> memref<632x16xf32, #tpu.memory_space<vmem_shared>>
        %dma_start3A_485 = arith.constant 0 : i32
        %dma_start3A_486 = tpu.memref_slice %arg18[%mul3A_6, %dma_start3A_485] : memref<10112x16xf32, #tpu.memory_space<vmem_shared>> -> memref<632x16xf32, #tpu.memory_space<vmem_shared>>
        tpu.enqueue_dma source(%arg14 : memref<632x16xf32, #tpu.memory_space<vmem>>) target(%dma_start3A_486 : memref<632x16xf32, #tpu.memory_space<vmem_shared>>) target_semaphore(%run_scoped3A : memref<!tpu.dma_semaphore, #tpu.memory_space<semaphore_mem>>)
        %dma_wait3A_487 = arith.constant 0 : i32
        %dma_wait3A_488 = tpu.memref_slice %arg18[%mul3A_6, %dma_wait3A_487] : memref<10112x16xf32, #tpu.memory_space<vmem_shared>> -> memref<632x16xf32, #tpu.memory_space<vmem_shared>>
        %dma_wait3A_489 = arith.constant 0 : i32
        %dma_wait3A_490 = tpu.memref_slice %arg18[%mul3A_6, %dma_wait3A_489] : memref<10112x16xf32, #tpu.memory_space<vmem_shared>> -> memref<632x16xf32, #tpu.memory_space<vmem_shared>>
        tpu.wait_dma2 semaphore(%run_scoped3A : memref<!tpu.dma_semaphore, #tpu.memory_space<semaphore_mem>>) src(%arg14 : memref<632x16xf32, #tpu.memory_space<vmem>>) dst(%dma_wait3A_490 : memref<632x16xf32, #tpu.memory_space<vmem_shared>>)
        tpu.yield
      }) : () -> ()
      "tpu.region"() ({
        %run_scoped3A = tpu.sem_alloc : memref<!tpu.dma_semaphore, #tpu.memory_space<semaphore_mem>>
        %dma_start3A_483 = arith.constant 0 : i32
        %dma_start3A_484 = tpu.memref_slice %arg9[%mul3A_6, %dma_start3A_483] : memref<10112x16xf32, #tpu.memory_space<hbm>> -> memref<632x16xf32, #tpu.memory_space<hbm>>
        %dma_start3A_485 = arith.constant 0 : i32
        %dma_start3A_486 = tpu.memref_slice %arg9[%mul3A_6, %dma_start3A_485] : memref<10112x16xf32, #tpu.memory_space<hbm>> -> memref<632x16xf32, #tpu.memory_space<hbm>>
        tpu.enqueue_dma source(%arg16 : memref<632x16xf32, #tpu.memory_space<vmem>>) target(%dma_start3A_486 : memref<632x16xf32, #tpu.memory_space<hbm>>) target_semaphore(%run_scoped3A : memref<!tpu.dma_semaphore, #tpu.memory_space<semaphore_mem>>)
        %dma_wait3A_487 = arith.constant 0 : i32
        %dma_wait3A_488 = tpu.memref_slice %arg9[%mul3A_6, %dma_wait3A_487] : memref<10112x16xf32, #tpu.memory_space<hbm>> -> memref<632x16xf32, #tpu.memory_space<hbm>>
        %dma_wait3A_489 = arith.constant 0 : i32
        %dma_wait3A_490 = tpu.memref_slice %arg9[%mul3A_6, %dma_wait3A_489] : memref<10112x16xf32, #tpu.memory_space<hbm>> -> memref<632x16xf32, #tpu.memory_space<hbm>>
        tpu.wait_dma2 semaphore(%run_scoped3A : memref<!tpu.dma_semaphore, #tpu.memory_space<semaphore_mem>>) src(%arg16 : memref<632x16xf32, #tpu.memory_space<vmem>>) dst(%dma_wait3A_490 : memref<632x16xf32, #tpu.memory_space<hbm>>)
        tpu.yield
      }) : () -> ()
    } else {
    }
    %ne3A = arith.constant 0 : i32
    %ne3A_351 = arith.cmpi ne, %arg0, %ne3A : i32
    %convert_element_type3A_352 = arith.extui %ne3A_351 : i1 to i32
    %cond3A_353 = arith.constant 0 : i32
    %cond3A_354 = arith.cmpi ne, %convert_element_type3A_352, %cond3A_353 : i32
    scf.if %cond3A_354 {
      "tpu.region"() ({
        %run_scoped3A = tpu.sem_alloc : memref<!tpu.dma_semaphore, #tpu.memory_space<semaphore_mem>>
        %dma_start3A_483 = arith.constant 0 : i32
        %dma_start3A_484 = tpu.memref_slice %arg18[%mul3A_6, %dma_start3A_483] : memref<10112x16xf32, #tpu.memory_space<vmem_shared>> -> memref<632x16xf32, #tpu.memory_space<vmem_shared>>
        %dma_start3A_485 = arith.constant 0 : i32
        %dma_start3A_486 = tpu.memref_slice %arg7[%mul3A_6, %dma_start3A_485] : memref<10112x16xf32, #tpu.memory_space<hbm>> -> memref<632x16xf32, #tpu.memory_space<hbm>>
        tpu.enqueue_dma source(%dma_start3A_486 : memref<632x16xf32, #tpu.memory_space<hbm>>) target(%dma_start3A_484 : memref<632x16xf32, #tpu.memory_space<vmem_shared>>) target_semaphore(%run_scoped3A : memref<!tpu.dma_semaphore, #tpu.memory_space<semaphore_mem>>)
        %dma_wait3A_487 = arith.constant 0 : i32
        %dma_wait3A_488 = tpu.memref_slice %arg18[%mul3A_6, %dma_wait3A_487] : memref<10112x16xf32, #tpu.memory_space<vmem_shared>> -> memref<632x16xf32, #tpu.memory_space<vmem_shared>>
        %dma_wait3A_489 = arith.constant 0 : i32
        %dma_wait3A_490 = tpu.memref_slice %arg7[%mul3A_6, %dma_wait3A_489] : memref<10112x16xf32, #tpu.memory_space<hbm>> -> memref<632x16xf32, #tpu.memory_space<hbm>>
        tpu.wait_dma2 semaphore(%run_scoped3A : memref<!tpu.dma_semaphore, #tpu.memory_space<semaphore_mem>>) src(%dma_wait3A_490 : memref<632x16xf32, #tpu.memory_space<hbm>>) dst(%dma_wait3A_488 : memref<632x16xf32, #tpu.memory_space<vmem_shared>>)
        tpu.yield
      }) : () -> ()
    } else {
    }
    %barrier3A_355 = arith.constant 0 : index
    tpu.barrier barrier_id(%barrier3A_355)
    %dma_start3A_356 = arith.constant 0 : i32
    %dma_start3A_357 = arith.constant 0 : i32
    %dma_start3A_358 = arith.constant 0 : i32
    %dma_start3A_359 = arith.constant 0 : i32
    %dma_start3A_360 = arith.constant 0 : i32
    %dma_start3A_361 = tpu.memref_slice %arg13[%dma_start3A_357, %dma_start3A_359, %dma_start3A_360] : memref<8x128x16xf32, #tpu.memory_space<vmem>> -> memref<1x128x16xf32, #tpu.memory_space<vmem>>
    %dma_start3A_362 = tpu.memref_squeeze %dma_start3A_361 : memref<1x128x16xf32, #tpu.memory_space<vmem>> -> memref<128x16xf32, #tpu.memory_space<vmem>>
    %dma_start3A_363 = arith.constant 0 : i32
    %dma_start3A_364 = tpu.memref_slice %arg10[%dma_start3A_356, %dma_start3A_363] : memref<80x128xi32, #tpu.memory_space<vmem>> -> memref<1x128xi32, #tpu.memory_space<vmem>>
    %dma_start3A_365 = tpu.memref_squeeze %dma_start3A_364 : memref<1x128xi32, #tpu.memory_space<vmem>> -> memref<128xi32, #tpu.memory_space<vmem>>
    %dma_start3A_366 = arith.constant 0 : i32
    %dma_start3A_367 = arith.constant 0 : i32
    %dma_start3A_368 = tpu.memref_slice %arg19[%dma_start3A_366, %dma_start3A_367] : memref<10112x16xf32, #tpu.memory_space<vmem_shared>> -> memref<10112x16xf32, #tpu.memory_space<vmem_shared>>
    %dma_start3A_369 = tpu.memref_slice %arg22[%dma_start3A_358] : memref<8x!tpu.dma_semaphore, #tpu.memory_space<semaphore_mem>> -> memref<1x!tpu.dma_semaphore, #tpu.memory_space<semaphore_mem>>
    %dma_start3A_370 = tpu.memref_squeeze %dma_start3A_369 : memref<1x!tpu.dma_semaphore, #tpu.memory_space<semaphore_mem>> -> memref<!tpu.dma_semaphore, #tpu.memory_space<semaphore_mem>>
    tpu.enqueue_indirect_dma source(%dma_start3A_368 : memref<10112x16xf32, #tpu.memory_space<vmem_shared>>) target(%dma_start3A_362 : memref<128x16xf32, #tpu.memory_space<vmem>>) offsets(%dma_start3A_365 : memref<128xi32, #tpu.memory_space<vmem>>) semaphore(%dma_start3A_370 : memref<!tpu.dma_semaphore, #tpu.memory_space<semaphore_mem>>)
    %dma_start3A_371 = arith.constant 1 : i32
    %dma_start3A_372 = arith.constant 1 : i32
    %dma_start3A_373 = arith.constant 1 : i32
    %dma_start3A_374 = arith.constant 0 : i32
    %dma_start3A_375 = arith.constant 0 : i32
    %dma_start3A_376 = tpu.memref_slice %arg13[%dma_start3A_372, %dma_start3A_374, %dma_start3A_375] : memref<8x128x16xf32, #tpu.memory_space<vmem>> -> memref<1x128x16xf32, #tpu.memory_space<vmem>>
    %dma_start3A_377 = tpu.memref_squeeze %dma_start3A_376 : memref<1x128x16xf32, #tpu.memory_space<vmem>> -> memref<128x16xf32, #tpu.memory_space<vmem>>
    %dma_start3A_378 = arith.constant 0 : i32
    %dma_start3A_379 = tpu.memref_slice %arg10[%dma_start3A_371, %dma_start3A_378] : memref<80x128xi32, #tpu.memory_space<vmem>> -> memref<1x128xi32, #tpu.memory_space<vmem>>
    %dma_start3A_380 = tpu.memref_squeeze %dma_start3A_379 : memref<1x128xi32, #tpu.memory_space<vmem>> -> memref<128xi32, #tpu.memory_space<vmem>>
    %dma_start3A_381 = arith.constant 0 : i32
    %dma_start3A_382 = arith.constant 0 : i32
    %dma_start3A_383 = tpu.memref_slice %arg19[%dma_start3A_381, %dma_start3A_382] : memref<10112x16xf32, #tpu.memory_space<vmem_shared>> -> memref<10112x16xf32, #tpu.memory_space<vmem_shared>>
    %dma_start3A_384 = tpu.memref_slice %arg22[%dma_start3A_373] : memref<8x!tpu.dma_semaphore, #tpu.memory_space<semaphore_mem>> -> memref<1x!tpu.dma_semaphore, #tpu.memory_space<semaphore_mem>>
    %dma_start3A_385 = tpu.memref_squeeze %dma_start3A_384 : memref<1x!tpu.dma_semaphore, #tpu.memory_space<semaphore_mem>> -> memref<!tpu.dma_semaphore, #tpu.memory_space<semaphore_mem>>
    tpu.enqueue_indirect_dma source(%dma_start3A_383 : memref<10112x16xf32, #tpu.memory_space<vmem_shared>>) target(%dma_start3A_377 : memref<128x16xf32, #tpu.memory_space<vmem>>) offsets(%dma_start3A_380 : memref<128xi32, #tpu.memory_space<vmem>>) semaphore(%dma_start3A_385 : memref<!tpu.dma_semaphore, #tpu.memory_space<semaphore_mem>>)
    %dma_start3A_386 = arith.constant 2 : i32
    %dma_start3A_387 = arith.constant 2 : i32
    %dma_start3A_388 = arith.constant 2 : i32
    %dma_start3A_389 = arith.constant 0 : i32
    %dma_start3A_390 = arith.constant 0 : i32
    %dma_start3A_391 = tpu.memref_slice %arg13[%dma_start3A_387, %dma_start3A_389, %dma_start3A_390] : memref<8x128x16xf32, #tpu.memory_space<vmem>> -> memref<1x128x16xf32, #tpu.memory_space<vmem>>
    %dma_start3A_392 = tpu.memref_squeeze %dma_start3A_391 : memref<1x128x16xf32, #tpu.memory_space<vmem>> -> memref<128x16xf32, #tpu.memory_space<vmem>>
    %dma_start3A_393 = arith.constant 0 : i32
    %dma_start3A_394 = tpu.memref_slice %arg10[%dma_start3A_386, %dma_start3A_393] : memref<80x128xi32, #tpu.memory_space<vmem>> -> memref<1x128xi32, #tpu.memory_space<vmem>>
    %dma_start3A_395 = tpu.memref_squeeze %dma_start3A_394 : memref<1x128xi32, #tpu.memory_space<vmem>> -> memref<128xi32, #tpu.memory_space<vmem>>
    %dma_start3A_396 = arith.constant 0 : i32
    %dma_start3A_397 = arith.constant 0 : i32
    %dma_start3A_398 = tpu.memref_slice %arg19[%dma_start3A_396, %dma_start3A_397] : memref<10112x16xf32, #tpu.memory_space<vmem_shared>> -> memref<10112x16xf32, #tpu.memory_space<vmem_shared>>
    %dma_start3A_399 = tpu.memref_slice %arg22[%dma_start3A_388] : memref<8x!tpu.dma_semaphore, #tpu.memory_space<semaphore_mem>> -> memref<1x!tpu.dma_semaphore, #tpu.memory_space<semaphore_mem>>
    %dma_start3A_400 = tpu.memref_squeeze %dma_start3A_399 : memref<1x!tpu.dma_semaphore, #tpu.memory_space<semaphore_mem>> -> memref<!tpu.dma_semaphore, #tpu.memory_space<semaphore_mem>>
    tpu.enqueue_indirect_dma source(%dma_start3A_398 : memref<10112x16xf32, #tpu.memory_space<vmem_shared>>) target(%dma_start3A_392 : memref<128x16xf32, #tpu.memory_space<vmem>>) offsets(%dma_start3A_395 : memref<128xi32, #tpu.memory_space<vmem>>) semaphore(%dma_start3A_400 : memref<!tpu.dma_semaphore, #tpu.memory_space<semaphore_mem>>)
    %dma_start3A_401 = arith.constant 3 : i32
    %dma_start3A_402 = arith.constant 3 : i32
    %dma_start3A_403 = arith.constant 3 : i32
    %dma_start3A_404 = arith.constant 0 : i32
    %dma_start3A_405 = arith.constant 0 : i32
    %dma_start3A_406 = tpu.memref_slice %arg13[%dma_start3A_402, %dma_start3A_404, %dma_start3A_405] : memref<8x128x16xf32, #tpu.memory_space<vmem>> -> memref<1x128x16xf32, #tpu.memory_space<vmem>>
    %dma_start3A_407 = tpu.memref_squeeze %dma_start3A_406 : memref<1x128x16xf32, #tpu.memory_space<vmem>> -> memref<128x16xf32, #tpu.memory_space<vmem>>
    %dma_start3A_408 = arith.constant 0 : i32
    %dma_start3A_409 = tpu.memref_slice %arg10[%dma_start3A_401, %dma_start3A_408] : memref<80x128xi32, #tpu.memory_space<vmem>> -> memref<1x128xi32, #tpu.memory_space<vmem>>
    %dma_start3A_410 = tpu.memref_squeeze %dma_start3A_409 : memref<1x128xi32, #tpu.memory_space<vmem>> -> memref<128xi32, #tpu.memory_space<vmem>>
    %dma_start3A_411 = arith.constant 0 : i32
    %dma_start3A_412 = arith.constant 0 : i32
    %dma_start3A_413 = tpu.memref_slice %arg19[%dma_start3A_411, %dma_start3A_412] : memref<10112x16xf32, #tpu.memory_space<vmem_shared>> -> memref<10112x16xf32, #tpu.memory_space<vmem_shared>>
    %dma_start3A_414 = tpu.memref_slice %arg22[%dma_start3A_403] : memref<8x!tpu.dma_semaphore, #tpu.memory_space<semaphore_mem>> -> memref<1x!tpu.dma_semaphore, #tpu.memory_space<semaphore_mem>>
    %dma_start3A_415 = tpu.memref_squeeze %dma_start3A_414 : memref<1x!tpu.dma_semaphore, #tpu.memory_space<semaphore_mem>> -> memref<!tpu.dma_semaphore, #tpu.memory_space<semaphore_mem>>
    tpu.enqueue_indirect_dma source(%dma_start3A_413 : memref<10112x16xf32, #tpu.memory_space<vmem_shared>>) target(%dma_start3A_407 : memref<128x16xf32, #tpu.memory_space<vmem>>) offsets(%dma_start3A_410 : memref<128xi32, #tpu.memory_space<vmem>>) semaphore(%dma_start3A_415 : memref<!tpu.dma_semaphore, #tpu.memory_space<semaphore_mem>>)
    %scan3A_416 = arith.constant 0 : i32
    %scan3A_417 = arith.constant 0 : i32
    %scan3A_418 = arith.constant 20 : i32
    %scan3A_419 = arith.addi %scan3A_417, %scan3A_418 : i32
    %scan3A_420 = arith.constant 1 : i32
    scf.for %scan3A_483 = %scan3A_417 to %scan3A_419 step %scan3A_420  : i32 {
      %mul3A_484 = arith.constant 4 : i32
      %mul3A_485 = arith.muli %mul3A_484, %scan3A_483 : i32
      %add3A_486 = arith.constant 0 : i32
      %add3A_487 = arith.addi %mul3A_485, %add3A_486 : i32
      %rem3A = arith.constant 8 : i32
      %rem3A_488 = arith.remsi %add3A_487, %rem3A : i32
      %add3A_489 = arith.constant 4 : i32
      %add3A_490 = arith.addi %add3A_487, %add3A_489 : i32
      %rem3A_491 = arith.constant 8 : i32
      %rem3A_492 = arith.remsi %add3A_490, %rem3A_491 : i32
      %dma_wait3A_493 = arith.constant 0 : i32
      %dma_wait3A_494 = arith.constant 0 : i32
      %dma_wait3A_495 = tpu.memref_slice %arg13[%rem3A_488, %dma_wait3A_493, %dma_wait3A_494] : memref<8x128x16xf32, #tpu.memory_space<vmem>> -> memref<1x128x16xf32, #tpu.memory_space<vmem>>
      %dma_wait3A_496 = tpu.memref_squeeze %dma_wait3A_495 : memref<1x128x16xf32, #tpu.memory_space<vmem>> -> memref<128x16xf32, #tpu.memory_space<vmem>>
      %dma_wait3A_497 = arith.constant 0 : i32
      %dma_wait3A_498 = tpu.memref_slice %arg10[%add3A_487, %dma_wait3A_497] : memref<80x128xi32, #tpu.memory_space<vmem>> -> memref<1x128xi32, #tpu.memory_space<vmem>>
      %dma_wait3A_499 = tpu.memref_squeeze %dma_wait3A_498 : memref<1x128xi32, #tpu.memory_space<vmem>> -> memref<128xi32, #tpu.memory_space<vmem>>
      %dma_wait3A_500 = arith.constant 0 : i32
      %dma_wait3A_501 = arith.constant 0 : i32
      %dma_wait3A_502 = tpu.memref_slice %arg19[%dma_wait3A_500, %dma_wait3A_501] : memref<10112x16xf32, #tpu.memory_space<vmem_shared>> -> memref<10112x16xf32, #tpu.memory_space<vmem_shared>>
      %dma_wait3A_503 = tpu.memref_slice %arg22[%rem3A_488] : memref<8x!tpu.dma_semaphore, #tpu.memory_space<semaphore_mem>> -> memref<1x!tpu.dma_semaphore, #tpu.memory_space<semaphore_mem>>
      %dma_wait3A_504 = tpu.memref_squeeze %dma_wait3A_503 : memref<1x!tpu.dma_semaphore, #tpu.memory_space<semaphore_mem>> -> memref<!tpu.dma_semaphore, #tpu.memory_space<semaphore_mem>>
      tpu.wait_indirect_dma semaphore(%dma_wait3A_504 : memref<!tpu.dma_semaphore, #tpu.memory_space<semaphore_mem>>) src(%dma_wait3A_502 : memref<10112x16xf32, #tpu.memory_space<vmem_shared>>) dst(%dma_wait3A_496 : memref<128x16xf32, #tpu.memory_space<vmem>>)
      %dma_start3A_505 = arith.constant 0 : i32
      %dma_start3A_506 = arith.constant 0 : i32
      %dma_start3A_507 = tpu.memref_slice %arg13[%rem3A_488, %dma_start3A_505, %dma_start3A_506] : memref<8x128x16xf32, #tpu.memory_space<vmem>> -> memref<1x128x16xf32, #tpu.memory_space<vmem>>
      %dma_start3A_508 = tpu.memref_squeeze %dma_start3A_507 : memref<1x128x16xf32, #tpu.memory_space<vmem>> -> memref<128x16xf32, #tpu.memory_space<vmem>>
      %dma_start3A_509 = arith.constant 0 : i32
      %dma_start3A_510 = tpu.memref_slice %arg11[%add3A_487, %dma_start3A_509] : memref<80x128xi32, #tpu.memory_space<vmem>> -> memref<1x128xi32, #tpu.memory_space<vmem>>
      %dma_start3A_511 = tpu.memref_squeeze %dma_start3A_510 : memref<1x128xi32, #tpu.memory_space<vmem>> -> memref<128xi32, #tpu.memory_space<vmem>>
      %dma_start3A_512 = arith.constant 0 : i32
      %dma_start3A_513 = arith.constant 0 : i32
      %dma_start3A_514 = tpu.memref_slice %arg18[%dma_start3A_512, %dma_start3A_513] : memref<10112x16xf32, #tpu.memory_space<vmem_shared>> -> memref<10112x16xf32, #tpu.memory_space<vmem_shared>>
      %dma_start3A_515 = tpu.memref_slice %arg23[%rem3A_488] : memref<8x!tpu.dma_semaphore, #tpu.memory_space<semaphore_mem>> -> memref<1x!tpu.dma_semaphore, #tpu.memory_space<semaphore_mem>>
      %dma_start3A_516 = tpu.memref_squeeze %dma_start3A_515 : memref<1x!tpu.dma_semaphore, #tpu.memory_space<semaphore_mem>> -> memref<!tpu.dma_semaphore, #tpu.memory_space<semaphore_mem>>
      tpu.enqueue_indirect_dma source(%dma_start3A_508 : memref<128x16xf32, #tpu.memory_space<vmem>>) target(%dma_start3A_514 : memref<10112x16xf32, #tpu.memory_space<vmem_shared>>) offsets(%dma_start3A_511 : memref<128xi32, #tpu.memory_space<vmem>>) semaphore(%dma_start3A_516 : memref<!tpu.dma_semaphore, #tpu.memory_space<semaphore_mem>>) {add = true}
      %ge3A = arith.constant 4 : i32
      %ge3A_517 = arith.cmpi sge, %add3A_487, %ge3A : i32
      %convert_element_type3A_518 = arith.extui %ge3A_517 : i1 to i32
      %cond3A_519 = arith.constant 0 : i32
      %cond3A_520 = arith.cmpi ne, %convert_element_type3A_518, %cond3A_519 : i32
      scf.if %cond3A_520 {
        %dma_wait3A_665 = arith.constant 0 : i32
        %dma_wait3A_666 = arith.constant 0 : i32
        %dma_wait3A_667 = tpu.memref_slice %arg13[%rem3A_492, %dma_wait3A_665, %dma_wait3A_666] : memref<8x128x16xf32, #tpu.memory_space<vmem>> -> memref<1x128x16xf32, #tpu.memory_space<vmem>>
        %dma_wait3A_668 = tpu.memref_squeeze %dma_wait3A_667 : memref<1x128x16xf32, #tpu.memory_space<vmem>> -> memref<128x16xf32, #tpu.memory_space<vmem>>
        %dma_wait3A_669 = arith.constant 0 : i32
        %dma_wait3A_670 = tpu.memref_slice %arg11[%add3A_487, %dma_wait3A_669] : memref<80x128xi32, #tpu.memory_space<vmem>> -> memref<1x128xi32, #tpu.memory_space<vmem>>
        %dma_wait3A_671 = tpu.memref_squeeze %dma_wait3A_670 : memref<1x128xi32, #tpu.memory_space<vmem>> -> memref<128xi32, #tpu.memory_space<vmem>>
        %dma_wait3A_672 = arith.constant 0 : i32
        %dma_wait3A_673 = arith.constant 0 : i32
        %dma_wait3A_674 = tpu.memref_slice %arg18[%dma_wait3A_672, %dma_wait3A_673] : memref<10112x16xf32, #tpu.memory_space<vmem_shared>> -> memref<10112x16xf32, #tpu.memory_space<vmem_shared>>
        %dma_wait3A_675 = tpu.memref_slice %arg23[%rem3A_492] : memref<8x!tpu.dma_semaphore, #tpu.memory_space<semaphore_mem>> -> memref<1x!tpu.dma_semaphore, #tpu.memory_space<semaphore_mem>>
        %dma_wait3A_676 = tpu.memref_squeeze %dma_wait3A_675 : memref<1x!tpu.dma_semaphore, #tpu.memory_space<semaphore_mem>> -> memref<!tpu.dma_semaphore, #tpu.memory_space<semaphore_mem>>
        tpu.wait_indirect_dma semaphore(%dma_wait3A_676 : memref<!tpu.dma_semaphore, #tpu.memory_space<semaphore_mem>>) src(%dma_wait3A_668 : memref<128x16xf32, #tpu.memory_space<vmem>>) dst(%dma_wait3A_674 : memref<10112x16xf32, #tpu.memory_space<vmem_shared>>)
      } else {
      }
      %add3A_521 = arith.constant 4 : i32
      %add3A_522 = arith.addi %add3A_487, %add3A_521 : i32
      %lt3A = arith.constant 80 : i32
      %lt3A_523 = arith.cmpi slt, %add3A_522, %lt3A : i32
      %convert_element_type3A_524 = arith.extui %lt3A_523 : i1 to i32
      %cond3A_525 = arith.constant 0 : i32
      %cond3A_526 = arith.cmpi ne, %convert_element_type3A_524, %cond3A_525 : i32
      scf.if %cond3A_526 {
        %add3A_665 = arith.constant 4 : i32
        %add3A_666 = arith.addi %add3A_487, %add3A_665 : i32
        %dma_start3A_667 = arith.constant 0 : i32
        %dma_start3A_668 = arith.constant 0 : i32
        %dma_start3A_669 = tpu.memref_slice %arg13[%rem3A_492, %dma_start3A_667, %dma_start3A_668] : memref<8x128x16xf32, #tpu.memory_space<vmem>> -> memref<1x128x16xf32, #tpu.memory_space<vmem>>
        %dma_start3A_670 = tpu.memref_squeeze %dma_start3A_669 : memref<1x128x16xf32, #tpu.memory_space<vmem>> -> memref<128x16xf32, #tpu.memory_space<vmem>>
        %dma_start3A_671 = arith.constant 0 : i32
        %dma_start3A_672 = tpu.memref_slice %arg10[%add3A_666, %dma_start3A_671] : memref<80x128xi32, #tpu.memory_space<vmem>> -> memref<1x128xi32, #tpu.memory_space<vmem>>
        %dma_start3A_673 = tpu.memref_squeeze %dma_start3A_672 : memref<1x128xi32, #tpu.memory_space<vmem>> -> memref<128xi32, #tpu.memory_space<vmem>>
        %dma_start3A_674 = arith.constant 0 : i32
        %dma_start3A_675 = arith.constant 0 : i32
        %dma_start3A_676 = tpu.memref_slice %arg19[%dma_start3A_674, %dma_start3A_675] : memref<10112x16xf32, #tpu.memory_space<vmem_shared>> -> memref<10112x16xf32, #tpu.memory_space<vmem_shared>>
        %dma_start3A_677 = tpu.memref_slice %arg22[%rem3A_492] : memref<8x!tpu.dma_semaphore, #tpu.memory_space<semaphore_mem>> -> memref<1x!tpu.dma_semaphore, #tpu.memory_space<semaphore_mem>>
        %dma_start3A_678 = tpu.memref_squeeze %dma_start3A_677 : memref<1x!tpu.dma_semaphore, #tpu.memory_space<semaphore_mem>> -> memref<!tpu.dma_semaphore, #tpu.memory_space<semaphore_mem>>
        tpu.enqueue_indirect_dma source(%dma_start3A_676 : memref<10112x16xf32, #tpu.memory_space<vmem_shared>>) target(%dma_start3A_670 : memref<128x16xf32, #tpu.memory_space<vmem>>) offsets(%dma_start3A_673 : memref<128xi32, #tpu.memory_space<vmem>>) semaphore(%dma_start3A_678 : memref<!tpu.dma_semaphore, #tpu.memory_space<semaphore_mem>>)
      } else {
      }
      %mul3A_527 = arith.constant 4 : i32
      %mul3A_528 = arith.muli %mul3A_527, %scan3A_483 : i32
      %add3A_529 = arith.constant 1 : i32
      %add3A_530 = arith.addi %mul3A_528, %add3A_529 : i32
      %rem3A_531 = arith.constant 8 : i32
      %rem3A_532 = arith.remsi %add3A_530, %rem3A_531 : i32
      %add3A_533 = arith.constant 4 : i32
      %add3A_534 = arith.addi %add3A_530, %add3A_533 : i32
      %rem3A_535 = arith.constant 8 : i32
      %rem3A_536 = arith.remsi %add3A_534, %rem3A_535 : i32
      %dma_wait3A_537 = arith.constant 0 : i32
      %dma_wait3A_538 = arith.constant 0 : i32
      %dma_wait3A_539 = tpu.memref_slice %arg13[%rem3A_532, %dma_wait3A_537, %dma_wait3A_538] : memref<8x128x16xf32, #tpu.memory_space<vmem>> -> memref<1x128x16xf32, #tpu.memory_space<vmem>>
      %dma_wait3A_540 = tpu.memref_squeeze %dma_wait3A_539 : memref<1x128x16xf32, #tpu.memory_space<vmem>> -> memref<128x16xf32, #tpu.memory_space<vmem>>
      %dma_wait3A_541 = arith.constant 0 : i32
      %dma_wait3A_542 = tpu.memref_slice %arg10[%add3A_530, %dma_wait3A_541] : memref<80x128xi32, #tpu.memory_space<vmem>> -> memref<1x128xi32, #tpu.memory_space<vmem>>
      %dma_wait3A_543 = tpu.memref_squeeze %dma_wait3A_542 : memref<1x128xi32, #tpu.memory_space<vmem>> -> memref<128xi32, #tpu.memory_space<vmem>>
      %dma_wait3A_544 = arith.constant 0 : i32
      %dma_wait3A_545 = arith.constant 0 : i32
      %dma_wait3A_546 = tpu.memref_slice %arg19[%dma_wait3A_544, %dma_wait3A_545] : memref<10112x16xf32, #tpu.memory_space<vmem_shared>> -> memref<10112x16xf32, #tpu.memory_space<vmem_shared>>
      %dma_wait3A_547 = tpu.memref_slice %arg22[%rem3A_532] : memref<8x!tpu.dma_semaphore, #tpu.memory_space<semaphore_mem>> -> memref<1x!tpu.dma_semaphore, #tpu.memory_space<semaphore_mem>>
      %dma_wait3A_548 = tpu.memref_squeeze %dma_wait3A_547 : memref<1x!tpu.dma_semaphore, #tpu.memory_space<semaphore_mem>> -> memref<!tpu.dma_semaphore, #tpu.memory_space<semaphore_mem>>
      tpu.wait_indirect_dma semaphore(%dma_wait3A_548 : memref<!tpu.dma_semaphore, #tpu.memory_space<semaphore_mem>>) src(%dma_wait3A_546 : memref<10112x16xf32, #tpu.memory_space<vmem_shared>>) dst(%dma_wait3A_540 : memref<128x16xf32, #tpu.memory_space<vmem>>)
      %dma_start3A_549 = arith.constant 0 : i32
      %dma_start3A_550 = arith.constant 0 : i32
      %dma_start3A_551 = tpu.memref_slice %arg13[%rem3A_532, %dma_start3A_549, %dma_start3A_550] : memref<8x128x16xf32, #tpu.memory_space<vmem>> -> memref<1x128x16xf32, #tpu.memory_space<vmem>>
      %dma_start3A_552 = tpu.memref_squeeze %dma_start3A_551 : memref<1x128x16xf32, #tpu.memory_space<vmem>> -> memref<128x16xf32, #tpu.memory_space<vmem>>
      %dma_start3A_553 = arith.constant 0 : i32
      %dma_start3A_554 = tpu.memref_slice %arg11[%add3A_530, %dma_start3A_553] : memref<80x128xi32, #tpu.memory_space<vmem>> -> memref<1x128xi32, #tpu.memory_space<vmem>>
      %dma_start3A_555 = tpu.memref_squeeze %dma_start3A_554 : memref<1x128xi32, #tpu.memory_space<vmem>> -> memref<128xi32, #tpu.memory_space<vmem>>
      %dma_start3A_556 = arith.constant 0 : i32
      %dma_start3A_557 = arith.constant 0 : i32
      %dma_start3A_558 = tpu.memref_slice %arg18[%dma_start3A_556, %dma_start3A_557] : memref<10112x16xf32, #tpu.memory_space<vmem_shared>> -> memref<10112x16xf32, #tpu.memory_space<vmem_shared>>
      %dma_start3A_559 = tpu.memref_slice %arg23[%rem3A_532] : memref<8x!tpu.dma_semaphore, #tpu.memory_space<semaphore_mem>> -> memref<1x!tpu.dma_semaphore, #tpu.memory_space<semaphore_mem>>
      %dma_start3A_560 = tpu.memref_squeeze %dma_start3A_559 : memref<1x!tpu.dma_semaphore, #tpu.memory_space<semaphore_mem>> -> memref<!tpu.dma_semaphore, #tpu.memory_space<semaphore_mem>>
      tpu.enqueue_indirect_dma source(%dma_start3A_552 : memref<128x16xf32, #tpu.memory_space<vmem>>) target(%dma_start3A_558 : memref<10112x16xf32, #tpu.memory_space<vmem_shared>>) offsets(%dma_start3A_555 : memref<128xi32, #tpu.memory_space<vmem>>) semaphore(%dma_start3A_560 : memref<!tpu.dma_semaphore, #tpu.memory_space<semaphore_mem>>) {add = true}
      %ge3A_561 = arith.constant 4 : i32
      %ge3A_562 = arith.cmpi sge, %add3A_530, %ge3A_561 : i32
      %convert_element_type3A_563 = arith.extui %ge3A_562 : i1 to i32
      %cond3A_564 = arith.constant 0 : i32
      %cond3A_565 = arith.cmpi ne, %convert_element_type3A_563, %cond3A_564 : i32
      scf.if %cond3A_565 {
        %dma_wait3A_665 = arith.constant 0 : i32
        %dma_wait3A_666 = arith.constant 0 : i32
        %dma_wait3A_667 = tpu.memref_slice %arg13[%rem3A_536, %dma_wait3A_665, %dma_wait3A_666] : memref<8x128x16xf32, #tpu.memory_space<vmem>> -> memref<1x128x16xf32, #tpu.memory_space<vmem>>
        %dma_wait3A_668 = tpu.memref_squeeze %dma_wait3A_667 : memref<1x128x16xf32, #tpu.memory_space<vmem>> -> memref<128x16xf32, #tpu.memory_space<vmem>>
        %dma_wait3A_669 = arith.constant 0 : i32
        %dma_wait3A_670 = tpu.memref_slice %arg11[%add3A_530, %dma_wait3A_669] : memref<80x128xi32, #tpu.memory_space<vmem>> -> memref<1x128xi32, #tpu.memory_space<vmem>>
        %dma_wait3A_671 = tpu.memref_squeeze %dma_wait3A_670 : memref<1x128xi32, #tpu.memory_space<vmem>> -> memref<128xi32, #tpu.memory_space<vmem>>
        %dma_wait3A_672 = arith.constant 0 : i32
        %dma_wait3A_673 = arith.constant 0 : i32
        %dma_wait3A_674 = tpu.memref_slice %arg18[%dma_wait3A_672, %dma_wait3A_673] : memref<10112x16xf32, #tpu.memory_space<vmem_shared>> -> memref<10112x16xf32, #tpu.memory_space<vmem_shared>>
        %dma_wait3A_675 = tpu.memref_slice %arg23[%rem3A_536] : memref<8x!tpu.dma_semaphore, #tpu.memory_space<semaphore_mem>> -> memref<1x!tpu.dma_semaphore, #tpu.memory_space<semaphore_mem>>
        %dma_wait3A_676 = tpu.memref_squeeze %dma_wait3A_675 : memref<1x!tpu.dma_semaphore, #tpu.memory_space<semaphore_mem>> -> memref<!tpu.dma_semaphore, #tpu.memory_space<semaphore_mem>>
        tpu.wait_indirect_dma semaphore(%dma_wait3A_676 : memref<!tpu.dma_semaphore, #tpu.memory_space<semaphore_mem>>) src(%dma_wait3A_668 : memref<128x16xf32, #tpu.memory_space<vmem>>) dst(%dma_wait3A_674 : memref<10112x16xf32, #tpu.memory_space<vmem_shared>>)
      } else {
      }
      %add3A_566 = arith.constant 4 : i32
      %add3A_567 = arith.addi %add3A_530, %add3A_566 : i32
      %lt3A_568 = arith.constant 80 : i32
      %lt3A_569 = arith.cmpi slt, %add3A_567, %lt3A_568 : i32
      %convert_element_type3A_570 = arith.extui %lt3A_569 : i1 to i32
      %cond3A_571 = arith.constant 0 : i32
      %cond3A_572 = arith.cmpi ne, %convert_element_type3A_570, %cond3A_571 : i32
      scf.if %cond3A_572 {
        %add3A_665 = arith.constant 4 : i32
        %add3A_666 = arith.addi %add3A_530, %add3A_665 : i32
        %dma_start3A_667 = arith.constant 0 : i32
        %dma_start3A_668 = arith.constant 0 : i32
        %dma_start3A_669 = tpu.memref_slice %arg13[%rem3A_536, %dma_start3A_667, %dma_start3A_668] : memref<8x128x16xf32, #tpu.memory_space<vmem>> -> memref<1x128x16xf32, #tpu.memory_space<vmem>>
        %dma_start3A_670 = tpu.memref_squeeze %dma_start3A_669 : memref<1x128x16xf32, #tpu.memory_space<vmem>> -> memref<128x16xf32, #tpu.memory_space<vmem>>
        %dma_start3A_671 = arith.constant 0 : i32
        %dma_start3A_672 = tpu.memref_slice %arg10[%add3A_666, %dma_start3A_671] : memref<80x128xi32, #tpu.memory_space<vmem>> -> memref<1x128xi32, #tpu.memory_space<vmem>>
        %dma_start3A_673 = tpu.memref_squeeze %dma_start3A_672 : memref<1x128xi32, #tpu.memory_space<vmem>> -> memref<128xi32, #tpu.memory_space<vmem>>
        %dma_start3A_674 = arith.constant 0 : i32
        %dma_start3A_675 = arith.constant 0 : i32
        %dma_start3A_676 = tpu.memref_slice %arg19[%dma_start3A_674, %dma_start3A_675] : memref<10112x16xf32, #tpu.memory_space<vmem_shared>> -> memref<10112x16xf32, #tpu.memory_space<vmem_shared>>
        %dma_start3A_677 = tpu.memref_slice %arg22[%rem3A_536] : memref<8x!tpu.dma_semaphore, #tpu.memory_space<semaphore_mem>> -> memref<1x!tpu.dma_semaphore, #tpu.memory_space<semaphore_mem>>
        %dma_start3A_678 = tpu.memref_squeeze %dma_start3A_677 : memref<1x!tpu.dma_semaphore, #tpu.memory_space<semaphore_mem>> -> memref<!tpu.dma_semaphore, #tpu.memory_space<semaphore_mem>>
        tpu.enqueue_indirect_dma source(%dma_start3A_676 : memref<10112x16xf32, #tpu.memory_space<vmem_shared>>) target(%dma_start3A_670 : memref<128x16xf32, #tpu.memory_space<vmem>>) offsets(%dma_start3A_673 : memref<128xi32, #tpu.memory_space<vmem>>) semaphore(%dma_start3A_678 : memref<!tpu.dma_semaphore, #tpu.memory_space<semaphore_mem>>)
      } else {
      }
      %mul3A_573 = arith.constant 4 : i32
      %mul3A_574 = arith.muli %mul3A_573, %scan3A_483 : i32
      %add3A_575 = arith.constant 2 : i32
      %add3A_576 = arith.addi %mul3A_574, %add3A_575 : i32
      %rem3A_577 = arith.constant 8 : i32
      %rem3A_578 = arith.remsi %add3A_576, %rem3A_577 : i32
      %add3A_579 = arith.constant 4 : i32
      %add3A_580 = arith.addi %add3A_576, %add3A_579 : i32
      %rem3A_581 = arith.constant 8 : i32
      %rem3A_582 = arith.remsi %add3A_580, %rem3A_581 : i32
      %dma_wait3A_583 = arith.constant 0 : i32
      %dma_wait3A_584 = arith.constant 0 : i32
      %dma_wait3A_585 = tpu.memref_slice %arg13[%rem3A_578, %dma_wait3A_583, %dma_wait3A_584] : memref<8x128x16xf32, #tpu.memory_space<vmem>> -> memref<1x128x16xf32, #tpu.memory_space<vmem>>
      %dma_wait3A_586 = tpu.memref_squeeze %dma_wait3A_585 : memref<1x128x16xf32, #tpu.memory_space<vmem>> -> memref<128x16xf32, #tpu.memory_space<vmem>>
      %dma_wait3A_587 = arith.constant 0 : i32
      %dma_wait3A_588 = tpu.memref_slice %arg10[%add3A_576, %dma_wait3A_587] : memref<80x128xi32, #tpu.memory_space<vmem>> -> memref<1x128xi32, #tpu.memory_space<vmem>>
      %dma_wait3A_589 = tpu.memref_squeeze %dma_wait3A_588 : memref<1x128xi32, #tpu.memory_space<vmem>> -> memref<128xi32, #tpu.memory_space<vmem>>
      %dma_wait3A_590 = arith.constant 0 : i32
      %dma_wait3A_591 = arith.constant 0 : i32
      %dma_wait3A_592 = tpu.memref_slice %arg19[%dma_wait3A_590, %dma_wait3A_591] : memref<10112x16xf32, #tpu.memory_space<vmem_shared>> -> memref<10112x16xf32, #tpu.memory_space<vmem_shared>>
      %dma_wait3A_593 = tpu.memref_slice %arg22[%rem3A_578] : memref<8x!tpu.dma_semaphore, #tpu.memory_space<semaphore_mem>> -> memref<1x!tpu.dma_semaphore, #tpu.memory_space<semaphore_mem>>
      %dma_wait3A_594 = tpu.memref_squeeze %dma_wait3A_593 : memref<1x!tpu.dma_semaphore, #tpu.memory_space<semaphore_mem>> -> memref<!tpu.dma_semaphore, #tpu.memory_space<semaphore_mem>>
      tpu.wait_indirect_dma semaphore(%dma_wait3A_594 : memref<!tpu.dma_semaphore, #tpu.memory_space<semaphore_mem>>) src(%dma_wait3A_592 : memref<10112x16xf32, #tpu.memory_space<vmem_shared>>) dst(%dma_wait3A_586 : memref<128x16xf32, #tpu.memory_space<vmem>>)
      %dma_start3A_595 = arith.constant 0 : i32
      %dma_start3A_596 = arith.constant 0 : i32
      %dma_start3A_597 = tpu.memref_slice %arg13[%rem3A_578, %dma_start3A_595, %dma_start3A_596] : memref<8x128x16xf32, #tpu.memory_space<vmem>> -> memref<1x128x16xf32, #tpu.memory_space<vmem>>
      %dma_start3A_598 = tpu.memref_squeeze %dma_start3A_597 : memref<1x128x16xf32, #tpu.memory_space<vmem>> -> memref<128x16xf32, #tpu.memory_space<vmem>>
      %dma_start3A_599 = arith.constant 0 : i32
      %dma_start3A_600 = tpu.memref_slice %arg11[%add3A_576, %dma_start3A_599] : memref<80x128xi32, #tpu.memory_space<vmem>> -> memref<1x128xi32, #tpu.memory_space<vmem>>
      %dma_start3A_601 = tpu.memref_squeeze %dma_start3A_600 : memref<1x128xi32, #tpu.memory_space<vmem>> -> memref<128xi32, #tpu.memory_space<vmem>>
      %dma_start3A_602 = arith.constant 0 : i32
      %dma_start3A_603 = arith.constant 0 : i32
      %dma_start3A_604 = tpu.memref_slice %arg18[%dma_start3A_602, %dma_start3A_603] : memref<10112x16xf32, #tpu.memory_space<vmem_shared>> -> memref<10112x16xf32, #tpu.memory_space<vmem_shared>>
      %dma_start3A_605 = tpu.memref_slice %arg23[%rem3A_578] : memref<8x!tpu.dma_semaphore, #tpu.memory_space<semaphore_mem>> -> memref<1x!tpu.dma_semaphore, #tpu.memory_space<semaphore_mem>>
      %dma_start3A_606 = tpu.memref_squeeze %dma_start3A_605 : memref<1x!tpu.dma_semaphore, #tpu.memory_space<semaphore_mem>> -> memref<!tpu.dma_semaphore, #tpu.memory_space<semaphore_mem>>
      tpu.enqueue_indirect_dma source(%dma_start3A_598 : memref<128x16xf32, #tpu.memory_space<vmem>>) target(%dma_start3A_604 : memref<10112x16xf32, #tpu.memory_space<vmem_shared>>) offsets(%dma_start3A_601 : memref<128xi32, #tpu.memory_space<vmem>>) semaphore(%dma_start3A_606 : memref<!tpu.dma_semaphore, #tpu.memory_space<semaphore_mem>>) {add = true}
      %ge3A_607 = arith.constant 4 : i32
      %ge3A_608 = arith.cmpi sge, %add3A_576, %ge3A_607 : i32
      %convert_element_type3A_609 = arith.extui %ge3A_608 : i1 to i32
      %cond3A_610 = arith.constant 0 : i32
      %cond3A_611 = arith.cmpi ne, %convert_element_type3A_609, %cond3A_610 : i32
      scf.if %cond3A_611 {
        %dma_wait3A_665 = arith.constant 0 : i32
        %dma_wait3A_666 = arith.constant 0 : i32
        %dma_wait3A_667 = tpu.memref_slice %arg13[%rem3A_582, %dma_wait3A_665, %dma_wait3A_666] : memref<8x128x16xf32, #tpu.memory_space<vmem>> -> memref<1x128x16xf32, #tpu.memory_space<vmem>>
        %dma_wait3A_668 = tpu.memref_squeeze %dma_wait3A_667 : memref<1x128x16xf32, #tpu.memory_space<vmem>> -> memref<128x16xf32, #tpu.memory_space<vmem>>
        %dma_wait3A_669 = arith.constant 0 : i32
        %dma_wait3A_670 = tpu.memref_slice %arg11[%add3A_576, %dma_wait3A_669] : memref<80x128xi32, #tpu.memory_space<vmem>> -> memref<1x128xi32, #tpu.memory_space<vmem>>
        %dma_wait3A_671 = tpu.memref_squeeze %dma_wait3A_670 : memref<1x128xi32, #tpu.memory_space<vmem>> -> memref<128xi32, #tpu.memory_space<vmem>>
        %dma_wait3A_672 = arith.constant 0 : i32
        %dma_wait3A_673 = arith.constant 0 : i32
        %dma_wait3A_674 = tpu.memref_slice %arg18[%dma_wait3A_672, %dma_wait3A_673] : memref<10112x16xf32, #tpu.memory_space<vmem_shared>> -> memref<10112x16xf32, #tpu.memory_space<vmem_shared>>
        %dma_wait3A_675 = tpu.memref_slice %arg23[%rem3A_582] : memref<8x!tpu.dma_semaphore, #tpu.memory_space<semaphore_mem>> -> memref<1x!tpu.dma_semaphore, #tpu.memory_space<semaphore_mem>>
        %dma_wait3A_676 = tpu.memref_squeeze %dma_wait3A_675 : memref<1x!tpu.dma_semaphore, #tpu.memory_space<semaphore_mem>> -> memref<!tpu.dma_semaphore, #tpu.memory_space<semaphore_mem>>
        tpu.wait_indirect_dma semaphore(%dma_wait3A_676 : memref<!tpu.dma_semaphore, #tpu.memory_space<semaphore_mem>>) src(%dma_wait3A_668 : memref<128x16xf32, #tpu.memory_space<vmem>>) dst(%dma_wait3A_674 : memref<10112x16xf32, #tpu.memory_space<vmem_shared>>)
      } else {
      }
      %add3A_612 = arith.constant 4 : i32
      %add3A_613 = arith.addi %add3A_576, %add3A_612 : i32
      %lt3A_614 = arith.constant 80 : i32
      %lt3A_615 = arith.cmpi slt, %add3A_613, %lt3A_614 : i32
      %convert_element_type3A_616 = arith.extui %lt3A_615 : i1 to i32
      %cond3A_617 = arith.constant 0 : i32
      %cond3A_618 = arith.cmpi ne, %convert_element_type3A_616, %cond3A_617 : i32
      scf.if %cond3A_618 {
        %add3A_665 = arith.constant 4 : i32
        %add3A_666 = arith.addi %add3A_576, %add3A_665 : i32
        %dma_start3A_667 = arith.constant 0 : i32
        %dma_start3A_668 = arith.constant 0 : i32
        %dma_start3A_669 = tpu.memref_slice %arg13[%rem3A_582, %dma_start3A_667, %dma_start3A_668] : memref<8x128x16xf32, #tpu.memory_space<vmem>> -> memref<1x128x16xf32, #tpu.memory_space<vmem>>
        %dma_start3A_670 = tpu.memref_squeeze %dma_start3A_669 : memref<1x128x16xf32, #tpu.memory_space<vmem>> -> memref<128x16xf32, #tpu.memory_space<vmem>>
        %dma_start3A_671 = arith.constant 0 : i32
        %dma_start3A_672 = tpu.memref_slice %arg10[%add3A_666, %dma_start3A_671] : memref<80x128xi32, #tpu.memory_space<vmem>> -> memref<1x128xi32, #tpu.memory_space<vmem>>
        %dma_start3A_673 = tpu.memref_squeeze %dma_start3A_672 : memref<1x128xi32, #tpu.memory_space<vmem>> -> memref<128xi32, #tpu.memory_space<vmem>>
        %dma_start3A_674 = arith.constant 0 : i32
        %dma_start3A_675 = arith.constant 0 : i32
        %dma_start3A_676 = tpu.memref_slice %arg19[%dma_start3A_674, %dma_start3A_675] : memref<10112x16xf32, #tpu.memory_space<vmem_shared>> -> memref<10112x16xf32, #tpu.memory_space<vmem_shared>>
        %dma_start3A_677 = tpu.memref_slice %arg22[%rem3A_582] : memref<8x!tpu.dma_semaphore, #tpu.memory_space<semaphore_mem>> -> memref<1x!tpu.dma_semaphore, #tpu.memory_space<semaphore_mem>>
        %dma_start3A_678 = tpu.memref_squeeze %dma_start3A_677 : memref<1x!tpu.dma_semaphore, #tpu.memory_space<semaphore_mem>> -> memref<!tpu.dma_semaphore, #tpu.memory_space<semaphore_mem>>
        tpu.enqueue_indirect_dma source(%dma_start3A_676 : memref<10112x16xf32, #tpu.memory_space<vmem_shared>>) target(%dma_start3A_670 : memref<128x16xf32, #tpu.memory_space<vmem>>) offsets(%dma_start3A_673 : memref<128xi32, #tpu.memory_space<vmem>>) semaphore(%dma_start3A_678 : memref<!tpu.dma_semaphore, #tpu.memory_space<semaphore_mem>>)
      } else {
      }
      %mul3A_619 = arith.constant 4 : i32
      %mul3A_620 = arith.muli %mul3A_619, %scan3A_483 : i32
      %add3A_621 = arith.constant 3 : i32
      %add3A_622 = arith.addi %mul3A_620, %add3A_621 : i32
      %rem3A_623 = arith.constant 8 : i32
      %rem3A_624 = arith.remsi %add3A_622, %rem3A_623 : i32
      %add3A_625 = arith.constant 4 : i32
      %add3A_626 = arith.addi %add3A_622, %add3A_625 : i32
      %rem3A_627 = arith.constant 8 : i32
      %rem3A_628 = arith.remsi %add3A_626, %rem3A_627 : i32
      %dma_wait3A_629 = arith.constant 0 : i32
      %dma_wait3A_630 = arith.constant 0 : i32
      %dma_wait3A_631 = tpu.memref_slice %arg13[%rem3A_624, %dma_wait3A_629, %dma_wait3A_630] : memref<8x128x16xf32, #tpu.memory_space<vmem>> -> memref<1x128x16xf32, #tpu.memory_space<vmem>>
      %dma_wait3A_632 = tpu.memref_squeeze %dma_wait3A_631 : memref<1x128x16xf32, #tpu.memory_space<vmem>> -> memref<128x16xf32, #tpu.memory_space<vmem>>
      %dma_wait3A_633 = arith.constant 0 : i32
      %dma_wait3A_634 = tpu.memref_slice %arg10[%add3A_622, %dma_wait3A_633] : memref<80x128xi32, #tpu.memory_space<vmem>> -> memref<1x128xi32, #tpu.memory_space<vmem>>
      %dma_wait3A_635 = tpu.memref_squeeze %dma_wait3A_634 : memref<1x128xi32, #tpu.memory_space<vmem>> -> memref<128xi32, #tpu.memory_space<vmem>>
      %dma_wait3A_636 = arith.constant 0 : i32
      %dma_wait3A_637 = arith.constant 0 : i32
      %dma_wait3A_638 = tpu.memref_slice %arg19[%dma_wait3A_636, %dma_wait3A_637] : memref<10112x16xf32, #tpu.memory_space<vmem_shared>> -> memref<10112x16xf32, #tpu.memory_space<vmem_shared>>
      %dma_wait3A_639 = tpu.memref_slice %arg22[%rem3A_624] : memref<8x!tpu.dma_semaphore, #tpu.memory_space<semaphore_mem>> -> memref<1x!tpu.dma_semaphore, #tpu.memory_space<semaphore_mem>>
      %dma_wait3A_640 = tpu.memref_squeeze %dma_wait3A_639 : memref<1x!tpu.dma_semaphore, #tpu.memory_space<semaphore_mem>> -> memref<!tpu.dma_semaphore, #tpu.memory_space<semaphore_mem>>
      tpu.wait_indirect_dma semaphore(%dma_wait3A_640 : memref<!tpu.dma_semaphore, #tpu.memory_space<semaphore_mem>>) src(%dma_wait3A_638 : memref<10112x16xf32, #tpu.memory_space<vmem_shared>>) dst(%dma_wait3A_632 : memref<128x16xf32, #tpu.memory_space<vmem>>)
      %dma_start3A_641 = arith.constant 0 : i32
      %dma_start3A_642 = arith.constant 0 : i32
      %dma_start3A_643 = tpu.memref_slice %arg13[%rem3A_624, %dma_start3A_641, %dma_start3A_642] : memref<8x128x16xf32, #tpu.memory_space<vmem>> -> memref<1x128x16xf32, #tpu.memory_space<vmem>>
      %dma_start3A_644 = tpu.memref_squeeze %dma_start3A_643 : memref<1x128x16xf32, #tpu.memory_space<vmem>> -> memref<128x16xf32, #tpu.memory_space<vmem>>
      %dma_start3A_645 = arith.constant 0 : i32
      %dma_start3A_646 = tpu.memref_slice %arg11[%add3A_622, %dma_start3A_645] : memref<80x128xi32, #tpu.memory_space<vmem>> -> memref<1x128xi32, #tpu.memory_space<vmem>>
      %dma_start3A_647 = tpu.memref_squeeze %dma_start3A_646 : memref<1x128xi32, #tpu.memory_space<vmem>> -> memref<128xi32, #tpu.memory_space<vmem>>
      %dma_start3A_648 = arith.constant 0 : i32
      %dma_start3A_649 = arith.constant 0 : i32
      %dma_start3A_650 = tpu.memref_slice %arg18[%dma_start3A_648, %dma_start3A_649] : memref<10112x16xf32, #tpu.memory_space<vmem_shared>> -> memref<10112x16xf32, #tpu.memory_space<vmem_shared>>
      %dma_start3A_651 = tpu.memref_slice %arg23[%rem3A_624] : memref<8x!tpu.dma_semaphore, #tpu.memory_space<semaphore_mem>> -> memref<1x!tpu.dma_semaphore, #tpu.memory_space<semaphore_mem>>
      %dma_start3A_652 = tpu.memref_squeeze %dma_start3A_651 : memref<1x!tpu.dma_semaphore, #tpu.memory_space<semaphore_mem>> -> memref<!tpu.dma_semaphore, #tpu.memory_space<semaphore_mem>>
      tpu.enqueue_indirect_dma source(%dma_start3A_644 : memref<128x16xf32, #tpu.memory_space<vmem>>) target(%dma_start3A_650 : memref<10112x16xf32, #tpu.memory_space<vmem_shared>>) offsets(%dma_start3A_647 : memref<128xi32, #tpu.memory_space<vmem>>) semaphore(%dma_start3A_652 : memref<!tpu.dma_semaphore, #tpu.memory_space<semaphore_mem>>) {add = true}
      %ge3A_653 = arith.constant 4 : i32
      %ge3A_654 = arith.cmpi sge, %add3A_622, %ge3A_653 : i32
      %convert_element_type3A_655 = arith.extui %ge3A_654 : i1 to i32
      %cond3A_656 = arith.constant 0 : i32
      %cond3A_657 = arith.cmpi ne, %convert_element_type3A_655, %cond3A_656 : i32
      scf.if %cond3A_657 {
        %dma_wait3A_665 = arith.constant 0 : i32
        %dma_wait3A_666 = arith.constant 0 : i32
        %dma_wait3A_667 = tpu.memref_slice %arg13[%rem3A_628, %dma_wait3A_665, %dma_wait3A_666] : memref<8x128x16xf32, #tpu.memory_space<vmem>> -> memref<1x128x16xf32, #tpu.memory_space<vmem>>
        %dma_wait3A_668 = tpu.memref_squeeze %dma_wait3A_667 : memref<1x128x16xf32, #tpu.memory_space<vmem>> -> memref<128x16xf32, #tpu.memory_space<vmem>>
        %dma_wait3A_669 = arith.constant 0 : i32
        %dma_wait3A_670 = tpu.memref_slice %arg11[%add3A_622, %dma_wait3A_669] : memref<80x128xi32, #tpu.memory_space<vmem>> -> memref<1x128xi32, #tpu.memory_space<vmem>>
        %dma_wait3A_671 = tpu.memref_squeeze %dma_wait3A_670 : memref<1x128xi32, #tpu.memory_space<vmem>> -> memref<128xi32, #tpu.memory_space<vmem>>
        %dma_wait3A_672 = arith.constant 0 : i32
        %dma_wait3A_673 = arith.constant 0 : i32
        %dma_wait3A_674 = tpu.memref_slice %arg18[%dma_wait3A_672, %dma_wait3A_673] : memref<10112x16xf32, #tpu.memory_space<vmem_shared>> -> memref<10112x16xf32, #tpu.memory_space<vmem_shared>>
        %dma_wait3A_675 = tpu.memref_slice %arg23[%rem3A_628] : memref<8x!tpu.dma_semaphore, #tpu.memory_space<semaphore_mem>> -> memref<1x!tpu.dma_semaphore, #tpu.memory_space<semaphore_mem>>
        %dma_wait3A_676 = tpu.memref_squeeze %dma_wait3A_675 : memref<1x!tpu.dma_semaphore, #tpu.memory_space<semaphore_mem>> -> memref<!tpu.dma_semaphore, #tpu.memory_space<semaphore_mem>>
        tpu.wait_indirect_dma semaphore(%dma_wait3A_676 : memref<!tpu.dma_semaphore, #tpu.memory_space<semaphore_mem>>) src(%dma_wait3A_668 : memref<128x16xf32, #tpu.memory_space<vmem>>) dst(%dma_wait3A_674 : memref<10112x16xf32, #tpu.memory_space<vmem_shared>>)
      } else {
      }
      %add3A_658 = arith.constant 4 : i32
      %add3A_659 = arith.addi %add3A_622, %add3A_658 : i32
      %lt3A_660 = arith.constant 80 : i32
      %lt3A_661 = arith.cmpi slt, %add3A_659, %lt3A_660 : i32
      %convert_element_type3A_662 = arith.extui %lt3A_661 : i1 to i32
      %cond3A_663 = arith.constant 0 : i32
      %cond3A_664 = arith.cmpi ne, %convert_element_type3A_662, %cond3A_663 : i32
      scf.if %cond3A_664 {
        %add3A_665 = arith.constant 4 : i32
        %add3A_666 = arith.addi %add3A_622, %add3A_665 : i32
        %dma_start3A_667 = arith.constant 0 : i32
        %dma_start3A_668 = arith.constant 0 : i32
        %dma_start3A_669 = tpu.memref_slice %arg13[%rem3A_628, %dma_start3A_667, %dma_start3A_668] : memref<8x128x16xf32, #tpu.memory_space<vmem>> -> memref<1x128x16xf32, #tpu.memory_space<vmem>>
        %dma_start3A_670 = tpu.memref_squeeze %dma_start3A_669 : memref<1x128x16xf32, #tpu.memory_space<vmem>> -> memref<128x16xf32, #tpu.memory_space<vmem>>
        %dma_start3A_671 = arith.constant 0 : i32
        %dma_start3A_672 = tpu.memref_slice %arg10[%add3A_666, %dma_start3A_671] : memref<80x128xi32, #tpu.memory_space<vmem>> -> memref<1x128xi32, #tpu.memory_space<vmem>>
        %dma_start3A_673 = tpu.memref_squeeze %dma_start3A_672 : memref<1x128xi32, #tpu.memory_space<vmem>> -> memref<128xi32, #tpu.memory_space<vmem>>
        %dma_start3A_674 = arith.constant 0 : i32
        %dma_start3A_675 = arith.constant 0 : i32
        %dma_start3A_676 = tpu.memref_slice %arg19[%dma_start3A_674, %dma_start3A_675] : memref<10112x16xf32, #tpu.memory_space<vmem_shared>> -> memref<10112x16xf32, #tpu.memory_space<vmem_shared>>
        %dma_start3A_677 = tpu.memref_slice %arg22[%rem3A_628] : memref<8x!tpu.dma_semaphore, #tpu.memory_space<semaphore_mem>> -> memref<1x!tpu.dma_semaphore, #tpu.memory_space<semaphore_mem>>
        %dma_start3A_678 = tpu.memref_squeeze %dma_start3A_677 : memref<1x!tpu.dma_semaphore, #tpu.memory_space<semaphore_mem>> -> memref<!tpu.dma_semaphore, #tpu.memory_space<semaphore_mem>>
        tpu.enqueue_indirect_dma source(%dma_start3A_676 : memref<10112x16xf32, #tpu.memory_space<vmem_shared>>) target(%dma_start3A_670 : memref<128x16xf32, #tpu.memory_space<vmem>>) offsets(%dma_start3A_673 : memref<128xi32, #tpu.memory_space<vmem>>) semaphore(%dma_start3A_678 : memref<!tpu.dma_semaphore, #tpu.memory_space<semaphore_mem>>)
      } else {
      }
    }
    %scan3A_421 = arith.constant 20 : i32
    %dma_wait3A_422 = arith.constant 4 : i32
    %dma_wait3A_423 = arith.constant 76 : i32
    %dma_wait3A_424 = arith.constant 4 : i32
    %dma_wait3A_425 = arith.constant 0 : i32
    %dma_wait3A_426 = arith.constant 0 : i32
    %dma_wait3A_427 = tpu.memref_slice %arg13[%dma_wait3A_422, %dma_wait3A_425, %dma_wait3A_426] : memref<8x128x16xf32, #tpu.memory_space<vmem>> -> memref<1x128x16xf32, #tpu.memory_space<vmem>>
    %dma_wait3A_428 = tpu.memref_squeeze %dma_wait3A_427 : memref<1x128x16xf32, #tpu.memory_space<vmem>> -> memref<128x16xf32, #tpu.memory_space<vmem>>
    %dma_wait3A_429 = arith.constant 0 : i32
    %dma_wait3A_430 = tpu.memref_slice %arg11[%dma_wait3A_423, %dma_wait3A_429] : memref<80x128xi32, #tpu.memory_space<vmem>> -> memref<1x128xi32, #tpu.memory_space<vmem>>
    %dma_wait3A_431 = tpu.memref_squeeze %dma_wait3A_430 : memref<1x128xi32, #tpu.memory_space<vmem>> -> memref<128xi32, #tpu.memory_space<vmem>>
    %dma_wait3A_432 = arith.constant 0 : i32
    %dma_wait3A_433 = arith.constant 0 : i32
    %dma_wait3A_434 = tpu.memref_slice %arg18[%dma_wait3A_432, %dma_wait3A_433] : memref<10112x16xf32, #tpu.memory_space<vmem_shared>> -> memref<10112x16xf32, #tpu.memory_space<vmem_shared>>
    %dma_wait3A_435 = tpu.memref_slice %arg23[%dma_wait3A_424] : memref<8x!tpu.dma_semaphore, #tpu.memory_space<semaphore_mem>> -> memref<1x!tpu.dma_semaphore, #tpu.memory_space<semaphore_mem>>
    %dma_wait3A_436 = tpu.memref_squeeze %dma_wait3A_435 : memref<1x!tpu.dma_semaphore, #tpu.memory_space<semaphore_mem>> -> memref<!tpu.dma_semaphore, #tpu.memory_space<semaphore_mem>>
    tpu.wait_indirect_dma semaphore(%dma_wait3A_436 : memref<!tpu.dma_semaphore, #tpu.memory_space<semaphore_mem>>) src(%dma_wait3A_428 : memref<128x16xf32, #tpu.memory_space<vmem>>) dst(%dma_wait3A_434 : memref<10112x16xf32, #tpu.memory_space<vmem_shared>>)
    %dma_wait3A_437 = arith.constant 5 : i32
    %dma_wait3A_438 = arith.constant 77 : i32
    %dma_wait3A_439 = arith.constant 5 : i32
    %dma_wait3A_440 = arith.constant 0 : i32
    %dma_wait3A_441 = arith.constant 0 : i32
    %dma_wait3A_442 = tpu.memref_slice %arg13[%dma_wait3A_437, %dma_wait3A_440, %dma_wait3A_441] : memref<8x128x16xf32, #tpu.memory_space<vmem>> -> memref<1x128x16xf32, #tpu.memory_space<vmem>>
    %dma_wait3A_443 = tpu.memref_squeeze %dma_wait3A_442 : memref<1x128x16xf32, #tpu.memory_space<vmem>> -> memref<128x16xf32, #tpu.memory_space<vmem>>
    %dma_wait3A_444 = arith.constant 0 : i32
    %dma_wait3A_445 = tpu.memref_slice %arg11[%dma_wait3A_438, %dma_wait3A_444] : memref<80x128xi32, #tpu.memory_space<vmem>> -> memref<1x128xi32, #tpu.memory_space<vmem>>
    %dma_wait3A_446 = tpu.memref_squeeze %dma_wait3A_445 : memref<1x128xi32, #tpu.memory_space<vmem>> -> memref<128xi32, #tpu.memory_space<vmem>>
    %dma_wait3A_447 = arith.constant 0 : i32
    %dma_wait3A_448 = arith.constant 0 : i32
    %dma_wait3A_449 = tpu.memref_slice %arg18[%dma_wait3A_447, %dma_wait3A_448] : memref<10112x16xf32, #tpu.memory_space<vmem_shared>> -> memref<10112x16xf32, #tpu.memory_space<vmem_shared>>
    %dma_wait3A_450 = tpu.memref_slice %arg23[%dma_wait3A_439] : memref<8x!tpu.dma_semaphore, #tpu.memory_space<semaphore_mem>> -> memref<1x!tpu.dma_semaphore, #tpu.memory_space<semaphore_mem>>
    %dma_wait3A_451 = tpu.memref_squeeze %dma_wait3A_450 : memref<1x!tpu.dma_semaphore, #tpu.memory_space<semaphore_mem>> -> memref<!tpu.dma_semaphore, #tpu.memory_space<semaphore_mem>>
    tpu.wait_indirect_dma semaphore(%dma_wait3A_451 : memref<!tpu.dma_semaphore, #tpu.memory_space<semaphore_mem>>) src(%dma_wait3A_443 : memref<128x16xf32, #tpu.memory_space<vmem>>) dst(%dma_wait3A_449 : memref<10112x16xf32, #tpu.memory_space<vmem_shared>>)
    %dma_wait3A_452 = arith.constant 6 : i32
    %dma_wait3A_453 = arith.constant 78 : i32
    %dma_wait3A_454 = arith.constant 6 : i32
    %dma_wait3A_455 = arith.constant 0 : i32
    %dma_wait3A_456 = arith.constant 0 : i32
    %dma_wait3A_457 = tpu.memref_slice %arg13[%dma_wait3A_452, %dma_wait3A_455, %dma_wait3A_456] : memref<8x128x16xf32, #tpu.memory_space<vmem>> -> memref<1x128x16xf32, #tpu.memory_space<vmem>>
    %dma_wait3A_458 = tpu.memref_squeeze %dma_wait3A_457 : memref<1x128x16xf32, #tpu.memory_space<vmem>> -> memref<128x16xf32, #tpu.memory_space<vmem>>
    %dma_wait3A_459 = arith.constant 0 : i32
    %dma_wait3A_460 = tpu.memref_slice %arg11[%dma_wait3A_453, %dma_wait3A_459] : memref<80x128xi32, #tpu.memory_space<vmem>> -> memref<1x128xi32, #tpu.memory_space<vmem>>
    %dma_wait3A_461 = tpu.memref_squeeze %dma_wait3A_460 : memref<1x128xi32, #tpu.memory_space<vmem>> -> memref<128xi32, #tpu.memory_space<vmem>>
    %dma_wait3A_462 = arith.constant 0 : i32
    %dma_wait3A_463 = arith.constant 0 : i32
    %dma_wait3A_464 = tpu.memref_slice %arg18[%dma_wait3A_462, %dma_wait3A_463] : memref<10112x16xf32, #tpu.memory_space<vmem_shared>> -> memref<10112x16xf32, #tpu.memory_space<vmem_shared>>
    %dma_wait3A_465 = tpu.memref_slice %arg23[%dma_wait3A_454] : memref<8x!tpu.dma_semaphore, #tpu.memory_space<semaphore_mem>> -> memref<1x!tpu.dma_semaphore, #tpu.memory_space<semaphore_mem>>
    %dma_wait3A_466 = tpu.memref_squeeze %dma_wait3A_465 : memref<1x!tpu.dma_semaphore, #tpu.memory_space<semaphore_mem>> -> memref<!tpu.dma_semaphore, #tpu.memory_space<semaphore_mem>>
    tpu.wait_indirect_dma semaphore(%dma_wait3A_466 : memref<!tpu.dma_semaphore, #tpu.memory_space<semaphore_mem>>) src(%dma_wait3A_458 : memref<128x16xf32, #tpu.memory_space<vmem>>) dst(%dma_wait3A_464 : memref<10112x16xf32, #tpu.memory_space<vmem_shared>>)
    %dma_wait3A_467 = arith.constant 7 : i32
    %dma_wait3A_468 = arith.constant 79 : i32
    %dma_wait3A_469 = arith.constant 7 : i32
    %dma_wait3A_470 = arith.constant 0 : i32
    %dma_wait3A_471 = arith.constant 0 : i32
    %dma_wait3A_472 = tpu.memref_slice %arg13[%dma_wait3A_467, %dma_wait3A_470, %dma_wait3A_471] : memref<8x128x16xf32, #tpu.memory_space<vmem>> -> memref<1x128x16xf32, #tpu.memory_space<vmem>>
    %dma_wait3A_473 = tpu.memref_squeeze %dma_wait3A_472 : memref<1x128x16xf32, #tpu.memory_space<vmem>> -> memref<128x16xf32, #tpu.memory_space<vmem>>
    %dma_wait3A_474 = arith.constant 0 : i32
    %dma_wait3A_475 = tpu.memref_slice %arg11[%dma_wait3A_468, %dma_wait3A_474] : memref<80x128xi32, #tpu.memory_space<vmem>> -> memref<1x128xi32, #tpu.memory_space<vmem>>
    %dma_wait3A_476 = tpu.memref_squeeze %dma_wait3A_475 : memref<1x128xi32, #tpu.memory_space<vmem>> -> memref<128xi32, #tpu.memory_space<vmem>>
    %dma_wait3A_477 = arith.constant 0 : i32
    %dma_wait3A_478 = arith.constant 0 : i32
    %dma_wait3A_479 = tpu.memref_slice %arg18[%dma_wait3A_477, %dma_wait3A_478] : memref<10112x16xf32, #tpu.memory_space<vmem_shared>> -> memref<10112x16xf32, #tpu.memory_space<vmem_shared>>
    %dma_wait3A_480 = tpu.memref_slice %arg23[%dma_wait3A_469] : memref<8x!tpu.dma_semaphore, #tpu.memory_space<semaphore_mem>> -> memref<1x!tpu.dma_semaphore, #tpu.memory_space<semaphore_mem>>
    %dma_wait3A_481 = tpu.memref_squeeze %dma_wait3A_480 : memref<1x!tpu.dma_semaphore, #tpu.memory_space<semaphore_mem>> -> memref<!tpu.dma_semaphore, #tpu.memory_space<semaphore_mem>>
    tpu.wait_indirect_dma semaphore(%dma_wait3A_481 : memref<!tpu.dma_semaphore, #tpu.memory_space<semaphore_mem>>) src(%dma_wait3A_473 : memref<128x16xf32, #tpu.memory_space<vmem>>) dst(%dma_wait3A_479 : memref<10112x16xf32, #tpu.memory_space<vmem_shared>>)
    %barrier3A_482 = arith.constant 0 : index
    tpu.barrier barrier_id(%barrier3A_482)
    "tpu.region"() ({
      %run_scoped3A = tpu.sem_alloc : memref<!tpu.dma_semaphore, #tpu.memory_space<semaphore_mem>>
      %dma_start3A_483 = arith.constant 0 : i32
      %dma_start3A_484 = tpu.memref_slice %arg8[%arg0, %mul3A_6, %dma_start3A_483] : memref<2x10112x16xf32, #tpu.memory_space<hbm>> -> memref<1x632x16xf32, #tpu.memory_space<hbm>>
      %dma_start3A_485 = tpu.memref_squeeze %dma_start3A_484 : memref<1x632x16xf32, #tpu.memory_space<hbm>> -> memref<632x16xf32, #tpu.memory_space<hbm>>
      %dma_start3A_486 = arith.constant 0 : i32
      %dma_start3A_487 = tpu.memref_slice %arg18[%mul3A_6, %dma_start3A_486] : memref<10112x16xf32, #tpu.memory_space<vmem_shared>> -> memref<632x16xf32, #tpu.memory_space<vmem_shared>>
      tpu.enqueue_dma source(%dma_start3A_487 : memref<632x16xf32, #tpu.memory_space<vmem_shared>>) target(%dma_start3A_485 : memref<632x16xf32, #tpu.memory_space<hbm>>) target_semaphore(%run_scoped3A : memref<!tpu.dma_semaphore, #tpu.memory_space<semaphore_mem>>)
      %dma_wait3A_488 = arith.constant 0 : i32
      %dma_wait3A_489 = tpu.memref_slice %arg8[%arg0, %mul3A_6, %dma_wait3A_488] : memref<2x10112x16xf32, #tpu.memory_space<hbm>> -> memref<1x632x16xf32, #tpu.memory_space<hbm>>
      %dma_wait3A_490 = tpu.memref_squeeze %dma_wait3A_489 : memref<1x632x16xf32, #tpu.memory_space<hbm>> -> memref<632x16xf32, #tpu.memory_space<hbm>>
      %dma_wait3A_491 = arith.constant 0 : i32
      %dma_wait3A_492 = tpu.memref_slice %arg18[%mul3A_6, %dma_wait3A_491] : memref<10112x16xf32, #tpu.memory_space<vmem_shared>> -> memref<632x16xf32, #tpu.memory_space<vmem_shared>>
      tpu.wait_dma2 semaphore(%run_scoped3A : memref<!tpu.dma_semaphore, #tpu.memory_space<semaphore_mem>>) src(%dma_wait3A_492 : memref<632x16xf32, #tpu.memory_space<vmem_shared>>) dst(%dma_wait3A_490 : memref<632x16xf32, #tpu.memory_space<hbm>>)
      tpu.yield
    }) : () -> ()
    return
  }
}

module attributes {stable_mosaic.version = 14 : i64} {
  func.func @_tc1_body(%arg0: memref<10000x128xf32, #tpu.memory_space<vmem>>, %arg1: memref<128x16xf32, #tpu.memory_space<vmem>>, %arg2: memref<10112x16xf32, #tpu.memory_space<vmem>>) attributes {dimension_semantics = [], scalar_prefetch = 0 : i64, scratch_operands = 0 : i64, tpu.core_type = #tpu.core_type<tc>} {
    %get3A = arith.constant 0 : index
    %get3A_0 = arith.constant 0 : index
    %get3A_1 = vector.load %arg0[%get3A, %get3A_0] : memref<10000x128xf32, #tpu.memory_space<vmem>>, vector<10000x128xf32>
    %get3A_2 = arith.constant 0 : index
    %get3A_3 = arith.constant 0 : index
    %get3A_4 = vector.load %arg1[%get3A_2, %get3A_3] : memref<128x16xf32, #tpu.memory_space<vmem>>, vector<128x16xf32>
    %dot_general3A = arith.constant dense<0.000000e+00> : vector<10000x16xf32>
    %dot_general3A_5 = tpu.matmul %get3A_1, %get3A_4, %dot_general3A {dimension_numbers = #tpu.dot_dimension_numbers<[1], [0], [0], [1], [0, 0, 1, 1], [], []>, transpose_lhs_hint = false} : vector<10000x128xf32>, vector<128x16xf32>, vector<10000x16xf32> -> vector<10000x16xf32>
    %swap3A = arith.constant 0 : index
    %swap3A_6 = arith.constant 0 : index
    %swap3A_7 = vector.load %arg2[%swap3A, %swap3A_6] : memref<10112x16xf32, #tpu.memory_space<vmem>>, vector<10000x16xf32>
    tpu.vector_store %arg2[%swap3A, %swap3A_6], %dot_general3A_5 {strides = array<i32>} : memref<10112x16xf32, #tpu.memory_space<vmem>>, vector<10000x16xf32>,
    %broadcast_in_dim3A = arith.constant 0.000000e+00 : f32
    %broadcast_in_dim3A_8 = vector.broadcast %broadcast_in_dim3A : f32 to vector<112x16xf32>
    %swap3A_9 = arith.constant 10000 : index
    %swap3A_10 = arith.constant 0 : index
    %swap3A_11 = vector.load %arg2[%swap3A_9, %swap3A_10] : memref<10112x16xf32, #tpu.memory_space<vmem>>, vector<112x16xf32>
    tpu.vector_store %arg2[%swap3A_9, %swap3A_10], %broadcast_in_dim3A_8 {strides = array<i32>} : memref<10112x16xf32, #tpu.memory_space<vmem>>, vector<112x16xf32>,
    return
  }
}

module attributes {stable_mosaic.version = 14 : i64} {
  func.func @_tc2_body(%arg0: memref<2x10112x16xf32, #tpu.memory_space<vmem>>, %arg1: memref<10112x16xf32, #tpu.memory_space<vmem>>, %arg2: memref<1x16xf32, #tpu.memory_space<vmem>>, %arg3: memref<16x32xf32, #tpu.memory_space<vmem>>, %arg4: memref<10112x32xf32, #tpu.memory_space<vmem>>) attributes {dimension_semantics = [], scalar_prefetch = 0 : i64, scratch_operands = 0 : i64, tpu.core_type = #tpu.core_type<tc>} {
    %get3A = arith.constant 0 : index
    %get3A_0 = arith.constant 0 : index
    %get3A_1 = vector.load %arg1[%get3A, %get3A_0] : memref<10112x16xf32, #tpu.memory_space<vmem>>, vector<10112x1xf32>
    %get3A_2 = arith.constant 0 : index
    %get3A_3 = arith.constant 0 : index
    %get3A_4 = arith.constant 0 : index
    %get3A_5 = vector.load %arg0[%get3A_2, %get3A_3, %get3A_4] : memref<2x10112x16xf32, #tpu.memory_space<vmem>>, vector<1x10112x16xf32>
    %get3A_6 = vector.shape_cast %get3A_5 : vector<1x10112x16xf32> to vector<10112x16xf32>
    %get3A_7 = arith.constant 1 : index
    %get3A_8 = arith.constant 0 : index
    %get3A_9 = arith.constant 0 : index
    %get3A_10 = vector.load %arg0[%get3A_7, %get3A_8, %get3A_9] : memref<2x10112x16xf32, #tpu.memory_space<vmem>>, vector<1x10112x16xf32>
    %get3A_11 = vector.shape_cast %get3A_10 : vector<1x10112x16xf32> to vector<10112x16xf32>
    %add3A = arith.addf %get3A_6, %get3A_11 : vector<10112x16xf32>
    %mul3A = vector.broadcast %get3A_1 : vector<10112x1xf32> to vector<10112x16xf32>
    %mul3A_12 = arith.mulf %add3A, %mul3A : vector<10112x16xf32>
    %get3A_13 = arith.constant 0 : index
    %get3A_14 = arith.constant 0 : index
    %get3A_15 = vector.load %arg2[%get3A_13, %get3A_14] : memref<1x16xf32, #tpu.memory_space<vmem>>, vector<1x16xf32>
    %add3A_16 = vector.broadcast %get3A_15 : vector<1x16xf32> to vector<10112x16xf32>
    %add3A_17 = arith.addf %mul3A_12, %add3A_16 : vector<10112x16xf32>
    %max3A = arith.constant 0.000000e+00 : f32
    %max3A_18 = vector.broadcast %max3A : f32 to vector<10112x16xf32>
    %max3A_19 = arith.maximumf %add3A_17, %max3A_18 : vector<10112x16xf32>
    %get3A_20 = arith.constant 0 : index
    %get3A_21 = arith.constant 0 : index
    %get3A_22 = vector.load %arg3[%get3A_20, %get3A_21] : memref<16x32xf32, #tpu.memory_space<vmem>>, vector<16x32xf32>
    %dot_general3A = arith.constant dense<0.000000e+00> : vector<10112x32xf32>
    %dot_general3A_23 = tpu.matmul %max3A_19, %get3A_22, %dot_general3A {dimension_numbers = #tpu.dot_dimension_numbers<[1], [0], [0], [1], [0, 0, 1, 1], [], []>, transpose_lhs_hint = false} : vector<10112x16xf32>, vector<16x32xf32>, vector<10112x32xf32> -> vector<10112x32xf32>
    %mul3A_24 = vector.broadcast %get3A_1 : vector<10112x1xf32> to vector<10112x32xf32>
    %mul3A_25 = arith.mulf %dot_general3A_23, %mul3A_24 : vector<10112x32xf32>
    %swap3A = arith.constant 0 : index
    %swap3A_26 = arith.constant 0 : index
    %swap3A_27 = vector.load %arg4[%swap3A, %swap3A_26] : memref<10112x32xf32, #tpu.memory_space<vmem>>, vector<10112x32xf32>
    tpu.vector_store %arg4[%swap3A, %swap3A_26], %mul3A_25 {strides = array<i32>} : memref<10112x32xf32, #tpu.memory_space<vmem>>, vector<10112x32xf32>,
    return
  }
}

module attributes {stable_mosaic.version = 14 : i64} {
  func.func @_tc3_body(%arg0: memref<2x10112x32xf32, #tpu.memory_space<vmem>>, %arg1: memref<10112x16xf32, #tpu.memory_space<vmem>>, %arg2: memref<1x32xf32, #tpu.memory_space<vmem>>, %arg3: memref<1x10000xi32, #tpu.memory_space<vmem>>, %arg4: memref<32x10xf32, #tpu.memory_space<vmem>>, %arg5: memref<1x10xf32, #tpu.memory_space<vmem>>, %arg6: memref<64x10xf32, #tpu.memory_space<vmem>>) attributes {dimension_semantics = [], scalar_prefetch = 0 : i64, scratch_operands = 0 : i64, tpu.core_type = #tpu.core_type<tc>} {
    %get3A = arith.constant 0 : index
    %get3A_0 = arith.constant 0 : index
    %get3A_1 = vector.load %arg1[%get3A, %get3A_0] : memref<10112x16xf32, #tpu.memory_space<vmem>>, vector<10112x1xf32>
    %get3A_2 = arith.constant 0 : index
    %get3A_3 = arith.constant 0 : index
    %get3A_4 = arith.constant 0 : index
    %get3A_5 = vector.load %arg0[%get3A_2, %get3A_3, %get3A_4] : memref<2x10112x32xf32, #tpu.memory_space<vmem>>, vector<1x10112x32xf32>
    %get3A_6 = vector.shape_cast %get3A_5 : vector<1x10112x32xf32> to vector<10112x32xf32>
    %get3A_7 = arith.constant 1 : index
    %get3A_8 = arith.constant 0 : index
    %get3A_9 = arith.constant 0 : index
    %get3A_10 = vector.load %arg0[%get3A_7, %get3A_8, %get3A_9] : memref<2x10112x32xf32, #tpu.memory_space<vmem>>, vector<1x10112x32xf32>
    %get3A_11 = vector.shape_cast %get3A_10 : vector<1x10112x32xf32> to vector<10112x32xf32>
    %add3A = arith.addf %get3A_6, %get3A_11 : vector<10112x32xf32>
    %mul3A = vector.broadcast %get3A_1 : vector<10112x1xf32> to vector<10112x32xf32>
    %mul3A_12 = arith.mulf %add3A, %mul3A : vector<10112x32xf32>
    %get3A_13 = arith.constant 0 : index
    %get3A_14 = arith.constant 0 : index
    %get3A_15 = vector.load %arg2[%get3A_13, %get3A_14] : memref<1x32xf32, #tpu.memory_space<vmem>>, vector<1x32xf32>
    %add3A_16 = vector.broadcast %get3A_15 : vector<1x32xf32> to vector<10112x32xf32>
    %add3A_17 = arith.addf %mul3A_12, %add3A_16 : vector<10112x32xf32>
    %max3A = arith.constant 0.000000e+00 : f32
    %max3A_18 = vector.broadcast %max3A : f32 to vector<10112x32xf32>
    %max3A_19 = arith.maximumf %add3A_17, %max3A_18 : vector<10112x32xf32>
    %slice3A = vector.extract_strided_slice %max3A_19 {offsets = [0, 0], sizes = [10000, 32], strides = [1, 1]} : vector<10112x32xf32> to vector<10000x32xf32>
    %iota3A = tpu.iota {dimensions = array<i32: 0>} : vector<64x10000xi32>
    %get3A_20 = arith.constant 0 : index
    %get3A_21 = arith.constant 0 : index
    %get3A_22 = vector.load %arg3[%get3A_20, %get3A_21] : memref<1x10000xi32, #tpu.memory_space<vmem>>, vector<1x10000xi32>
    %eq3A = vector.broadcast %get3A_22 : vector<1x10000xi32> to vector<64x10000xi32>
    %eq3A_23 = arith.cmpi eq, %eq3A, %iota3A : vector<64x10000xi32>
    %convert_element_type3A = arith.extui %eq3A_23 : vector<64x10000xi1> to vector<64x10000xi32>
    %convert_element_type3A_24 = arith.sitofp %convert_element_type3A : vector<64x10000xi32> to vector<64x10000xf32>
    %dot_general3A = arith.constant dense<0.000000e+00> : vector<64x32xf32>
    %dot_general3A_25 = tpu.matmul %convert_element_type3A_24, %slice3A, %dot_general3A {dimension_numbers = #tpu.dot_dimension_numbers<[1], [0], [0], [1], [0, 0, 1, 1], [], []>, transpose_lhs_hint = false} : vector<64x10000xf32>, vector<10000x32xf32>, vector<64x32xf32> -> vector<64x32xf32>
    %reduce_sum3A = arith.constant dense<0.000000e+00> : vector<64xf32>
    %reduce_sum3A_26 = vector.multi_reduction <add>, %convert_element_type3A_24, %reduce_sum3A [1] : vector<64x10000xf32> to vector<64xf32>
    %broadcast_in_dim3A = vector.shape_cast %reduce_sum3A_26 : vector<64xf32> to vector<64x1xf32>
    %max3A_27 = arith.constant 1.000000e+00 : f32
    %max3A_28 = vector.broadcast %max3A_27 : f32 to vector<64x1xf32>
    %max3A_29 = arith.maximumf %broadcast_in_dim3A, %max3A_28 : vector<64x1xf32>
    %div3A = vector.broadcast %max3A_29 : vector<64x1xf32> to vector<64x32xf32>
    %div3A_30 = arith.divf %dot_general3A_25, %div3A : vector<64x32xf32>
    %get3A_31 = arith.constant 0 : index
    %get3A_32 = arith.constant 0 : index
    %get3A_33 = vector.load %arg4[%get3A_31, %get3A_32] : memref<32x10xf32, #tpu.memory_space<vmem>>, vector<32x10xf32>
    %dot_general3A_34 = arith.constant dense<0.000000e+00> : vector<64x10xf32>
    %dot_general3A_35 = tpu.matmul %div3A_30, %get3A_33, %dot_general3A_34 {dimension_numbers = #tpu.dot_dimension_numbers<[1], [0], [0], [1], [0, 0, 1, 1], [], []>, transpose_lhs_hint = false} : vector<64x32xf32>, vector<32x10xf32>, vector<64x10xf32> -> vector<64x10xf32>
    %get3A_36 = arith.constant 0 : index
    %get3A_37 = arith.constant 0 : index
    %get3A_38 = vector.load %arg5[%get3A_36, %get3A_37] : memref<1x10xf32, #tpu.memory_space<vmem>>, vector<1x10xf32>
    %add3A_39 = vector.broadcast %get3A_38 : vector<1x10xf32> to vector<64x10xf32>
    %add3A_40 = arith.addf %dot_general3A_35, %add3A_39 : vector<64x10xf32>
    %reduce_max3A = arith.constant dense<0xFF800000> : vector<64xf32>
    %reduce_max3A_41 = vector.multi_reduction <maximumf>, %add3A_40, %reduce_max3A [1] : vector<64x10xf32> to vector<64xf32>
    %broadcast_in_dim3A_42 = vector.shape_cast %reduce_max3A_41 : vector<64xf32> to vector<64x1xf32>
    %sub3A = vector.broadcast %broadcast_in_dim3A_42 : vector<64x1xf32> to vector<64x10xf32>
    %sub3A_43 = arith.subf %add3A_40, %sub3A : vector<64x10xf32>
    %exp3A = math.exp %sub3A_43 : vector<64x10xf32>
    %reduce_sum3A_44 = arith.constant dense<0.000000e+00> : vector<64xf32>
    %reduce_sum3A_45 = vector.multi_reduction <add>, %exp3A, %reduce_sum3A_44 [1] : vector<64x10xf32> to vector<64xf32>
    %broadcast_in_dim3A_46 = vector.shape_cast %reduce_sum3A_45 : vector<64xf32> to vector<64x1xf32>
    %log3A = math.log %broadcast_in_dim3A_46 : vector<64x1xf32>
    %sub3A_47 = vector.broadcast %log3A : vector<64x1xf32> to vector<64x10xf32>
    %sub3A_48 = arith.subf %sub3A_43, %sub3A_47 : vector<64x10xf32>
    %swap3A = arith.constant 0 : index
    %swap3A_49 = arith.constant 0 : index
    %swap3A_50 = vector.load %arg6[%swap3A, %swap3A_49] : memref<64x10xf32, #tpu.memory_space<vmem>>, vector<64x10xf32>
    tpu.vector_store %arg6[%swap3A, %swap3A_49], %sub3A_48 {strides = array<i32>} : memref<64x10xf32, #tpu.memory_space<vmem>>, vector<64x10xf32>,
    return
  }
}

</mosaic_0001>

<sc_bundles>
// kernel: kernel.10.cloned.1.call-start
scs
__scs_entry_jumppad:
0x0: {  	(pc) =	sbr.rel $0x88, $3  }
0x1: {  	(tag) =	ssettag $0x0;
	lr =	simm.s32 $0x1  }
0x2: {  	[smem:$0x3F98] =	sst lr;
	_ =	strace $0xD0000000  }
0x3: {  	_ = 	snop  }
0x4: {  	_ = 	snop  }
0x5: {  	_ = 	snop  }
0x6: {  	_ = 	snop  }
0x7: {  	_ = 	snop  }
__scs_overlays_trampoline_lowered:
0x8: {  	[smem:$0x3FA7] =	sst s0  }
0x9: {  	[smem:$0x3FA8] =	sst s1  }
0xa: {  	[smem:$0x3FA9] =	sst s2  }
0xb: {  	[smem:$0x3FAA] =	sst s3  }
0xc: {  	[smem:$0x3FAB] =	sst s4  }
0xd: {  	[smem:$0x3FAC] =	sst s5  }
0xe: {  	[smem:$0x3FAD] =	sst s6  }
0xf: {  	[smem:$0x3FAE] =	sst s7  }
0x10: {  	[smem:$0x3FAF] =	sst s8  }
0x11: {  	[smem:$0x3FB0] =	sst s9;
	s0 =	simm.s32 @!p0 $0x0  }
0x12: {  	s1 =	sld [smem:$0x3F96];
	s0 =	simm.s32 @p0 $0x1  }
0x13: {  	[smem:$0x3FB1] =	sst s0;
	s0 =	simm.s32 @!p1 $0x0  }
0x14: {  	s2 =	sld [smem:$0x3F95];
	s0 =	simm.s32 @p1 $0x1  }
0x15: {  	[smem:$0x3FB2] =	sst s0;
	s0 =	simm.s32 @!p2 $0x0  }
0x16: {  	s3 =	sld [smem:$0x3FDB];
	s0 =	simm.s32 @p2 $0x1  }
0x17: {  	s4 =	simm.s32 $0x1BF5;
	[smem:$0x3FB4] =	sst s0  }
0x18: {  	s0 =	sld [smem:$0x3F97];
	_ =	swait.ge [sflag:s4], $0x0  }
0x19: {  	s7 =	sld [smem:$0x3F98]  }
0x1a: {  	s8 =	sadd.s32 $0xFFFFE003, lr  }
0x1b: {  	s9 =	sadd.s32 $0xFFFFFEF7, lr;
	s5 =	simm.s32 $0xFFFFFFFF;
	p2 =	slt.u32 s8, $0xFFFFF086  }
0x1c: {  	p1 =	slt.u32 s9, $0xF7A;
	s5 =	simm.s32 @!p2 $0x0  }
0x1d: {  	s5 =	simm.s32 @p1 $0x1;
	p0 =	seq.s32 s7, s2  }
0x1e: {  	s7 =	smul.u32 @!p0 $0xF7A, s2;
	p2 =	seq.s32 @!p0 s5, $0x0  }
0x1f: {  	s9 =	smul.u32 $0xF7A, s1;
	s8 =	simm.s32 @!p0 $0x1BF5;
	p2 =	por !p2, p0  }
0x20: {  	[sflag:s8] =	ssyncset.s32 @!p0 $0xFFFFF086;
	s6 =	sadd.s32 @!p0 s3, s7;
	s7 =	simm.s32 @!p0 $0x108  }
0x21: {  	s3 =	sadd.s32 s3, s9;
	s6 =	sadd.s32 @!p0 $0x88, s6;
	s7 =	simm.s32 @p2 $0x1082  }
0x22: {  	[simem:s7], [sflag:s8] =	dma.local @!p0 [hbm:s6], $0xF7A  }
0x23: {  	s9 =	sor.u32 $0xD0000000, s2;
	s6 =	simm.s32 $0x108;
	_ =	swait.ge @!p0 [sflag:s8], $0x0  }
0x24: {  	s3 =	sadd.s32 $0x88, s3;
	s6 =	simm.s32 @!p1 $0x1082;
	[sflag:s4] =	ssyncset.s32 $0xFFFFF086  }
0x25: {  	[simem:s6], [sflag:s4] =	dma.local [hbm:s3], $0xF7A  }
0x26: {  	[smem:$0x3F98] =	sst s1;
	(tag) =	ssettag s2;
	_ =	strace s9  }
0x27: {  	s1 =	sld [smem:$0x3FA8]  }
0x28: {  	s2 =	sld [smem:$0x3FA9]  }
0x29: {  	s4 =	sld [smem:$0x3FAB]  }
0x2a: {  	p0 =	seq.s32 s5, $0x0;
	s5 =	sld [smem:$0x3FAC]  }
0x2b: {  	s6 =	sld [smem:$0x3FAD]  }
0x2c: {  	s7 =	sld [smem:$0x3FAE]  }
0x2d: {  	s3 =	simm.s32 $0x108;
	s8 =	sld [smem:$0x3FAF]  }
0x2e: {  	s3 =	simm.s32 @!p0 $0x1082;
	s9 =	sld [smem:$0x3FB0]  }
0x2f: {  	lr =	sadd.s32 s0, s3;
	s0 =	sld [smem:$0x3FA7]  }
0x30: {  	s3 =	sld [smem:$0x3FAA]  }
0x31: {  	[smem:$0x3FB3] =	sst s10  }
0x32: {  	s10 =	sld [smem:$0x3FB1];
	_ =	sdelay $0x3  }
0x33: {  	p0 =	seq.s32 s10, $0x1;
	s10 =	sld [smem:$0x3FB3];
	_ =	sdelay $0x3  }
0x34: {  	[smem:$0x3FB3] =	sst s10  }
0x35: {  	s10 =	sld [smem:$0x3FB2];
	_ =	sdelay $0x3  }
0x36: {  	p1 =	seq.s32 s10, $0x1;
	s10 =	sld [smem:$0x3FB3];
	_ =	sdelay $0x3  }
0x37: {  	[smem:$0x3FB3] =	sst s10  }
0x38: {  	s10 =	sld [smem:$0x3FB4]  }
0x39: {  	_ = 	snop;
	(pc) =	sbr.ind lr, $3  }
0x3a: {  	_ = 	snop  }
0x3b: {  	_ = 	snop  }
0x3c: {  	p2 =	seq.s32 s10, $0x1;
	s10 =	sld [smem:$0x3FB3]  }
0x3d: {  	_ =	shalt  }
0x3e: {  	_ =	shalt  }
0x3f: {  	_ =	shalt  }
0x40: {  	_ =	shalt  }
0x41: {  	_ =	shalt  }
0x42: {  	_ =	shalt  }
0x43: {  	_ =	shalt  }
0x44: {  	_ =	shalt  }
0x45: {  	_ =	shalt  }
0x46: {  	_ =	shalt  }
0x47: {  	_ =	shalt  }
0x48: {  	_ =	shalt  }
0x49: {  	_ =	shalt  }
0x4a: {  	_ =	shalt  }
0x4b: {  	_ =	shalt  }
0x4c: {  	_ =	shalt  }
0x4d: {  	_ =	shalt  }
0x4e: {  	_ =	shalt  }
0x4f: {  	_ =	shalt  }
0x50: {  	_ =	shalt  }
0x51: {  	_ =	shalt  }
0x52: {  	_ =	shalt  }
0x53: {  	_ =	shalt  }
0x54: {  	_ =	shalt  }
0x55: {  	_ =	shalt  }
0x56: {  	_ =	shalt  }
0x57: {  	_ =	shalt  }
0x58: {  	_ =	shalt  }
0x59: {  	_ =	shalt  }
0x5a: {  	_ =	shalt  }
0x5b: {  	_ =	shalt  }
0x5c: {  	_ =	shalt  }
0x5d: {  	_ =	shalt  }
0x5e: {  	_ =	shalt  }
0x5f: {  	_ =	shalt  }
0x60: {  	_ =	shalt  }
0x61: {  	_ =	shalt  }
0x62: {  	_ =	shalt  }
0x63: {  	_ =	shalt  }
0x64: {  	_ =	shalt  }
0x65: {  	_ =	shalt  }
0x66: {  	_ =	shalt  }
0x67: {  	_ =	shalt  }
0x68: {  	_ =	shalt  }
0x69: {  	_ =	shalt  }
0x6a: {  	_ =	shalt  }
0x6b: {  	_ =	shalt  }
0x6c: {  	_ =	shalt  }
0x6d: {  	_ =	shalt  }
0x6e: {  	_ =	shalt  }
0x6f: {  	_ =	shalt  }
0x70: {  	_ =	shalt  }
0x71: {  	_ =	shalt  }
0x72: {  	_ =	shalt  }
0x73: {  	_ =	shalt  }
0x74: {  	_ =	shalt  }
0x75: {  	_ =	shalt  }
0x76: {  	_ =	shalt  }
0x77: {  	_ =	shalt  }
0x78: {  	_ =	shalt  }
0x79: {  	_ =	shalt  }
0x7a: {  	_ =	shalt  }
0x7b: {  	_ =	shalt  }
0x7c: {  	_ =	shalt  }
0x7d: {  	_ =	shalt  }
0x7e: {  	_ =	shalt  }
0x7f: {  	_ =	shalt  }
0x80: {  	_ =	shalt  }
0x81: {  	_ =	shalt  }
0x82: {  	_ =	shalt  }
0x83: {  	_ =	shalt  }
0x84: {  	_ =	shalt  }
0x85: {  	_ =	shalt  }
0x86: {  	_ =	shalt  }
0x87: {  	_ =	shalt  }
.Lfunc_end0:
.L_simem_size_0:
called_computation.1_lowered:
.L_overlay_start_0:
0x88: {  	s2 =	sld [smem:$0x3FD9]  }
0x89: {  	s3 =	sld [smem:$0x3FFE];
	_ =	sdelay $0x1  }
0x8a: {  	s1 =	srdreg.scid  }
0x8b: {  	s0 =	sand.u32 $0x1, s1  }
0x8c: {  	s16 =	sshll.u32 s0, $0xA;
	s2 =	sadd.s32 s3, s2  }
0x8d: {  	s2 =	sadd.s32 s2, s16  }
0x8e: {  	[smem:$0x3FBF] =	sst s2  }
0x8f: {  	_ = 	snop  }
0x90: {  	(tm) =	ssettm $0x1  }
0x91: {  	s17 =	sld [smem:$0x3FFB];
	_ =	sdelay $0x3  }
0x92: {  	_ =	strace s17  }
0x93: {  	s2 =	sld [smem:$0x3FFC];
	_ =	sdelay $0x3  }
0x94: {  	_ =	strace s2  }
0x95: {  	s2 =	sld [smem:$0x3FFD];
	_ =	sdelay $0x3  }
0x96: {  	_ =	strace s2  }
0x97: {  	_ =	strace $0x8FFFFFFF  }
0x98: {  	s18 =	sld [smem:$0x3FDB];
	_ =	sdelay $0x1  }
0x99: {  	s19 =	simm.s32 $_scs_section_size  }
0x9a: {  	s4 =	simm.s32 $_size__tile_overlayer_lowered;
	s5 =	simm.s32 $_tile_overlayer_lowered  }
0x9b: {  	s22 =	simm.s32 $0x1BFF;
	s21 =	sshll.u32 s5, $0x1;
	s2 =	sadd.s32 s19, s18  }
0x9c: {  	s6 =	simm.s32 $0x0;
	s20 =	sshll.u32 s4, $0x1;
	s4 =	sadd.s32 s21, s2  }
0x9d: {  	[timem:s6], [sflag:s22] =	dma.local [hbm:s4], s20  }
0x9e: {  	_ =	swait.ge [sflag:s22], s20  }
0x9f: {  	s3 =	ssub.s32 $0x0, s20;
	[sflag:s22] =	ssyncset.done $0x0  }
0xa0: {  	[sflag:s22] =	ssyncadd.s32 s3;
	_ =	sdelay $0x1  }
0xa1: {  	s23 =	simm.s32 $0x1B8B  }
0xa2: {  	_ =	swait.ge [sflag:s23], $0x1  }
0xa3: {  	[sflag:s23] =	ssyncset.done $0x0  }
0xa4: {  	s25 =	simm.s32 $0x1B8E;
	s24 =	sld [smem:$0x3FFE];
	[sflag:s23] =	ssyncadd.s32 $0xFFFFFFFF  }
0xa5: {  	s26 =	simm.s32 $execute0_lowered;
	[smem:$0x3FD2] =	sst s25  }
0xa6: {  	s4 =	sshll.u32 s26, $0x1;
	_ =	strace $0x80000049;
	[dreg:$0x1] =	wrdreg $0xFFFFFFFF  }
0xa7: {  	s28 =	simm.s32 $_size_execute0_lowered;
	s2 =	sadd.s32 s2, s4;
	[dreg:$0x0] =	wrdreg $0x0  }
0xa8: {  	s4 =	sshll.u32 s28, $0x1;
	[dreg:$0x2] =	wrdreg s2  }
0xa9: {  	[dreg:$0x3] =	wrdreg s4  }
0xaa: {  	[dreg:$0x4] =	wrdreg $0xC0  }
0xab: {  	_ =	task [dreg:s6], $0x5FFFF  }
0xac: {  	[dreg:$0x1] =	wrdreg $0xFFFFFFFF  }
0xad: {  	[dreg:$0x0] =	wrdreg $0x60  }
0xae: {  	[dreg:$0x2] =	wrdreg s24  }
0xaf: {  	[dreg:$0x3] =	wrdreg $0x11F000  }
0xb0: {  	[dreg:$0x4] =	wrdreg $0xD0000  }
0xb1: {  	[dreg:$0x5] =	wrdreg $0x9  }
0xb2: {  	_ =	task.clear_ibuf [dreg:s6], $0x6FFFF;
	_ =	strace $0x90000049  }
0xb3: {  	s29 =	simm.s32 $0x9;
	_ =	strace $0x8000004B  }
0xb4: {  	_ =	swait.ge [sflag:s29], $0x1  }
0xb5: {  	[sflag:s29] =	ssyncadd.s32 $0xFFFFFFFF  }
0xb6: {  	_ =	strace $0x9000004B  }
0xb7: {  	_ =	sfence  }
0xb8: {  	s30 =	sld [smem:$0x0];
	_ =	sdelay $0x2  }
0xb9: {  	s31 =	sshll.u32 s1, $0xD;
	s1 =	sshrl.u32 s1, $0x2  }
0xba: {  	s3 =	sand.u32 $0x4000, s31;
	s1 =	sadd.s32 s1, s30  }
0xbb: {  	s0 =	sor.u32 s3, s0;
	s1 =	sshll.u32 s1, $0x11  }
0xbc: {  	s0 =	sor.u32 s1, s0  }
0xbd: {  	s0 =	sadd.s32 $0x8F2B, s0  }
0xbe: {  	[sflag:s0] =	ssyncadd.remote.s32 $0x1  }
0xbf: {  	_ =	sfence.sel $0xFFFF  }
0xc0: {  	[dreg:$0x0] =	wrdreg $0xFFFFFFFF;
	(pc) =	sbr.abs _section_cstart, $3  }
0xc1: {  	[dreg:$0x1] =	wrdreg $0xFFFFFFFF  }
0xc2: {  	_ =	task.clear_ibuf [dreg:s6], $0x2FFFF;
	_ =	strace $0x9FFFFFFF  }
0xc3: {  	(tm) =	ssettm $0x7FFFFFFF  }
tec
execute0_lowered:
.L_overlay_start_1:
0x0: {  	(tag) =	ssettag $0x1  }
0x1: {  	s0 =	srdreg.scid;
	s1 =	rddreg [dreg:$0x0]  }
0x2: {  	s12 =	stileid.u32;
	s2 =	rddreg [dreg:$0x1]  }
0x3: {  	s13 =	simm.s32 $0x11;
	s16 =	simm.s32 $0x80;
	s19 =	simm.s32 $0x100  }
0x4: {  	s20 =	simm.s32 $0x7000;
	s21 =	simm.s32 $0x180;
	s22 =	simm.s32 $0x8000  }
0x5: {  	s23 =	simm.s32 $0xD;
	s24 =	simm.s32 $0xE;
	s28 =	simm.s32 $0x0  }
0x6: {  	s0 =	sand.u32 $0x1, s0;
	s7 =	smul.u32 $0x4F00, s12;
	s30 =	sshll.u32 s12, $0x6  }
0x7: {  	s3 =	sshll.u32 s0, $0x4;
	s6 =	smul.u32 $0x4F000, s0;
	s8 =	ssub.s32 $0x2, s0  }
0x8: {  	p0 =	seq.s32 s0, $0x0;
	s4 =	sor.u32 s12, s3;
	s3 =	rddreg [dreg:$0x2]  }
0x9: {  	s25 =	sshrl.u32 s7, $0x3;
	s29 =	sshrl.u32 s8, $0x1;
	s31 =	sadd.s32 s7, s2  }
0xa: {  	s5 =	smul.u32 $0x500, s4;
	s4 =	simm.s32 $0x0;
	s6 =	sadd.s32 s7, s6  }
0xb: {  	s10 =	sadd.s32 s25, s1;
	s11 =	ssub.s32 s8, s29;
	s14 =	sadd.s32 s7, s3  }
0xc: {  	s12 =	sshrl.u32 s31, $0x3;
	s25 =	simm.s32 $0xF;
	[smem:$0x7FF] =	sst s4  }
.Ltmp0:
0xd: {  	s26 =	sshrl.u32 s6, $0x3;
	s6 =	sor.u32 $0x1C11, s30;
	(pc) =	sbr.rel .LBB2_1-.Ltmp0, $4  }
0xe: {  	s7 =	sadd.s32 $0x1F400, s10;
	s11 =	smax.u32 s11, $0x1;
	s14 =	sshrl.u32 s14, $0x3  }
0xf: {  	_ =	strace $0x8000004A;
	s9 =	sadd.s32 s5, s1;
	s1 =	sadd.s32 s26, s1  }
0x10: {  	s5 =	sadd.s32 $0x15600, s10;
	s26 =	simm.s32 $0x10;
	s8 =	sadd.s32 $0xB600, s9  }
0x11: {  	s9 =	sadd.s32 $0x1600, s9;
	s10 =	sadd.s32 $0x29200, s1;
	s7 =	smov.u32 @p0 s5  }
.LBB2_4:
0x12: {  	_ =	swait.ge [sflag:s23], $0x1000  }
0x13: {  	[sflag:s23] =	ssyncset.done $0x0  }
0x14: {  	[sflag:s23] =	ssyncadd.s32 $0xFFFFF000  }
0x15: {  	_ =	swait.ge [sflag:s24], $0x1000  }
0x16: {  	[sflag:s24] =	ssyncset.done $0x0  }
0x17: {  	[sflag:s24] =	ssyncadd.s32 $0xFFFFF000  }
0x18: {  	_ =	swait.ge [sflag:s25], $0x1000  }
0x19: {  	[sflag:s25] =	ssyncset.done $0x0  }
0x1a: {  	[sflag:s25] =	ssyncadd.s32 $0xFFFFF000  }
0x1b: {  	_ =	swait.ge [sflag:s26], $0x1000  }
0x1c: {  	s28 =	sadd.s32 $0x1, s28;
	[sflag:s26] =	ssyncset.done $0x0  }
0x1d: {  	p0 =	sne.s32 s28, s11;
	[sflag:s26] =	ssyncadd.s32 $0xFFFFF000  }
.Ltmp1:
0x1e: {  	[bflag:$0x0] =	sbarrier.arrive $0xFFFF;
	(pc) =	sbr.rel @!p0 .LBB2_5-.Ltmp1, $4  }
0x1f: {  	[hbm:s10], [sflag:s6] =	dma.local [spmem:s14], $0x9E0  }
0x20: {  	_ =	swait.ge [sflag:s13], $0x9E0  }
0x21: {  	[sflag:s13] =	ssyncset.done $0x0  }
0x22: {  	[sflag:s13] =	ssyncadd.s32 $0xFFFFF620  }
.LBB2_1:
0x23: {  	[spmem:s12], [sflag:s6] =	dma.local [hbm:s5], $0x9E0  }
0x24: {  	_ =	swait.ge [sflag:s13], $0x9E0  }
0x25: {  	[sflag:s13] =	ssyncset.done $0x0  }
0x26: {  	[sflag:s13] =	ssyncadd.s32 $0xFFFFF620  }
0x27: {  	[spmem:s14], [sflag:s6] =	dma.local [hbm:s7], $0x9E0  }
0x28: {  	_ =	swait.ge [sflag:s13], $0x9E0  }
0x29: {  	[sflag:s13] =	ssyncset.done $0x0  }
0x2a: {  	[sflag:s13] =	ssyncadd.s32 $0xFFFFF620  }
0x2b: {  	[tilespmem:s4], [sflag:$0x11] =	stream.linear.gather [hbm4b:s8+s4], $0x2800, $0x38;
	[tilespmem:$0x16E00] =	vst v63  }
0x2c: {  	_ =	swait.ge [sflag:s13], $0x2800  }
0x2d: {  	[sflag:s13] =	ssyncset.done $0x0  }
0x2e: {  	s0 =	simm.s32 $0x2800;
	[sflag:s13] =	ssyncadd.s32 $0xFFFFD800  }
0x2f: {  	[tilespmem:s0], [sflag:$0x11] =	stream.linear.gather [hbm4b:s9+s4], $0x2800, $0x38;
	[tilespmem:$0x16E00] =	vst v63  }
0x30: {  	_ =	swait.ge [sflag:s13], $0x2800  }
0x31: {  	[sflag:s13] =	ssyncset.done $0x0  }
0x32: {  	[sflag:s13] =	ssyncadd.s32 $0xFFFFD800  }
0x33: {  	s17 =	simm.s32 $0x5000;
	[bflag:$0x0] =	sbarrier.arrive $0xFFFF  }
0x34: {  	[tilespmem:s17], [sflag:$0x1] =	stream.indirect.gather [spmem:s2], $0x20, s4, s16, $0xb8;
	[tilespmem:$0x16E00] =	vst v63  }
0x35: {  	s18 =	simm.s32 $0x6000  }
0x36: {  	[tilespmem:s18], [sflag:$0x2] =	stream.indirect.gather [spmem:s2], $0x20, s16, s16, $0xb8;
	[tilespmem:$0x16E00] =	vst v63  }
0x37: {  	_ = 	snop  }
0x38: {  	[tilespmem:s20], [sflag:$0x3] =	stream.indirect.gather [spmem:s2], $0x20, s19, s16, $0xb8;
	[tilespmem:$0x16E00] =	vst v63  }
0x39: {  	s29 =	simm.s32 $0x13;
	s30 =	simm.s32 $0x0;
	s31 =	simm.s32 $0x0  }
0x3a: {  	[tilespmem:s22], [sflag:$0x4] =	stream.indirect.gather [spmem:s2], $0x20, s21, s16, $0xb8;
	[tilespmem:$0x16E00] =	vst v63  }
.LBB2_2:
0x3b: {  	s0 =	sand.u32 $0x4, s30  }
0x3c: {  	s15 =	sor.u32 $0x1, s0  }
0x3d: {  	s17 =	sxor.u32 $0xFFFFFFFF, s30;
	s1 =	sshll.u32 s0, $0xC;
	_ =	swait.ge [sflag:s15], $0x1000  }
0x3e: {  	s18 =	sadd.s32 $0x5000, s1;
	s1 =	sshra.s32 s31, $0x2;
	[sflag:s15] =	ssyncset.done $0x0  }
0x3f: {  	s0 =	sor.u32 $0x9, s0;
	[sflag:s15] =	ssyncadd.s32 $0xFFFFF000;
	s15 =	sadd.s32 $0x2800, s1  }
0x40: {  	[spmem:s3] =	stream.indirect.scatter.add.f32 [tilespmem:s18], [sflag:s0], $0x20, s15, s16, $0xb8;
	[tilespmem:$0x16E00] =	vst v63  }
0x41: {  	p0 =	seq.s32 s29, $0x13;
	s0 =	sand.u32 $0x4, s17  }
0x42: {  	s15 =	sadd.s32 @!p0 $0x9, s0  }
0x43: {  	p1 =	seq.s32 @!p0 s29, $0x0;
	_ =	swait.ge @!p0 [sflag:s15], $0x1000  }
0x44: {  	p1 =	por p0, !p1;
	[sflag:s15] =	ssyncset.done @!p0 $0x0  }
0x45: {  	[sflag:s15] =	ssyncadd.s32 @!p0 $0xFFFFF000;
	s15 =	sshll.u32 @p1 s0, $0xC  }
0x46: {  	s17 =	sadd.s32 @p1 $0x200, s1;
	s0 =	sadd.s32 @p1 $0x1, s0;
	s15 =	sadd.s32 @p1 $0x5000, s15  }
0x47: {  	[tilespmem:s15], [sflag:s0] =	stream.indirect.gather @p1 [spmem:s2], $0x20, s17, s16, $0xb8;
	[tilespmem:$0x16E00] =	vst v63  }
0x48: {  	s15 =	sadd.s32 $0x1, s30  }
0x49: {  	s15 =	sand.u32 $0x5, s15  }
0x4a: {  	s0 =	sadd.s32 $0x5, s30;
	s17 =	sadd.s32 $0x1, s15  }
0x4b: {  	s0 =	sand.u32 $0x5, s0;
	_ =	swait.ge [sflag:s17], $0x1000  }
0x4c: {  	s18 =	sshll.u32 s15, $0xC;
	s15 =	sadd.s32 $0x9, s15;
	[sflag:s17] =	ssyncset.done $0x0  }
0x4d: {  	s18 =	sadd.s32 $0x5000, s18;
	[sflag:s17] =	ssyncadd.s32 $0xFFFFF000;
	s17 =	sadd.s32 $0x2880, s1  }
0x4e: {  	[spmem:s3] =	stream.indirect.scatter.add.f32 [tilespmem:s18], [sflag:s15], $0x20, s17, s16, $0xb8;
	[tilespmem:$0x16E00] =	vst v63  }
0x4f: {  	s15 =	sadd.s32 @!p0 $0x9, s0  }
0x50: {  	_ =	swait.ge @!p0 [sflag:s15], $0x1000  }
0x51: {  	[sflag:s15] =	ssyncset.done @!p0 $0x0  }
0x52: {  	[sflag:s15] =	ssyncadd.s32 @!p0 $0xFFFFF000;
	s15 =	sshll.u32 @p1 s0, $0xC  }
0x53: {  	s17 =	sadd.s32 @p1 $0x280, s1;
	s0 =	sadd.s32 @p1 $0x1, s0;
	s15 =	sadd.s32 @p1 $0x5000, s15  }
0x54: {  	[tilespmem:s15], [sflag:s0] =	stream.indirect.gather @p1 [spmem:s2], $0x20, s17, s16, $0xb8;
	[tilespmem:$0x16E00] =	vst v63  }
0x55: {  	s17 =	sadd.s32 $0x2, s30  }
0x56: {  	s15 =	sand.u32 $0x6, s17  }
0x57: {  	s0 =	sadd.s32 $0x6, s30;
	s17 =	sor.u32 $0x1, s15  }
0x58: {  	s0 =	sand.u32 $0x6, s0;
	_ =	swait.ge [sflag:s17], $0x1000  }
0x59: {  	s18 =	sshll.u32 s15, $0xC;
	s15 =	sor.u32 $0x9, s15;
	[sflag:s17] =	ssyncset.done $0x0  }
0x5a: {  	s18 =	sadd.s32 $0x5000, s18;
	[sflag:s17] =	ssyncadd.s32 $0xFFFFF000;
	s17 =	sadd.s32 $0x2900, s1  }
0x5b: {  	[spmem:s3] =	stream.indirect.scatter.add.f32 [tilespmem:s18], [sflag:s15], $0x20, s17, s16, $0xb8;
	[tilespmem:$0x16E00] =	vst v63  }
0x5c: {  	s15 =	sadd.s32 @!p0 $0x9, s0  }
0x5d: {  	_ =	swait.ge @!p0 [sflag:s15], $0x1000  }
0x5e: {  	[sflag:s15] =	ssyncset.done @!p0 $0x0  }
0x5f: {  	s17 =	sadd.s32 @p1 $0x300, s1;
	[sflag:s15] =	ssyncadd.s32 @!p0 $0xFFFFF000;
	s15 =	sshll.u32 @p1 s0, $0xC  }
0x60: {  	s18 =	sadd.s32 $0x3, s30;
	s0 =	sadd.s32 @p1 $0x1, s0;
	s15 =	sadd.s32 @p1 $0x5000, s15  }
0x61: {  	[tilespmem:s15], [sflag:s0] =	stream.indirect.gather @p1 [spmem:s2], $0x20, s17, s16, $0xb8;
	[tilespmem:$0x16E00] =	vst v63  }
0x62: {  	s15 =	sand.u32 $0x7, s18  }
0x63: {  	s17 =	sadd.s32 $0x1, s15  }
0x64: {  	s0 =	sadd.s32 $0xFFFFFFFF, s30;
	_ =	swait.ge [sflag:s17], $0x1000  }
0x65: {  	s18 =	sshll.u32 s15, $0xC;
	s15 =	sadd.s32 $0x9, s15;
	[sflag:s17] =	ssyncset.done $0x0  }
0x66: {  	s18 =	sadd.s32 $0x5000, s18;
	[sflag:s17] =	ssyncadd.s32 $0xFFFFF000;
	s17 =	sadd.s32 $0x2980, s1  }
0x67: {  	[spmem:s3] =	stream.indirect.scatter.add.f32 [tilespmem:s18], [sflag:s15], $0x20, s17, s16, $0xb8;
	[tilespmem:$0x16E00] =	vst v63  }
.Ltmp2:
0x68: {  	s0 =	sand.u32 $0x7, s0;
	(pc) =	sbr.rel @!p1 .LBB2_4-.Ltmp2, $4  }
0x69: {  	s15 =	sadd.s32 @!p0 $0x9, s0  }
0x6a: {  	_ =	swait.ge @!p0 [sflag:s15], $0x1000  }
0x6b: {  	[sflag:s15] =	ssyncset.done @!p0 $0x0  }
0x6c: {  	[sflag:s15] =	ssyncadd.s32 @!p0 $0xFFFFF000  }
.Ltmp3:
0x6d: {  	(pc) =	sbr.rel .LBB2_2-.Ltmp3, $4  }
0x6e: {  	s15 =	sshll.u32 s0, $0xC  }
0x6f: {  	s1 =	sadd.s32 $0x380, s1;
	s18 =	sadd.s32 $0x1, s0;
	s29 =	sadd.s32 $0xFFFFFFFF, s29  }
0x70: {  	s31 =	sadd.s32 $0x800, s31;
	s30 =	sadd.s32 $0x4, s30;
	s15 =	sadd.s32 $0x5000, s15  }
0x71: {  	[tilespmem:s15], [sflag:s18] =	stream.indirect.gather [spmem:s2], $0x20, s1, s16, $0xb8;
	[tilespmem:$0x16E00] =	vst v63  }
.LBB2_5:
0x72: {  	_ =	sfence.sel $0x180000  }
0x73: {  	[bflag:$0x0] =	sbarrier.arrive $0xFFFF  }
0x74: {  	_ =	strace $0x9000004A  }
0x75: {  	s0 =	stileid.u32;
	[bflag:$0x2] =	sbarrier.arrive $0xFFFF  }
0x76: {  	p0 =	sne.s32 s0, $0x0;
	s0 =	rddreg [dreg:$0x3]  }
0x77: {  	s0 =	sadd.s32 @!p0 $0x100000, s0  }
0x78: {  	[sflag:s0] =	ssyncadd.tile.s32 @!p0 $0x1;
	_ =	shalt  }
.Lfunc_end2:
_tile_overlayer_lowered:
.L_overlay_start_2:
0x79: {  	(tag) =	ssettag $0x2  }
0x7a: {  	s0 =	rddreg [dreg:$0x0];
	s2 =	stileid.u32  }
0x7b: {  	s1 =	rddreg [dreg:$0x1];
	p0 =	sne.s32 s2, $0x0  }
0x7c: {  	s3 =	rddreg [dreg:$0x2];
	[bflag:$0x3] =	sbarrier.arrive $0xFFFF;
	s2 =	simm.s32 @!p0 $0x1C11  }
0x7d: {  	[timem:s3], [sflag:s2] =	dma.local @!p0 [hbm:s0], s1  }
0x7e: {  	s0 =	simm.s32 @!p0 $0x11  }
0x7f: {  	_ =	swait.ge @!p0 [sflag:s0], s1  }
0x80: {  	s1 =	ssub.s32 @!p0 $0x0, s1;
	[sflag:s0] =	ssyncset.done @!p0 $0x0  }
0x81: {  	[sflag:s0] =	ssyncadd.s32 @!p0 s1  }
0x82: {  	[bflag:$0x3] =	sbarrier.arrive $0xFFFF  }
0x83: {  	_ =	shalt  }

// kernel: kernel.7.cloned.1.call-start
scs
__scs_entry_jumppad:
0x0: {  	(pc) =	sbr.rel $0x88, $3  }
0x1: {  	(tag) =	ssettag $0x0;
	lr =	simm.s32 $0x1  }
0x2: {  	[smem:$0x3F98] =	sst lr;
	_ =	strace $0xD0000000  }
0x3: {  	_ = 	snop  }
0x4: {  	_ = 	snop  }
0x5: {  	_ = 	snop  }
0x6: {  	_ = 	snop  }
0x7: {  	_ = 	snop  }
__scs_overlays_trampoline_lowered:
0x8: {  	[smem:$0x3FA7] =	sst s0  }
0x9: {  	[smem:$0x3FA8] =	sst s1  }
0xa: {  	[smem:$0x3FA9] =	sst s2  }
0xb: {  	[smem:$0x3FAA] =	sst s3  }
0xc: {  	[smem:$0x3FAB] =	sst s4  }
0xd: {  	[smem:$0x3FAC] =	sst s5  }
0xe: {  	[smem:$0x3FAD] =	sst s6  }
0xf: {  	[smem:$0x3FAE] =	sst s7  }
0x10: {  	[smem:$0x3FAF] =	sst s8  }
0x11: {  	[smem:$0x3FB0] =	sst s9;
	s0 =	simm.s32 @!p0 $0x0  }
0x12: {  	s1 =	sld [smem:$0x3F96];
	s0 =	simm.s32 @p0 $0x1  }
0x13: {  	[smem:$0x3FB1] =	sst s0;
	s0 =	simm.s32 @!p1 $0x0  }
0x14: {  	s2 =	sld [smem:$0x3F95];
	s0 =	simm.s32 @p1 $0x1  }
0x15: {  	[smem:$0x3FB2] =	sst s0;
	s0 =	simm.s32 @!p2 $0x0  }
0x16: {  	s3 =	sld [smem:$0x3FDB];
	s0 =	simm.s32 @p2 $0x1  }
0x17: {  	s4 =	simm.s32 $0x1BF5;
	[smem:$0x3FB4] =	sst s0  }
0x18: {  	s0 =	sld [smem:$0x3F97];
	_ =	swait.ge [sflag:s4], $0x0  }
0x19: {  	s7 =	sld [smem:$0x3F98]  }
0x1a: {  	s8 =	sadd.s32 $0xFFFFE003, lr  }
0x1b: {  	s9 =	sadd.s32 $0xFFFFFEF7, lr;
	s5 =	simm.s32 $0xFFFFFFFF;
	p2 =	slt.u32 s8, $0xFFFFF086  }
0x1c: {  	p1 =	slt.u32 s9, $0xF7A;
	s5 =	simm.s32 @!p2 $0x0  }
0x1d: {  	s5 =	simm.s32 @p1 $0x1;
	p0 =	seq.s32 s7, s2  }
0x1e: {  	s7 =	smul.u32 @!p0 $0xF7A, s2;
	p2 =	seq.s32 @!p0 s5, $0x0  }
0x1f: {  	s9 =	smul.u32 $0xF7A, s1;
	s8 =	simm.s32 @!p0 $0x1BF5;
	p2 =	por !p2, p0  }
0x20: {  	[sflag:s8] =	ssyncset.s32 @!p0 $0xFFFFF086;
	s6 =	sadd.s32 @!p0 s3, s7;
	s7 =	simm.s32 @!p0 $0x108  }
0x21: {  	s3 =	sadd.s32 s3, s9;
	s6 =	sadd.s32 @!p0 $0x88, s6;
	s7 =	simm.s32 @p2 $0x1082  }
0x22: {  	[simem:s7], [sflag:s8] =	dma.local @!p0 [hbm:s6], $0xF7A  }
0x23: {  	s9 =	sor.u32 $0xD0000000, s2;
	s6 =	simm.s32 $0x108;
	_ =	swait.ge @!p0 [sflag:s8], $0x0  }
0x24: {  	s3 =	sadd.s32 $0x88, s3;
	s6 =	simm.s32 @!p1 $0x1082;
	[sflag:s4] =	ssyncset.s32 $0xFFFFF086  }
0x25: {  	[simem:s6], [sflag:s4] =	dma.local [hbm:s3], $0xF7A  }
0x26: {  	[smem:$0x3F98] =	sst s1;
	(tag) =	ssettag s2;
	_ =	strace s9  }
0x27: {  	s1 =	sld [smem:$0x3FA8]  }
0x28: {  	s2 =	sld [smem:$0x3FA9]  }
0x29: {  	s4 =	sld [smem:$0x3FAB]  }
0x2a: {  	p0 =	seq.s32 s5, $0x0;
	s5 =	sld [smem:$0x3FAC]  }
0x2b: {  	s6 =	sld [smem:$0x3FAD]  }
0x2c: {  	s7 =	sld [smem:$0x3FAE]  }
0x2d: {  	s3 =	simm.s32 $0x108;
	s8 =	sld [smem:$0x3FAF]  }
0x2e: {  	s3 =	simm.s32 @!p0 $0x1082;
	s9 =	sld [smem:$0x3FB0]  }
0x2f: {  	lr =	sadd.s32 s0, s3;
	s0 =	sld [smem:$0x3FA7]  }
0x30: {  	s3 =	sld [smem:$0x3FAA]  }
0x31: {  	[smem:$0x3FB3] =	sst s10  }
0x32: {  	s10 =	sld [smem:$0x3FB1];
	_ =	sdelay $0x3  }
0x33: {  	p0 =	seq.s32 s10, $0x1;
	s10 =	sld [smem:$0x3FB3];
	_ =	sdelay $0x3  }
0x34: {  	[smem:$0x3FB3] =	sst s10  }
0x35: {  	s10 =	sld [smem:$0x3FB2];
	_ =	sdelay $0x3  }
0x36: {  	p1 =	seq.s32 s10, $0x1;
	s10 =	sld [smem:$0x3FB3];
	_ =	sdelay $0x3  }
0x37: {  	[smem:$0x3FB3] =	sst s10  }
0x38: {  	s10 =	sld [smem:$0x3FB4]  }
0x39: {  	_ = 	snop;
	(pc) =	sbr.ind lr, $3  }
0x3a: {  	_ = 	snop  }
0x3b: {  	_ = 	snop  }
0x3c: {  	p2 =	seq.s32 s10, $0x1;
	s10 =	sld [smem:$0x3FB3]  }
0x3d: {  	_ =	shalt  }
0x3e: {  	_ =	shalt  }
0x3f: {  	_ =	shalt  }
0x40: {  	_ =	shalt  }
0x41: {  	_ =	shalt  }
0x42: {  	_ =	shalt  }
0x43: {  	_ =	shalt  }
0x44: {  	_ =	shalt  }
0x45: {  	_ =	shalt  }
0x46: {  	_ =	shalt  }
0x47: {  	_ =	shalt  }
0x48: {  	_ =	shalt  }
0x49: {  	_ =	shalt  }
0x4a: {  	_ =	shalt  }
0x4b: {  	_ =	shalt  }
0x4c: {  	_ =	shalt  }
0x4d: {  	_ =	shalt  }
0x4e: {  	_ =	shalt  }
0x4f: {  	_ =	shalt  }
0x50: {  	_ =	shalt  }
0x51: {  	_ =	shalt  }
0x52: {  	_ =	shalt  }
0x53: {  	_ =	shalt  }
0x54: {  	_ =	shalt  }
0x55: {  	_ =	shalt  }
0x56: {  	_ =	shalt  }
0x57: {  	_ =	shalt  }
0x58: {  	_ =	shalt  }
0x59: {  	_ =	shalt  }
0x5a: {  	_ =	shalt  }
0x5b: {  	_ =	shalt  }
0x5c: {  	_ =	shalt  }
0x5d: {  	_ =	shalt  }
0x5e: {  	_ =	shalt  }
0x5f: {  	_ =	shalt  }
0x60: {  	_ =	shalt  }
0x61: {  	_ =	shalt  }
0x62: {  	_ =	shalt  }
0x63: {  	_ =	shalt  }
0x64: {  	_ =	shalt  }
0x65: {  	_ =	shalt  }
0x66: {  	_ =	shalt  }
0x67: {  	_ =	shalt  }
0x68: {  	_ =	shalt  }
0x69: {  	_ =	shalt  }
0x6a: {  	_ =	shalt  }
0x6b: {  	_ =	shalt  }
0x6c: {  	_ =	shalt  }
0x6d: {  	_ =	shalt  }
0x6e: {  	_ =	shalt  }
0x6f: {  	_ =	shalt  }
0x70: {  	_ =	shalt  }
0x71: {  	_ =	shalt  }
0x72: {  	_ =	shalt  }
0x73: {  	_ =	shalt  }
0x74: {  	_ =	shalt  }
0x75: {  	_ =	shalt  }
0x76: {  	_ =	shalt  }
0x77: {  	_ =	shalt  }
0x78: {  	_ =	shalt  }
0x79: {  	_ =	shalt  }
0x7a: {  	_ =	shalt  }
0x7b: {  	_ =	shalt  }
0x7c: {  	_ =	shalt  }
0x7d: {  	_ =	shalt  }
0x7e: {  	_ =	shalt  }
0x7f: {  	_ =	shalt  }
0x80: {  	_ =	shalt  }
0x81: {  	_ =	shalt  }
0x82: {  	_ =	shalt  }
0x83: {  	_ =	shalt  }
0x84: {  	_ =	shalt  }
0x85: {  	_ =	shalt  }
0x86: {  	_ =	shalt  }
0x87: {  	_ =	shalt  }
.Lfunc_end0:
.L_simem_size_0:
called_computation_lowered:
.L_overlay_start_0:
0x88: {  	s2 =	sld [smem:$0x3FD9]  }
0x89: {  	s3 =	sld [smem:$0x3FFE];
	_ =	sdelay $0x1  }
0x8a: {  	s1 =	srdreg.scid  }
0x8b: {  	s0 =	sand.u32 $0x1, s1  }
0x8c: {  	s17 =	sshll.u32 s0, $0xA;
	s2 =	sadd.s32 s3, s2  }
0x8d: {  	s2 =	sadd.s32 s2, s17  }
0x8e: {  	[smem:$0x3FBF] =	sst s2  }
0x8f: {  	_ = 	snop  }
0x90: {  	s2 =	sld [smem:$0x3FD0];
	(tm) =	ssettm $0x1  }
0x91: {  	s18 =	sld [smem:$0x3FFB];
	_ =	sdelay $0x3  }
0x92: {  	_ =	strace s18  }
0x93: {  	s3 =	sld [smem:$0x3FFC];
	_ =	sdelay $0x3  }
0x94: {  	_ =	strace s3  }
0x95: {  	s3 =	sld [smem:$0x3FFD];
	_ =	sdelay $0x3  }
0x96: {  	_ =	strace s3  }
0x97: {  	_ =	strace $0x8FFFFFFF  }
0x98: {  	s19 =	sld [smem:$0x3FDB];
	_ =	sdelay $0x1  }
0x99: {  	s4 =	simm.s32 $_scs_section_size  }
0x9a: {  	s5 =	simm.s32 $_size__tile_overlayer_lowered;
	s6 =	simm.s32 $_tile_overlayer_lowered  }
0x9b: {  	s22 =	simm.s32 $0x1BFF;
	s21 =	sshll.u32 s6, $0x1;
	s3 =	sadd.s32 s4, s19  }
0x9c: {  	s7 =	simm.s32 $0x0;
	s20 =	sshll.u32 s5, $0x1;
	s5 =	sadd.s32 s21, s3  }
0x9d: {  	[timem:s7], [sflag:s22] =	dma.local [hbm:s5], s20  }
0x9e: {  	_ =	swait.ge [sflag:s22], s20  }
0x9f: {  	s4 =	ssub.s32 $0x0, s20;
	[sflag:s22] =	ssyncset.done $0x0  }
0xa0: {  	[sflag:s22] =	ssyncadd.s32 s4;
	_ =	sdelay $0x1  }
0xa1: {  	s23 =	simm.s32 $0x1B8B  }
0xa2: {  	_ =	swait.ge [sflag:s23], $0x1  }
0xa3: {  	[sflag:s23] =	ssyncset.done $0x0  }
0xa4: {  	s25 =	simm.s32 $0x1B8E;
	s24 =	sld [smem:$0x3FFE];
	[sflag:s23] =	ssyncadd.s32 $0xFFFFFFFF  }
0xa5: {  	s26 =	simm.s32 $execute0_lowered;
	[smem:$0x3FD2] =	sst s25  }
0xa6: {  	s5 =	sshll.u32 s26, $0x1;
	_ =	strace $0x80000046;
	[dreg:$0x1] =	wrdreg $0xFFFFFFFF  }
0xa7: {  	s28 =	simm.s32 $_size_execute0_lowered;
	s3 =	sadd.s32 s3, s5;
	[dreg:$0x0] =	wrdreg $0x0  }
0xa8: {  	s5 =	sshll.u32 s28, $0x1;
	[dreg:$0x2] =	wrdreg s3  }
0xa9: {  	[dreg:$0x3] =	wrdreg s5  }
0xaa: {  	[dreg:$0x4] =	wrdreg $0xC0  }
0xab: {  	_ =	task [dreg:s7], $0x5FFFF  }
0xac: {  	[dreg:$0x1] =	wrdreg $0xFFFFFFFF  }
0xad: {  	[dreg:$0x0] =	wrdreg $0x60  }
0xae: {  	[dreg:$0x2] =	wrdreg s24  }
0xaf: {  	[dreg:$0x3] =	wrdreg s2  }
0xb0: {  	[dreg:$0x4] =	wrdreg $0x181800  }
0xb1: {  	[dreg:$0x5] =	wrdreg $0x15A000  }
0xb2: {  	[dreg:$0x6] =	wrdreg $0x132800  }
0xb3: {  	[dreg:$0x7] =	wrdreg $0x9  }
0xb4: {  	_ =	task.clear_ibuf [dreg:s7], $0x8FFFF;
	_ =	strace $0x90000046  }
0xb5: {  	s29 =	simm.s32 $0x9;
	_ =	strace $0x80000048  }
0xb6: {  	_ =	swait.ge [sflag:s29], $0x1  }
0xb7: {  	[sflag:s29] =	ssyncadd.s32 $0xFFFFFFFF  }
0xb8: {  	_ =	strace $0x90000048  }
0xb9: {  	_ =	sfence  }
0xba: {  	s30 =	sld [smem:$0x0];
	_ =	sdelay $0x2  }
0xbb: {  	s31 =	sshll.u32 s1, $0xD;
	s1 =	sshrl.u32 s1, $0x2  }
0xbc: {  	s3 =	sand.u32 $0x4000, s31;
	s1 =	sadd.s32 s1, s30  }
0xbd: {  	s0 =	sor.u32 s3, s0;
	s1 =	sshll.u32 s1, $0x11  }
0xbe: {  	s0 =	sor.u32 s1, s0  }
0xbf: {  	s0 =	sadd.s32 $0x8F2B, s0  }
0xc0: {  	[sflag:s0] =	ssyncadd.remote.s32 $0x1  }
0xc1: {  	_ =	sfence.sel $0xFFFF  }
0xc2: {  	[dreg:$0x0] =	wrdreg $0xFFFFFFFF;
	(pc) =	sbr.abs _section_cstart, $3  }
0xc3: {  	[dreg:$0x1] =	wrdreg $0xFFFFFFFF  }
0xc4: {  	_ =	task.clear_ibuf [dreg:s7], $0x2FFFF;
	_ =	strace $0x9FFFFFFF  }
0xc5: {  	(tm) =	ssettm $0x7FFFFFFF  }
tec
execute0_lowered:
.L_overlay_start_1:
0x0: {  	(tag) =	ssettag $0x1  }
0x1: {  	s1 =	rddreg [dreg:$0x0]  }
0x2: {  	s0 =	srdreg.scid;
	s3 =	rddreg [dreg:$0x2]  }
0x3: {  	s18 =	stileid.u32;
	s4 =	rddreg [dreg:$0x3];
	s6 =	simm.s32 $0x0  }
0x4: {  	s28 =	simm.s32 $0x1;
	s29 =	simm.s32 $0x2;
	s30 =	simm.s32 $0x3  }
0x5: {  	s31 =	simm.s32 $0x4;
	s0 =	sand.u32 $0x1, s0;
	s7 =	smul.u32 $0x13C0, s18  }
0x6: {  	s10 =	smul.u32 $0x2780, s18;
	[smem:$0x7FF] =	sst s6;
	s13 =	sadd.s32 $0x1600, s1  }
0x7: {  	s19 =	sshll.u32 s18, $0x6;
	s2 =	sshll.u32 s0, $0x4;
	s9 =	smul.u32 $0x27800, s0  }
0x8: {  	s14 =	ssub.s32 $0x2, s0;
	p0 =	sne.s32 s0, $0x0;
	s0 =	simm.s32 $0x6  }
0x9: {  	s5 =	sor.u32 s18, s2;
	s12 =	sshrl.u32 s7, $0x3;
	s2 =	ssub.s32 s18, s2  }
0xa: {  	s15 =	sshrl.u32 s10, $0x3;
	s16 =	sshrl.u32 s14, $0x1;
	s7 =	sadd.s32 s7, s3  }
0xb: {  	s22 =	sadd.s32 s10, s4;
	s8 =	smul.u32 $0x500, s5;
	s5 =	rddreg [dreg:$0x4]  }
0xc: {  	_ =	strace $0x80000047;
	s12 =	sadd.s32 s12, s1;
	s9 =	sadd.s32 s10, s9  }
0xd: {  	s2 =	smul.u32 $0x2800, s2;
	s14 =	ssub.s32 s14, s16;
	[dreg:$0xb] =	wrdreg s22  }
0xe: {  	s26 =	sshrl.u32 s7, $0x3;
	s22 =	simm.s32 $0x18;
	s9 =	sshrl.u32 s9, $0x3  }
0xf: {  	s12 =	sadd.s32 $0x1F600, s12;
	s25 =	smax.u32 s14, $0x1;
	[dreg:$0x10] =	wrdreg s26  }
0x10: {  	s26 =	simm.s32 $0x80;
	s11 =	sadd.s32 s8, s1;
	s17 =	sadd.s32 s9, s1  }
0x11: {  	s1 =	sadd.s32 s15, s1;
	s2 =	sadd.s32 $0x28000, s2;
	[dreg:$0x6] =	wrdreg s12  }
0x12: {  	s9 =	sor.u32 $0x1C19, s19;
	s8 =	sadd.s32 s13, s8;
	s15 =	sadd.s32 s10, s5  }
0x13: {  	[dreg:$0xf] =	wrdreg s25;
	s19 =	simm.s32 $0x5000;
	s25 =	simm.s32 $0x12E80  }
0x14: {  	s10 =	simm.s32 $0x15;
	[dreg:$0x7] =	wrdreg s8;
	s20 =	sadd.s32 $0xB600, s11  }
0x15: {  	s12 =	simm.s32 $0x17;
	s21 =	sadd.s32 $0x15600, s1;
	[dreg:$0x9] =	wrdreg s20  }
0x16: {  	s2 =	sshrl.u32 s2, $0x3;
	s23 =	sadd.s32 $0x1A600, s1;
	[dreg:$0xa] =	wrdreg s21  }
.Ltmp0:
0x17: {  	s1 =	sadd.s32 $0x21E00, s1;
	[dreg:$0xc] =	wrdreg s23;
	(pc) =	sbr.rel .LBB2_1-.Ltmp0, $4  }
0x18: {  	s24 =	sadd.s32 $0x26E00, s17;
	s8 =	simm.s32 $0x8;
	[dreg:$0xd] =	wrdreg s1  }
0x19: {  	s11 =	simm.s32 $0x16;
	s2 =	sadd.s32 s13, s2;
	[dreg:$0xe] =	wrdreg s24  }
0x1a: {  	s21 =	simm.s32 $0x19;
	s20 =	simm.s32 $0xB800;
	s1 =	simm.s32 $0x7  }
0x1b: {  	s13 =	simm.s32 $0x0;
	[dreg:$0x8] =	wrdreg s2;
	s2 =	simm.s32 $0x5  }
.LBB2_14:
0x1c: {  	_ =	swait.ge [sflag:s10], $0x800  }
0x1d: {  	[sflag:s10] =	ssyncset.done $0x0  }
0x1e: {  	[sflag:s10] =	ssyncadd.s32 $0xFFFFF800  }
0x1f: {  	_ =	swait.ge [sflag:s11], $0x800  }
0x20: {  	[sflag:s11] =	ssyncset.done $0x0  }
0x21: {  	[sflag:s11] =	ssyncadd.s32 $0xFFFFF800  }
0x22: {  	_ =	swait.ge [sflag:s12], $0x800  }
0x23: {  	[sflag:s12] =	ssyncset.done $0x0  }
0x24: {  	[sflag:s12] =	ssyncadd.s32 $0xFFFFF800  }
0x25: {  	_ =	swait.ge [sflag:s22], $0x800  }
0x26: {  	[sflag:s22] =	ssyncset.done $0x0  }
0x27: {  	[sflag:s22] =	ssyncadd.s32 $0xFFFFF800  }
0x28: {  	[bflag:$0x0] =	sbarrier.arrive $0xFFFF  }
0x29: {  	s14 =	sshrl.u32 s15, $0x3;
	s16 =	rddreg [dreg:$0xe]  }
0x2a: {  	[hbm:s16], [sflag:s9] =	dma.local [spmem:s14], $0x4F0  }
0x2b: {  	_ =	swait.ge [sflag:s21], $0x4F0  }
0x2c: {  	s13 =	sadd.s32 $0x1, s13;
	s24 =	rddreg [dreg:$0xf]  }
0x2d: {  	p1 =	sne.s32 s13, s24  }
.Ltmp1:
0x2e: {  	_ = 	snop;
	(pc) =	sbr.rel @!p1 .LBB2_15-.Ltmp1, $3  }
0x2f: {  	_ =	sdelay $0x1  }
0x30: {  	[sflag:s21] =	ssyncset.done $0x0  }
0x31: {  	s19 =	simm.s32 $0x5000;
	s20 =	simm.s32 $0xB800;
	[sflag:s21] =	ssyncadd.s32 $0xFFFFFB10  }
.LBB2_1:
0x32: {  	s14 =	rddreg [dreg:$0x6]  }
0x33: {  	s16 =	rddreg [dreg:$0x10]  }
0x34: {  	[spmem:s16], [sflag:s9] =	dma.local [hbm:s14], $0x278  }
0x35: {  	_ =	swait.ge [sflag:s21], $0x278  }
0x36: {  	[sflag:s21] =	ssyncset.done $0x0  }
0x37: {  	s16 =	simm.s32 $0x2800;
	s24 =	rddreg [dreg:$0x7];
	[sflag:s21] =	ssyncadd.s32 $0xFFFFFD88  }
0x38: {  	[tilespmem:s16], [sflag:$0x19] =	stream.linear.gather [hbm4b:s24+s6], $0x2800, $0x38;
	[tilespmem:$0x19540] =	vst v63  }
0x39: {  	_ =	swait.ge [sflag:s21], $0x2800  }
0x3a: {  	[sflag:s21] =	ssyncset.done $0x0  }
0x3b: {  	s17 =	rddreg [dreg:$0x8];
	[sflag:s21] =	ssyncadd.s32 $0xFFFFD800  }
0x3c: {  	[tilespmem:s19], [sflag:$0x19] =	stream.linear.gather [hbm4b:s17+s6], $0x2800, $0x38;
	[tilespmem:$0x19540] =	vst v63  }
0x3d: {  	_ =	swait.ge [sflag:s21], $0x2800  }
0x3e: {  	[sflag:s21] =	ssyncset.done $0x0  }
0x3f: {  	s18 =	rddreg [dreg:$0x9];
	[sflag:s21] =	ssyncadd.s32 $0xFFFFD800  }
0x40: {  	[tilespmem:s6], [sflag:$0x19] =	stream.linear.gather [hbm4b:s18+s6], $0x2800, $0x38;
	[tilespmem:$0x19540] =	vst v63  }
0x41: {  	_ =	swait.ge [sflag:s21], $0x2800  }
0x42: {  	[sflag:s21] =	ssyncset.done $0x0  }
0x43: {  	s23 =	rddreg [dreg:$0xa];
	[sflag:s21] =	ssyncadd.s32 $0xFFFFD800  }
0x44: {  	[tilespmem:s20], [sflag:$0x19] =	stream.linear.gather [hbm4b:s23+s6], $0x2780, $0x38;
	[tilespmem:$0x19540] =	vst v63  }
0x45: {  	_ =	swait.ge [sflag:s21], $0x2780  }
0x46: {  	[sflag:s21] =	ssyncset.done $0x0  }
0x47: {  	[sflag:s21] =	ssyncadd.s32 $0xFFFFD880  }
0x48: {  	s24 =	rddreg [dreg:$0x1]  }
0x49: {  	[tilespmem:s25], [sflag:$0x19] =	stream.linear.gather [hbm4b:s24+s6], $0x400, $0x38;
	[tilespmem:$0x19540] =	vst v63  }
0x4a: {  	_ =	swait.ge [sflag:s21], $0x400  }
0x4b: {  	[sflag:s21] =	ssyncset.done $0x0  }
0x4c: {  	[sflag:s21] =	ssyncadd.s32 $0xFFFFFC00  }
0x4d: {  	[bflag:$0x0] =	sbarrier.arrive $0xFFFF  }
0x4e: {  	[spmem:s3] =	stream.indirect.scatter.add.f32 [tilespmem:s25], [sflag:$0x1], $0x8, s16, s26, $0xb8;
	[tilespmem:$0x19540] =	vst v63  }
0x4f: {  	s17 =	simm.s32 $0x2880  }
0x50: {  	[spmem:s3] =	stream.indirect.scatter.add.f32 [tilespmem:s25], [sflag:$0x2], $0x8, s17, s26, $0xb8;
	[tilespmem:$0x19540] =	vst v63  }
0x51: {  	s18 =	simm.s32 $0x2900  }
0x52: {  	[spmem:s3] =	stream.indirect.scatter.add.f32 [tilespmem:s25], [sflag:$0x3], $0x8, s18, s26, $0xb8;
	[tilespmem:$0x19540] =	vst v63  }
0x53: {  	s23 =	simm.s32 $0x2980  }
0x54: {  	[spmem:s3] =	stream.indirect.scatter.add.f32 [tilespmem:s25], [sflag:$0x4], $0x8, s23, s26, $0xb8;
	[tilespmem:$0x19540] =	vst v63  }
0x55: {  	s24 =	simm.s32 $0x2A00  }
0x56: {  	[spmem:s3] =	stream.indirect.scatter.add.f32 [tilespmem:s25], [sflag:$0x5], $0x8, s24, s26, $0xb8;
	[tilespmem:$0x19540] =	vst v63  }
0x57: {  	s16 =	simm.s32 $0x2A80  }
0x58: {  	[spmem:s3] =	stream.indirect.scatter.add.f32 [tilespmem:s25], [sflag:$0x6], $0x8, s16, s26, $0xb8;
	[tilespmem:$0x19540] =	vst v63  }
0x59: {  	s17 =	simm.s32 $0x2B00;
	s23 =	sand.u32 $0x7, s6  }
0x5a: {  	[spmem:s3] =	stream.indirect.scatter.add.f32 [tilespmem:s25], [sflag:$0x7], $0x8, s17, s26, $0xb8;
	[tilespmem:$0x19540] =	vst v63  }
0x5b: {  	s18 =	simm.s32 $0x2B80;
	s24 =	sadd.s32 $0x1, s23  }
0x5c: {  	[spmem:s3] =	stream.indirect.scatter.add.f32 [tilespmem:s25], [sflag:$0x8], $0x8, s18, s26, $0xb8;
	[tilespmem:$0x19540] =	vst v63  }
0x5d: {  	s17 =	simm.s32 $0x1;
	_ =	swait.ge [sflag:s24], $0x400  }
0x5e: {  	s17 =	sand.u32 $0x7, s17;
	[sflag:s24] =	ssyncset.done $0x0  }
0x5f: {  	s14 =	simm.s32 $0x2C00;
	s16 =	sadd.s32 $0x1, s17;
	[sflag:s24] =	ssyncadd.s32 $0xFFFFFC00  }
0x60: {  	[spmem:s3] =	stream.indirect.scatter.add.f32 [tilespmem:s25], [sflag:s24], $0x8, s14, s26, $0xb8;
	[tilespmem:$0x19540] =	vst v63  }
0x61: {  	s17 =	simm.s32 $0x2;
	_ =	swait.ge [sflag:s16], $0x400  }
.LBB2_2:
0x62: {  	s18 =	sand.u32 $0x7, s17  }
0x63: {  	[sflag:s16] =	ssyncset.done $0x0;
	s14 =	sadd.s32 $0x80, s14;
	p1 =	sne.s32 s17, $0x47  }
.Ltmp2:
0x64: {  	s18 =	sadd.s32 $0x1, s18;
	[sflag:s16] =	ssyncadd.s32 $0xFFFFFC00;
	(pc) =	sbr.rel @p1 .LBB2_2-.Ltmp2, $3  }
0x65: {  	[spmem:s3] =	stream.indirect.scatter.add.f32 [tilespmem:s25], [sflag:s16], $0x8, s14, s26, $0xb8;
	[tilespmem:$0x19540] =	vst v63  }
0x66: {  	s16 =	smov.u32 s18;
	_ =	swait.ge [sflag:s18], $0x400;
	_ =	sdelay $0x1  }
0x67: {  	s17 =	sadd.s32 $0x1, s17  }
0x68: {  	[sflag:s16] =	ssyncset.done $0x0  }
0x69: {  	s14 =	sadd.s32 $0x80, s14;
	[sflag:s16] =	ssyncadd.s32 $0xFFFFFC00  }
0x6a: {  	[spmem:s3] =	stream.indirect.scatter.add.f32 [tilespmem:s25], [sflag:s16], $0x8, s14, s26, $0xb8;
	[tilespmem:$0x19540] =	vst v63  }
0x6b: {  	_ =	swait.ge [sflag:s28], $0x400  }
0x6c: {  	[sflag:s28] =	ssyncset.done $0x0  }
0x6d: {  	[sflag:s28] =	ssyncadd.s32 $0xFFFFFC00  }
0x6e: {  	_ =	swait.ge [sflag:s29], $0x400  }
0x6f: {  	[sflag:s29] =	ssyncset.done $0x0  }
0x70: {  	[sflag:s29] =	ssyncadd.s32 $0xFFFFFC00  }
0x71: {  	_ =	swait.ge [sflag:s30], $0x400  }
0x72: {  	[sflag:s30] =	ssyncset.done $0x0  }
0x73: {  	[sflag:s30] =	ssyncadd.s32 $0xFFFFFC00  }
0x74: {  	_ =	swait.ge [sflag:s31], $0x400  }
0x75: {  	[sflag:s31] =	ssyncset.done $0x0  }
0x76: {  	[sflag:s31] =	ssyncadd.s32 $0xFFFFFC00  }
0x77: {  	_ =	swait.ge [sflag:s2], $0x400  }
0x78: {  	[sflag:s2] =	ssyncset.done $0x0  }
0x79: {  	[sflag:s2] =	ssyncadd.s32 $0xFFFFFC00  }
0x7a: {  	_ =	swait.ge [sflag:s0], $0x400  }
0x7b: {  	[sflag:s0] =	ssyncset.done $0x0  }
0x7c: {  	[sflag:s0] =	ssyncadd.s32 $0xFFFFFC00  }
0x7d: {  	_ =	swait.ge [sflag:s1], $0x400  }
0x7e: {  	[sflag:s1] =	ssyncset.done $0x0  }
0x7f: {  	[sflag:s1] =	ssyncadd.s32 $0xFFFFFC00  }
0x80: {  	_ =	swait.ge [sflag:s8], $0x400  }
0x81: {  	[sflag:s8] =	ssyncset.done $0x0  }
0x82: {  	[sflag:s8] =	ssyncadd.s32 $0xFFFFFC00  }
0x83: {  	[spmem:s3] =	stream.indirect.scatter.add.f32 [tilespmem:s25], [sflag:$0x1], $0x8, s19, s26, $0xb8;
	[tilespmem:$0x19540] =	vst v63  }
0x84: {  	s19 =	simm.s32 $0x5080  }
0x85: {  	[spmem:s3] =	stream.indirect.scatter.add.f32 [tilespmem:s25], [sflag:$0x2], $0x8, s19, s26, $0xb8;
	[tilespmem:$0x19540] =	vst v63  }
0x86: {  	s23 =	simm.s32 $0x5100  }
0x87: {  	[spmem:s3] =	stream.indirect.scatter.add.f32 [tilespmem:s25], [sflag:$0x3], $0x8, s23, s26, $0xb8;
	[tilespmem:$0x19540] =	vst v63  }
0x88: {  	s24 =	simm.s32 $0x5180  }
0x89: {  	[spmem:s3] =	stream.indirect.scatter.add.f32 [tilespmem:s25], [sflag:$0x4], $0x8, s24, s26, $0xb8;
	[tilespmem:$0x19540] =	vst v63  }
0x8a: {  	s16 =	simm.s32 $0x5200  }
0x8b: {  	[spmem:s3] =	stream.indirect.scatter.add.f32 [tilespmem:s25], [sflag:$0x5], $0x8, s16, s26, $0xb8;
	[tilespmem:$0x19540] =	vst v63  }
0x8c: {  	s17 =	simm.s32 $0x5280;
	s23 =	simm.s32 $0x0  }
0x8d: {  	[spmem:s3] =	stream.indirect.scatter.add.f32 [tilespmem:s25], [sflag:$0x6], $0x8, s17, s26, $0xb8;
	[tilespmem:$0x19540] =	vst v63  }
0x8e: {  	s18 =	simm.s32 $0x5300;
	s14 =	sand.u32 $0x7, s23  }
0x8f: {  	[spmem:s3] =	stream.indirect.scatter.add.f32 [tilespmem:s25], [sflag:$0x7], $0x8, s18, s26, $0xb8;
	[tilespmem:$0x19540] =	vst v63  }
0x90: {  	s19 =	simm.s32 $0x5380;
	s24 =	sadd.s32 $0x1, s14  }
0x91: {  	[spmem:s3] =	stream.indirect.scatter.add.f32 [tilespmem:s25], [sflag:$0x8], $0x8, s19, s26, $0xb8;
	[tilespmem:$0x19540] =	vst v63  }
0x92: {  	s17 =	simm.s32 $0x1;
	_ =	swait.ge [sflag:s24], $0x400  }
0x93: {  	s17 =	sand.u32 $0x7, s17;
	[sflag:s24] =	ssyncset.done $0x0  }
0x94: {  	s14 =	simm.s32 $0x5400;
	s16 =	sadd.s32 $0x1, s17;
	[sflag:s24] =	ssyncadd.s32 $0xFFFFFC00  }
0x95: {  	[spmem:s3] =	stream.indirect.scatter.add.f32 [tilespmem:s25], [sflag:s24], $0x8, s14, s26, $0xb8;
	[tilespmem:$0x19540] =	vst v63  }
0x96: {  	s17 =	simm.s32 $0x2;
	_ =	swait.ge [sflag:s16], $0x400  }
.LBB2_4:
0x97: {  	s18 =	sand.u32 $0x7, s17  }
0x98: {  	[sflag:s16] =	ssyncset.done $0x0;
	s14 =	sadd.s32 $0x80, s14;
	p1 =	sne.s32 s17, $0x47  }
.Ltmp3:
0x99: {  	s18 =	sadd.s32 $0x1, s18;
	[sflag:s16] =	ssyncadd.s32 $0xFFFFFC00;
	(pc) =	sbr.rel @p1 .LBB2_4-.Ltmp3, $3  }
0x9a: {  	[spmem:s3] =	stream.indirect.scatter.add.f32 [tilespmem:s25], [sflag:s16], $0x8, s14, s26, $0xb8;
	[tilespmem:$0x19540] =	vst v63  }
0x9b: {  	s16 =	smov.u32 s18;
	_ =	swait.ge [sflag:s18], $0x400;
	_ =	sdelay $0x1  }
0x9c: {  	s17 =	sadd.s32 $0x1, s17  }
0x9d: {  	[sflag:s16] =	ssyncset.done $0x0  }
0x9e: {  	s14 =	sadd.s32 $0x80, s14;
	[sflag:s16] =	ssyncadd.s32 $0xFFFFFC00  }
0x9f: {  	[spmem:s3] =	stream.indirect.scatter.add.f32 [tilespmem:s25], [sflag:s16], $0x8, s14, s26, $0xb8;
	[tilespmem:$0x19540] =	vst v63  }
0xa0: {  	_ =	swait.ge [sflag:s28], $0x400  }
0xa1: {  	[sflag:s28] =	ssyncset.done $0x0  }
0xa2: {  	[sflag:s28] =	ssyncadd.s32 $0xFFFFFC00  }
0xa3: {  	_ =	swait.ge [sflag:s29], $0x400  }
0xa4: {  	[sflag:s29] =	ssyncset.done $0x0  }
0xa5: {  	[sflag:s29] =	ssyncadd.s32 $0xFFFFFC00  }
0xa6: {  	_ =	swait.ge [sflag:s30], $0x400  }
0xa7: {  	[sflag:s30] =	ssyncset.done $0x0  }
0xa8: {  	[sflag:s30] =	ssyncadd.s32 $0xFFFFFC00  }
0xa9: {  	_ =	swait.ge [sflag:s31], $0x400  }
0xaa: {  	[sflag:s31] =	ssyncset.done $0x0  }
0xab: {  	[sflag:s31] =	ssyncadd.s32 $0xFFFFFC00  }
0xac: {  	_ =	swait.ge [sflag:s2], $0x400  }
0xad: {  	[sflag:s2] =	ssyncset.done $0x0  }
0xae: {  	[sflag:s2] =	ssyncadd.s32 $0xFFFFFC00  }
0xaf: {  	_ =	swait.ge [sflag:s0], $0x400  }
0xb0: {  	[sflag:s0] =	ssyncset.done $0x0  }
0xb1: {  	[sflag:s0] =	ssyncadd.s32 $0xFFFFFC00  }
0xb2: {  	_ =	swait.ge [sflag:s1], $0x400  }
0xb3: {  	[sflag:s1] =	ssyncset.done $0x0  }
0xb4: {  	[sflag:s1] =	ssyncadd.s32 $0xFFFFFC00  }
0xb5: {  	_ =	swait.ge [sflag:s8], $0x400  }
0xb6: {  	[sflag:s8] =	ssyncset.done $0x0  }
0xb7: {  	s24 =	sadd.s32 $0x0, s7;
	[sflag:s8] =	ssyncadd.s32 $0xFFFFFC00  }
0xb8: {  	s14 =	simm.s32 $0xDF80;
	s16 =	simm.s32 $0x20;
	[bflag:$0x0] =	sbarrier.arrive $0xFFFF  }
0xb9: {  	[tilespmem:s14], [sflag:$0x19] =	stream.linear.gather [spmem:s24], $0x8, $0x38;
	[tilespmem:$0x19540] =	vst v63  }
.LBB2_6:
0xba: {  	p1 =	sne.s32 s16, $0x4EE0  }
.Ltmp4:
0xbb: {  	_ = 	snop;
	(pc) =	sbr.rel @p1 .LBB2_6-.Ltmp4, $4  }
0xbc: {  	_ = 	snop  }
0xbd: {  	s17 =	sshra.s32 s16, $0x2;
	s16 =	sadd.s32 $0x20, s16  }
0xbe: {  	s14 =	sadd.s32 $0x10, s14;
	s17 =	sadd.s32 s17, s7  }
0xbf: {  	[tilespmem:s14], [sflag:$0x19] =	stream.linear.gather [spmem:s17], $0x8, $0x38;
	[tilespmem:$0x19540] =	vst v63  }
0xc0: {  	_ =	swait.ge [sflag:s21], $0x13C0  }
0xc1: {  	[sflag:s21] =	ssyncset.done $0x0  }
0xc2: {  	s14 =	simm.s32 $0xDF88;
	s16 =	sadd.s32 $0x0, s7;
	[sflag:s21] =	ssyncadd.s32 $0xFFFFEC40  }
0xc3: {  	[tilespmem:s14], [sflag:$0x19] =	stream.linear.gather [spmem:s16], $0x8, $0x38;
	[tilespmem:$0x19540] =	vst v63  }
0xc4: {  	s16 =	simm.s32 $0x20  }
.LBB2_8:
0xc5: {  	p1 =	sne.s32 s16, $0x4EE0  }
.Ltmp5:
0xc6: {  	_ = 	snop;
	(pc) =	sbr.rel @p1 .LBB2_8-.Ltmp5, $4  }
0xc7: {  	_ = 	snop  }
0xc8: {  	s17 =	sshra.s32 s16, $0x2;
	s16 =	sadd.s32 $0x20, s16  }
0xc9: {  	s14 =	sadd.s32 $0x10, s14;
	s17 =	sadd.s32 s17, s7  }
0xca: {  	[tilespmem:s14], [sflag:$0x19] =	stream.linear.gather [spmem:s17], $0x8, $0x38;
	[tilespmem:$0x19540] =	vst v63  }
0xcb: {  	_ =	swait.ge [sflag:s21], $0x13C0  }
0xcc: {  	[sflag:s21] =	ssyncset.done $0x0  }
0xcd: {  	s17 =	simm.s32 $0x0;
	[sflag:s21] =	ssyncadd.s32 $0xFFFFEC40  }
0xce: {  	v0 =	vld [tilespmem:s17+$0xDF80];
	_ =	sdelay $0x4  }
0xcf: {  	v0 =	vadd.f32 $1.000000000e+00, v0  }
0xd0: {  	s24 =	simm.s32 $0x10  }
0xd1: {  	v1 =	vshra.s32 v0, $0x1;
	v2 =	vmul.f32 $5.000000000e-01, v0;
	v0 =	vld [tilespmem:s24+$0xDF80]  }
0xd2: {  	v3 =	vsub.s32 $0x5F3759DF, v1  }
0xd3: {  	v1 =	vmul.f32 v3, v2;
	_ =	sdelay $0x1  }
0xd4: {  	v1 =	vmul.f32 v3, v1  }
0xd5: {  	v0 =	vadd.f32 $1.000000000e+00, v0  }
0xd6: {  	v4 =	vsub.f32 $1.500000000e+00, v1  }
0xd7: {  	s23 =	simm.s32 $0x20;
	v5 =	vshra.s32 v0, $0x1;
	v1 =	vmul.f32 $5.000000000e-01, v0  }
0xd8: {  	v0 =	vld [tilespmem:s23+$0xDF80];
	v3 =	vmul.f32 v3, v4;
	v4 =	vsub.s32 $0x5F3759DF, v5  }
0xd9: {  	v5 =	vmul.f32 v4, v1  }
0xda: {  	v6 =	vmul.f32 v3, v2  }
0xdb: {  	v5 =	vmul.f32 v4, v5  }
0xdc: {  	v6 =	vmul.f32 v6, v3  }
0xdd: {  	v0 =	vadd.f32 $1.000000000e+00, v0;
	v5 =	vsub.f32 $1.500000000e+00, v5  }
0xde: {  	s14 =	simm.s32 $0x30;
	v6 =	vsub.f32 $1.500000000e+00, v6  }
0xdf: {  	v7 =	vshra.s32 v0, $0x1;
	v0 =	vmul.f32 $5.000000000e-01, v0;
	v8 =	vmul.f32 v4, v5;
	v4 =	vld [tilespmem:s14+$0xDF80]  }
0xe0: {  	v5 =	vsub.s32 $0x5F3759DF, v7;
	v9 =	vmul.f32 v6, v3  }
0xe1: {  	v3 =	vmul.f32 v5, v0;
	v6 =	vmul.f32 v8, v1  }
0xe2: {  	v2 =	vmul.f32 v9, v2  }
0xe3: {  	v3 =	vmul.f32 v5, v3;
	v6 =	vmul.f32 v6, v8  }
0xe4: {  	v2 =	vmul.f32 v2, v9;
	v4 =	vadd.f32 $1.000000000e+00, v4  }
0xe5: {  	v3 =	vsub.f32 $1.500000000e+00, v3;
	v10 =	vsub.f32 $1.500000000e+00, v6;
	v6 =	vld [tilespmem:s17+$0xB800]  }
0xe6: {  	v11 =	vsub.f32 $1.500000000e+00, v2  }
0xe7: {  	s16 =	simm.s32 $0x40;
	v12 =	vshra.s32 v4, $0x1;
	v2 =	vmul.f32 $5.000000000e-01, v4;
	v7 =	vmul.f32 v5, v3  }
0xe8: {  	s18 =	simm.s32 $0x140;
	v5 =	vld [tilespmem:s16+$0xDF80];
	v4 =	vsub.s32 $0x5F3759DF, v12;
	v3 =	vmul.f32 v10, v8;
	v8 =	vmul.f32 v11, v9  }
.LBB2_10:
0xe9: {  	p1 =	sne.s32 s18, $0x9DC0;
	v9 =	vmul.f32 v4, v2;
	v10 =	vmul.f32 v7, v0;
	v11 =	vmov v7  }
0xea: {  	v7 =	vmul.f32 v3, v1;
	[tilespmem:s17+$0x10700] =	vst v8;
	v6 =	vmul.f32 v8, v6;
	v1 =	vmovc v0;
	v0 =	vmov v2  }
0xeb: {  	v2 =	vmul.f32 v4, v9  }
.Ltmp6:
0xec: {  	v8 =	vmul.f32 v10, v11;
	v7 =	vmul.f32 v7, v3;
	[tilespmem:s17+$0xB800] =	vst v6;
	s17 =	smov.u32 s24;
	s24 =	smov.u32 s23;
	(pc) =	sbr.rel @p1 .LBB2_10-.Ltmp6, $4  }
0xed: {  	s23 =	smov.u32 s14;
	s14 =	smov.u32 s16;
	v5 =	vadd.f32 $1.000000000e+00, v5;
	v9 =	vsub.f32 $1.500000000e+00, v2;
	v6 =	vld [tilespmem:s17+$0xB800]  }
0xee: {  	v10 =	vsub.f32 $1.500000000e+00, v8;
	v8 =	vsub.f32 $1.500000000e+00, v7  }
0xef: {  	s16 =	sshra.s32 s18, $0x2;
	v12 =	vshra.s32 v5, $0x1;
	v2 =	vmul.f32 $5.000000000e-01, v5;
	v7 =	vmul.f32 v4, v9  }
0xf0: {  	s18 =	sadd.s32 $0x40, s18;
	v5 =	vld [tilespmem:s16+$0xDF80];
	v4 =	vsub.s32 $0x5F3759DF, v12;
	v8 =	vmul.f32 v8, v3;
	v3 =	vmul.f32 v10, v11  }
0xf1: {  	v9 =	vmul.f32 v4, v2;
	v10 =	vmul.f32 v7, v0  }
0xf2: {  	v1 =	vmul.f32 v3, v1;
	v6 =	vmul.f32 v8, v6  }
0xf3: {  	[tilespmem:s17+$0x10700] =	vst v8;
	v42 =	vmul.f32 v4, v9  }
0xf4: {  	v43 =	vmul.f32 v10, v7;
	v1 =	vmul.f32 v1, v3;
	[tilespmem:s17+$0xB800] =	vst v6  }
0xf5: {  	v5 =	vadd.f32 $1.000000000e+00, v5;
	v44 =	vsub.f32 $1.500000000e+00, v42;
	v45 =	vld [tilespmem:s24+$0xB800]  }
0xf6: {  	v9 =	vsub.f32 $1.500000000e+00, v43;
	v1 =	vsub.f32 $1.500000000e+00, v1  }
0xf7: {  	v46 =	vshra.s32 v5, $0x1;
	v5 =	vmul.f32 $5.000000000e-01, v5;
	v47 =	vmul.f32 v4, v44  }
0xf8: {  	v49 =	vmul.f32 v9, v7;
	v48 =	vsub.s32 $0x5F3759DF, v46;
	v1 =	vmul.f32 v1, v3  }
0xf9: {  	v50 =	vmul.f32 v48, v5;
	v51 =	vmul.f32 v47, v2  }
0xfa: {  	v52 =	vmul.f32 v49, v0;
	v8 =	vmul.f32 v1, v45  }
0xfb: {  	[tilespmem:s24+$0x10700] =	vst v1;
	v53 =	vmul.f32 v48, v50  }
0xfc: {  	v54 =	vmul.f32 v51, v47;
	v0 =	vmul.f32 v52, v49;
	[tilespmem:s24+$0xB800] =	vst v8  }
0xfd: {  	v1 =	vsub.f32 $1.500000000e+00, v53;
	v8 =	vld [tilespmem:s23+$0xB800]  }
0xfe: {  	v3 =	vsub.f32 $1.500000000e+00, v54;
	v0 =	vsub.f32 $1.500000000e+00, v0  }
0xff: {  	v1 =	vmul.f32 v48, v1  }
0x100: {  	v3 =	vmul.f32 v3, v47;
	v0 =	vmul.f32 v0, v49  }
0x101: {  	v55 =	vmul.f32 v1, v5  }
0x102: {  	v56 =	vmul.f32 v3, v2;
	v57 =	vmul.f32 v0, v8  }
0x103: {  	[tilespmem:s23+$0x10700] =	vst v0  }
0x104: {  	v58 =	vmul.f32 v55, v1;
	v2 =	vmul.f32 v56, v3;
	[tilespmem:s23+$0xB800] =	vst v57  }
0x105: {  	v59 =	vld [tilespmem:s14+$0xB800]  }
0x106: {  	v0 =	vsub.f32 $1.500000000e+00, v58;
	v2 =	vsub.f32 $1.500000000e+00, v2;
	_ =	sdelay $0x1  }
0x107: {  	v0 =	vmul.f32 v0, v1;
	v60 =	vmul.f32 v2, v3;
	_ =	sdelay $0x1  }
0x108: {  	v61 =	vmul.f32 v0, v5;
	v3 =	vmul.f32 v60, v59  }
0x109: {  	[tilespmem:s14+$0x10700] =	vst v60  }
0x10a: {  	v62 =	vmul.f32 v61, v0;
	[tilespmem:s14+$0xB800] =	vst v3  }
0x10b: {  	v63 =	vld [tilespmem:s16+$0xB800]  }
0x10c: {  	v1 =	vsub.f32 $1.500000000e+00, v62;
	_ =	sdelay $0x1  }
0x10d: {  	v0 =	vmul.f32 v1, v0;
	_ =	sdelay $0x1  }
0x10e: {  	v1 =	vmul.f32 v0, v63  }
0x10f: {  	[tilespmem:s16+$0x10700] =	vst v0  }
0x110: {  	[tilespmem:s16+$0xB800] =	vst v1;
	s16 =	rddreg [dreg:$0xb]  }
0x111: {  	[spmem:s16] =	stream.linear.scatter [tilespmem:s20], [sflag:$0x19], $0x2780, $0x38;
	[tilespmem:$0x19540] =	vst v63  }
0x112: {  	_ =	swait.ge [sflag:s21], $0x2780  }
0x113: {  	[sflag:s21] =	ssyncset.done $0x0  }
0x114: {  	s14 =	sshrl.u32 @p0 s15, $0x3;
	s16 =	rddreg [dreg:$0xc];
	[sflag:s21] =	ssyncadd.s32 $0xFFFFD880  }
0x115: {  	[spmem:s14], [sflag:s9] =	dma.local @p0 [hbm:s16], $0x4F0  }
0x116: {  	s14 =	simm.s32 @p0 $0x19  }
0x117: {  	_ =	swait.ge @p0 [sflag:s14], $0x4F0  }
0x118: {  	[sflag:s14] =	ssyncset.done @p0 $0x0  }
0x119: {  	[sflag:s14] =	ssyncadd.s32 @p0 $0xFFFFFB10;
	s14 =	simm.s32 @!p0 $0xB800  }
0x11a: {  	[spmem:s15] =	stream.linear.scatter @!p0 [tilespmem:s14], [sflag:$0x19], $0x2780, $0x38;
	[tilespmem:$0x19540] =	vst v63  }
0x11b: {  	s14 =	simm.s32 @!p0 $0x19  }
0x11c: {  	_ =	swait.ge @!p0 [sflag:s14], $0x2780  }
0x11d: {  	s17 =	simm.s32 @!p0 $0x10700;
	[sflag:s14] =	ssyncset.done @!p0 $0x0  }
0x11e: {  	s16 =	simm.s32 @!p0 $0x0;
	s18 =	rddreg [dreg:$0xd];
	[sflag:s14] =	ssyncadd.s32 @!p0 $0xFFFFD880  }
0x11f: {  	[hbm4b:s18+s16] =	stream.linear.scatter @!p0 [tilespmem:s17], [sflag:$0x19], $0x2780, $0x38;
	[tilespmem:$0x19540] =	vst v63  }
0x120: {  	_ =	swait.ge @!p0 [sflag:s14], $0x2780  }
0x121: {  	[sflag:s14] =	ssyncset.done @!p0 $0x0  }
0x122: {  	[sflag:s14] =	ssyncadd.s32 @!p0 $0xFFFFD880  }
0x123: {  	s17 =	simm.s32 $0x7800;
	s14 =	simm.s32 $0x0;
	[bflag:$0x0] =	sbarrier.arrive $0xFFFF  }
0x124: {  	[tilespmem:s17], [sflag:$0x9] =	stream.indirect.gather [spmem:s4], $0x10, s14, s26, $0xb8;
	[tilespmem:$0x19540] =	vst v63  }
0x125: {  	s18 =	simm.s32 $0x8000  }
0x126: {  	[tilespmem:s18], [sflag:$0xA] =	stream.indirect.gather [spmem:s4], $0x10, s26, s26, $0xb8;
	[tilespmem:$0x19540] =	vst v63  }
0x127: {  	s19 =	simm.s32 $0x100;
	s20 =	simm.s32 $0x8800  }
0x128: {  	[tilespmem:s20], [sflag:$0xB] =	stream.indirect.gather [spmem:s4], $0x10, s19, s26, $0xb8;
	[tilespmem:$0x19540] =	vst v63  }
0x129: {  	s24 =	simm.s32 $0x9000;
	s23 =	simm.s32 $0x180  }
0x12a: {  	[tilespmem:s24], [sflag:$0xC] =	stream.indirect.gather [spmem:s4], $0x10, s23, s26, $0xb8;
	[tilespmem:$0x19540] =	vst v63  }
0x12b: {  	s23 =	simm.s32 $0x13;
	s24 =	simm.s32 $0x0  }
.LBB2_12:
0x12c: {  	s17 =	sand.u32 $0x4, s14  }
0x12d: {  	s18 =	sor.u32 $0x9, s17  }
0x12e: {  	s19 =	sxor.u32 $0xFFFFFFFF, s14;
	s16 =	sshll.u32 s17, $0xB;
	_ =	swait.ge [sflag:s18], $0x800  }
0x12f: {  	s20 =	sadd.s32 $0x7800, s16;
	s16 =	sshra.s32 s24, $0x2;
	[sflag:s18] =	ssyncset.done $0x0  }
0x130: {  	s17 =	sor.u32 $0x11, s17;
	[sflag:s18] =	ssyncadd.s32 $0xFFFFF800;
	s18 =	sadd.s32 $0x2800, s16  }
0x131: {  	[spmem:s5] =	stream.indirect.scatter.add.f32 [tilespmem:s20], [sflag:s17], $0x10, s18, s26, $0xb8;
	[tilespmem:$0x19540] =	vst v63  }
0x132: {  	p1 =	seq.s32 s23, $0x13;
	s17 =	sand.u32 $0x4, s19  }
0x133: {  	s18 =	sadd.s32 @!p1 $0x11, s17  }
0x134: {  	p2 =	seq.s32 @!p1 s23, $0x0;
	_ =	swait.ge @!p1 [sflag:s18], $0x800  }
0x135: {  	p2 =	por p1, !p2;
	[sflag:s18] =	ssyncset.done @!p1 $0x0  }
0x136: {  	[sflag:s18] =	ssyncadd.s32 @!p1 $0xFFFFF800;
	s18 =	sshll.u32 @p2 s17, $0xB  }
0x137: {  	s19 =	sadd.s32 @p2 $0x200, s16;
	s17 =	sadd.s32 @p2 $0x9, s17;
	s18 =	sadd.s32 @p2 $0x7800, s18  }
0x138: {  	[tilespmem:s18], [sflag:s17] =	stream.indirect.gather @p2 [spmem:s4], $0x10, s19, s26, $0xb8;
	[tilespmem:$0x19540] =	vst v63  }
0x139: {  	s18 =	sadd.s32 $0x1, s14  }
0x13a: {  	s18 =	sand.u32 $0x5, s18  }
0x13b: {  	s17 =	sadd.s32 $0x5, s14;
	s19 =	sadd.s32 $0x9, s18  }
0x13c: {  	s17 =	sand.u32 $0x5, s17;
	_ =	swait.ge [sflag:s19], $0x800  }
0x13d: {  	s20 =	sshll.u32 s18, $0xB;
	s18 =	sadd.s32 $0x11, s18;
	[sflag:s19] =	ssyncset.done $0x0  }
0x13e: {  	s20 =	sadd.s32 $0x7800, s20;
	[sflag:s19] =	ssyncadd.s32 $0xFFFFF800;
	s19 =	sadd.s32 $0x2880, s16  }
0x13f: {  	[spmem:s5] =	stream.indirect.scatter.add.f32 [tilespmem:s20], [sflag:s18], $0x10, s19, s26, $0xb8;
	[tilespmem:$0x19540] =	vst v63  }
0x140: {  	s18 =	sadd.s32 @!p1 $0x11, s17  }
0x141: {  	_ =	swait.ge @!p1 [sflag:s18], $0x800  }
0x142: {  	[sflag:s18] =	ssyncset.done @!p1 $0x0  }
0x143: {  	[sflag:s18] =	ssyncadd.s32 @!p1 $0xFFFFF800;
	s18 =	sshll.u32 @p2 s17, $0xB  }
0x144: {  	s19 =	sadd.s32 @p2 $0x280, s16;
	s17 =	sadd.s32 @p2 $0x9, s17;
	s18 =	sadd.s32 @p2 $0x7800, s18  }
0x145: {  	[tilespmem:s18], [sflag:s17] =	stream.indirect.gather @p2 [spmem:s4], $0x10, s19, s26, $0xb8;
	[tilespmem:$0x19540] =	vst v63  }
0x146: {  	s19 =	sadd.s32 $0x2, s14  }
0x147: {  	s18 =	sand.u32 $0x6, s19  }
0x148: {  	s17 =	sadd.s32 $0x6, s14;
	s19 =	sor.u32 $0x9, s18  }
0x149: {  	s17 =	sand.u32 $0x6, s17;
	_ =	swait.ge [sflag:s19], $0x800  }
0x14a: {  	s20 =	sshll.u32 s18, $0xB;
	s18 =	sor.u32 $0x11, s18;
	[sflag:s19] =	ssyncset.done $0x0  }
0x14b: {  	s20 =	sadd.s32 $0x7800, s20;
	[sflag:s19] =	ssyncadd.s32 $0xFFFFF800;
	s19 =	sadd.s32 $0x2900, s16  }
0x14c: {  	[spmem:s5] =	stream.indirect.scatter.add.f32 [tilespmem:s20], [sflag:s18], $0x10, s19, s26, $0xb8;
	[tilespmem:$0x19540] =	vst v63  }
0x14d: {  	s18 =	sadd.s32 @!p1 $0x11, s17  }
0x14e: {  	_ =	swait.ge @!p1 [sflag:s18], $0x800  }
0x14f: {  	[sflag:s18] =	ssyncset.done @!p1 $0x0  }
0x150: {  	s19 =	sadd.s32 @p2 $0x300, s16;
	[sflag:s18] =	ssyncadd.s32 @!p1 $0xFFFFF800;
	s18 =	sshll.u32 @p2 s17, $0xB  }
0x151: {  	s20 =	sadd.s32 $0x3, s14;
	s17 =	sadd.s32 @p2 $0x9, s17;
	s18 =	sadd.s32 @p2 $0x7800, s18  }
0x152: {  	[tilespmem:s18], [sflag:s17] =	stream.indirect.gather @p2 [spmem:s4], $0x10, s19, s26, $0xb8;
	[tilespmem:$0x19540] =	vst v63  }
0x153: {  	s18 =	sand.u32 $0x7, s20  }
0x154: {  	s19 =	sadd.s32 $0x9, s18  }
0x155: {  	s17 =	sadd.s32 $0xFFFFFFFF, s14;
	_ =	swait.ge [sflag:s19], $0x800  }
0x156: {  	s20 =	sshll.u32 s18, $0xB;
	s18 =	sadd.s32 $0x11, s18;
	[sflag:s19] =	ssyncset.done $0x0  }
0x157: {  	s20 =	sadd.s32 $0x7800, s20;
	[sflag:s19] =	ssyncadd.s32 $0xFFFFF800;
	s19 =	sadd.s32 $0x2980, s16  }
0x158: {  	[spmem:s5] =	stream.indirect.scatter.add.f32 [tilespmem:s20], [sflag:s18], $0x10, s19, s26, $0xb8;
	[tilespmem:$0x19540] =	vst v63  }
.Ltmp7:
0x159: {  	s17 =	sand.u32 $0x7, s17;
	(pc) =	sbr.rel @!p2 .LBB2_14-.Ltmp7, $4  }
0x15a: {  	s18 =	sadd.s32 @!p1 $0x11, s17  }
0x15b: {  	_ =	swait.ge @!p1 [sflag:s18], $0x800  }
0x15c: {  	[sflag:s18] =	ssyncset.done @!p1 $0x0  }
0x15d: {  	[sflag:s18] =	ssyncadd.s32 @!p1 $0xFFFFF800  }
.Ltmp8:
0x15e: {  	(pc) =	sbr.rel .LBB2_12-.Ltmp8, $4  }
0x15f: {  	s18 =	sshll.u32 s17, $0xB  }
0x160: {  	s16 =	sadd.s32 $0x380, s16;
	s20 =	sadd.s32 $0x9, s17;
	s23 =	sadd.s32 $0xFFFFFFFF, s23  }
0x161: {  	s24 =	sadd.s32 $0x800, s24;
	s14 =	sadd.s32 $0x4, s14;
	s18 =	sadd.s32 $0x7800, s18  }
0x162: {  	[tilespmem:s18], [sflag:s20] =	stream.indirect.gather [spmem:s4], $0x10, s16, s26, $0xb8;
	[tilespmem:$0x19540] =	vst v63  }
.LBB2_15:
0x163: {  	_ =	sfence.sel $0x180000  }
0x164: {  	[bflag:$0x0] =	sbarrier.arrive $0xFFFF  }
0x165: {  	_ =	strace $0x90000047  }
0x166: {  	s0 =	stileid.u32;
	[bflag:$0x2] =	sbarrier.arrive $0xFFFF  }
0x167: {  	p0 =	sne.s32 s0, $0x0;
	s0 =	rddreg [dreg:$0x5]  }
0x168: {  	s0 =	sadd.s32 @!p0 $0x100000, s0  }
0x169: {  	[sflag:s0] =	ssyncadd.tile.s32 @!p0 $0x1;
	_ =	shalt  }
.Lfunc_end2:
_tile_overlayer_lowered:
.L_overlay_start_2:
0x16a: {  	(tag) =	ssettag $0x2  }
0x16b: {  	s0 =	rddreg [dreg:$0x0];
	s2 =	stileid.u32  }
0x16c: {  	s1 =	rddreg [dreg:$0x1];
	p0 =	sne.s32 s2, $0x0  }
0x16d: {  	s3 =	rddreg [dreg:$0x2];
	[bflag:$0x3] =	sbarrier.arrive $0xFFFF;
	s2 =	simm.s32 @!p0 $0x1C19  }
0x16e: {  	[timem:s3], [sflag:s2] =	dma.local @!p0 [hbm:s0], s1  }
0x16f: {  	s0 =	simm.s32 @!p0 $0x19  }
0x170: {  	_ =	swait.ge @!p0 [sflag:s0], s1  }
0x171: {  	s1 =	ssub.s32 @!p0 $0x0, s1;
	[sflag:s0] =	ssyncset.done @!p0 $0x0  }
0x172: {  	[sflag:s0] =	ssyncadd.s32 @!p0 s1  }
0x173: {  	[bflag:$0x3] =	sbarrier.arrive $0xFFFF  }
0x174: {  	_ =	shalt  }

</sc_bundles>
